<compile_context>
chip_gen: v7x
topology: tpu7x:2x2x1
jax: 0.10.2.dev20260603
libtpu: 0.0.44.dev20260713+nightly
codegen_flags: <defaults>
</compile_context>

<pallas_src>
import jax
import jax.numpy as jnp
from jax import lax
from jax.experimental import pallas as pl
from jax.experimental.pallas import tpu as pltpu
from jax.experimental.pallas import tpu_sc as plsc

N = 10000
E = 320000
D = 128
ACT = 16
G = N // ACT

NC = 2
NS = 16
NT = NC * NS
CHUNK = 128
CPT = 80
EPT = CPT * CHUNK
EP = NT * EPT
PAD_ROWS = 240
NP = N + PAD_ROWS
RPT = NP // NS
SUPERS = CPT // 2
WSUP = 4

_mesh = plsc.VectorSubcoreMesh(core_axis_name="c", subcore_axis_name="s")


def _deg_body(dst3, out, acc, dstb, ones_v, zbuf, dsem):
    c = lax.axis_index("c")
    s = lax.axis_index("s")
    w = s * NC + c
    o16 = jnp.ones((16,), jnp.float32)
    z16 = jnp.zeros((16,), jnp.float32)
    for jj in range(CHUNK // 16):
        ones_v[pl.ds(jj * 16, 16)] = o16
    for jj in range(RPT // 16):
        zbuf[pl.ds(jj * 16, 16)] = z16
    pltpu.sync_copy(zbuf, acc.at[pl.ds(s * RPT, RPT)])
    plsc.subcore_barrier()
    pltpu.sync_copy(dst3.at[w], dstb)

    def body(t, carry):
        for k in range(8):
            pltpu.async_copy(ones_v, acc.at[dstb.at[t * 8 + k]], dsem, add=True)
        for k in range(8):
            pltpu.make_async_copy(ones_v, acc.at[dstb.at[t * 8 + k]], dsem).wait()
        return carry

    lax.fori_loop(0, CPT // 8, body, 0)
    plsc.subcore_barrier()
    pltpu.sync_copy(acc.at[pl.ds(s * RPT, RPT)], out.at[c, pl.ds(s * RPT, RPT)])


_deg_kernel = pl.kernel(
    _deg_body,
    out_type=jax.ShapeDtypeStruct((NC, NP), jnp.float32),
    mesh=_mesh,
    scratch_types=[
        pltpu.VMEM_SHARED((NP,), jnp.float32),
        pltpu.VMEM((CPT, CHUNK), jnp.int32),
        pltpu.VMEM((CHUNK,), jnp.float32),
        pltpu.VMEM((RPT,), jnp.float32),
        pltpu.SemaphoreType.DMA,
    ],
)


def _agg_body(y_h, src2, dst3, out, acc, srcb, dstw, rows0, rows1,
              gsem0, gsem1, ssem0, ssem1, isem):
    c = lax.axis_index("c")
    s = lax.axis_index("s")
    w = s * NC + c
    z16 = jnp.zeros((16,), jnp.float32)

    def fire_g(it, buf, sem):
        pltpu.async_copy(y_h.at[srcb.at[pl.ds(it * CHUNK, CHUNK)]], buf, sem)

    def wait_g(it, buf, sem):
        pltpu.make_async_copy(y_h.at[srcb.at[pl.ds(it * CHUNK, CHUNK)]], buf,
                              sem).wait()

    def fire_s(it, buf, sem):
        pltpu.async_copy(buf, acc.at[dstw.at[it % 40]], sem, add=True)

    def wait_s(it, buf, sem):
        pltpu.make_async_copy(buf, acc.at[dstw.at[it % 40]], sem).wait()

    pltpu.sync_copy(src2.at[w], srcb)
    fire_g(0, rows1, gsem1)

    def zrow(i, carry):
        for jj in range(D // 16):
            rows0[i, pl.ds(jj * 16, 16)] = z16
        return carry

    lax.fori_loop(0, 16, zrow, 0)
    zsrc = rows0.at[pl.ds(0, 16)]
    for k in range(RPT // 16):
        pltpu.async_copy(zsrc, acc.at[pl.ds(s * RPT + k * 16, 16)], isem)
    for k in range(RPT // 16):
        pltpu.make_async_copy(zsrc, acc.at[pl.ds(s * RPT + k * 16, 16)],
                              isem).wait()
    pltpu.sync_copy(dst3.at[w, pl.ds(0, 40)], dstw)
    plsc.subcore_barrier()

    def body(t, carry):
        it0 = 2 * t
        it1 = it0 + 1

        @pl.when(t > 0)
        def _():
            wait_s(it1 - 2, rows0, ssem0)

        @pl.when(t == SUPERS // 2)
        def _():
            pltpu.sync_copy(dst3.at[w, pl.ds(40, 40)], dstw)

        fire_g(it1, rows0, gsem0)
        wait_g(it0, rows1, gsem1)
        fire_s(it0, rows1, ssem1)
        wait_g(it1, rows0, gsem0)
        wait_s(it0, rows1, ssem1)
        fire_s(it1, rows0, ssem0)

        @pl.when(t < SUPERS - 1)
        def _():
            fire_g(it0 + 2, rows1, gsem1)

        return carry

    lax.fori_loop(0, SUPERS, body, 0)
    wait_s(CPT - 1, rows0, ssem0)
    plsc.subcore_barrier()
    pltpu.sync_copy(acc.at[pl.ds(s * RPT, RPT)], out.at[c, pl.ds(s * RPT, RPT)])


_agg_kernel = pl.kernel(
    _agg_body,
    out_type=jax.ShapeDtypeStruct((NC, NP, D), jnp.float32),
    mesh=_mesh,
    scratch_types=[
        pltpu.VMEM_SHARED((NP, D), jnp.float32),
        pltpu.VMEM((EPT,), jnp.int32),
        pltpu.VMEM((40, CHUNK), jnp.int32),
        pltpu.VMEM((CHUNK, D), jnp.float32),
        pltpu.VMEM((CHUNK, D), jnp.float32),
        pltpu.SemaphoreType.DMA,
        pltpu.SemaphoreType.DMA,
        pltpu.SemaphoreType.DMA,
        pltpu.SemaphoreType.DMA,
        pltpu.SemaphoreType.DMA,
    ],
)


def _pre_body(state_ref, w1_ref, degr_ref, y_ref, dinv_ref):
    deg = degr_ref[0:N] + degr_ref[NP:NP + N] + 1.0
    dinv = lax.rsqrt(deg)
    xw = jnp.dot(state_ref[...], w1_ref[...], preferred_element_type=jnp.float32)
    y_ref[...] = xw * dinv
    dinv_ref[...] = dinv


def _head_body(aggr_ref, y_ref, dinv_ref, state_ref, b1_ref,
               wl1_ref, bl1_ref, wl2_ref, bl2_ref, wl3_ref, bl3_ref, out_ref):
    agg = aggr_ref[0:N] + aggr_ref[NP:NP + N] + y_ref[...]
    t = jnp.maximum(dinv_ref[...] * agg + b1_ref[...], 0.0) + state_ref[...]
    h = jnp.sum(t.reshape(G, ACT, D), axis=1)
    h = jnp.maximum(jnp.dot(h, wl1_ref[...], preferred_element_type=jnp.float32)
                    + bl1_ref[...], 0.0)
    h = jnp.maximum(jnp.dot(h, wl2_ref[...], preferred_element_type=jnp.float32)
                    + bl2_ref[...], 0.0)
    out_ref[...] = jnp.dot(h, wl3_ref[...], preferred_element_type=jnp.float32) \
        + bl3_ref[...]


_tc_params = pltpu.CompilerParams(vmem_limit_bytes=100 * 1024 * 1024)


@jax.jit
def kernel(state, edge_index, W1, b1, Wl1, bl1, Wl2, bl2, Wl3, bl3):
    pad = EP - E
    ar = jnp.arange(pad, dtype=jnp.int32)
    src_p = jnp.concatenate([edge_index[0], ar % 2048])
    dst_p = jnp.concatenate([edge_index[1], N + (ar % PAD_ROWS)])
    src2 = src_p.reshape(NT, EPT)
    dst3 = dst_p.reshape(NT, CPT, CHUNK)

    degp = _deg_kernel(dst3)
    degr = degp.reshape(NC * NP, 1)

    y, dinv = pl.pallas_call(
        _pre_body,
        out_shape=[jax.ShapeDtypeStruct((N, D), jnp.float32),
                   jax.ShapeDtypeStruct((N, 1), jnp.float32)],
        compiler_params=_tc_params,
    )(state, W1, degr)

    aggp = _agg_kernel(y, src2, dst3)
    aggr = aggp.reshape(NC * NP, D)

    out = pl.pallas_call(
        _head_body,
        out_shape=jax.ShapeDtypeStruct((G, 1), jnp.float32),
        compiler_params=_tc_params,
    )(aggr, y, dinv, state, b1.reshape(1, D),
      Wl1, bl1.reshape(1, 64), Wl2, bl2.reshape(1, 64), Wl3, bl3.reshape(1, 1))
    return out[:, 0]

# --- scband reference (transcript-rebuilt; emitter-appended) ---
"""Pipeline reference for scband-vf-1752346657348 (READ-ONLY COPY).

The authoritative reference and input builder live on the scoring server;
editing this copy changes nothing except your own understanding.
"""

import jax, jax.numpy as jnp
import numpy as np

N = 10000
E = 320000
D = 128
ACT = 16


def _glorot(key, shape):
    fan_in = shape[0]
    return (jax.random.normal(key, shape, dtype=jnp.float32) / np.sqrt(fan_in)).astype(jnp.float32)


def setup_inputs(seed: int = 0) -> dict:
    key = jax.random.key(seed)
    ks = jax.random.split(key, 12)
    state = jax.random.normal(ks[0], (N, D), dtype=jnp.float32)
    edge_index = jax.random.randint(ks[1], (2, E), 0, N, dtype=jnp.int32)
    W1 = _glorot(ks[2], (D, D))            # GCNConv weight
    b1 = jnp.zeros((D,), dtype=jnp.float32)
    Wl1 = _glorot(ks[3], (D, 64))
    bl1 = jnp.zeros((64,), dtype=jnp.float32)
    Wl2 = _glorot(ks[4], (64, 64))
    bl2 = jnp.zeros((64,), dtype=jnp.float32)
    Wl3 = _glorot(ks[5], (64, 1))
    bl3 = jnp.zeros((1,), dtype=jnp.float32)
    return {"state": state, "edge_index": edge_index, "W1": W1, "b1": b1,
            "Wl1": Wl1, "bl1": bl1, "Wl2": Wl2, "bl2": bl2, "Wl3": Wl3, "bl3": bl3}


def _gcn_conv(x, edge_index, W, b):
    # torch_geometric GCNConv: add self-loops, sym-normalize, aggregate at dst.
    n = x.shape[0]
    loop = jnp.arange(n, dtype=edge_index.dtype)
    src = jnp.concatenate([edge_index[0], loop])
    dst = jnp.concatenate([edge_index[1], loop])
    deg = jnp.zeros((n,), dtype=jnp.float32).at[dst].add(1.0)
    deg_inv_sqrt = jnp.where(deg > 0, 1.0 / jnp.sqrt(deg), 0.0)
    norm = deg_inv_sqrt[src] * deg_inv_sqrt[dst]
    xw = x @ W
    msg = xw[src] * norm[:, None]
    out = jnp.zeros_like(xw).at[dst].add(msg)
    return out + b


def reference(state, edge_index, W1, b1, Wl1, bl1, Wl2, bl2, Wl3, bl3):
    out = jax.nn.relu(_gcn_conv(state, edge_index, W1, b1))
    x = out + state
    x = x.reshape(-1, ACT, D)
    x = jnp.sum(x, axis=1)
    x = jax.nn.relu(x @ Wl1 + bl1)
    x = jax.nn.relu(x @ Wl2 + bl2)
    x = (x @ Wl3 + bl3)[:, 0]
    return x

if __name__ == "__main__":
    import jax
    _d = setup_inputs()
    print(jax.jit(kernel)(*tuple(_d.values())))

</pallas_src>

<mosaic_0001>
#map = affine_map<(d0, d1) -> (0, 0, 0)>
#map1 = affine_map<(d0, d1) -> (0, 0)>
module attributes {stable_mosaic.version = 14 : i64} {
  func.func @_deg_body(%arg0: i32, %arg1: i32, %arg2: memref<32x80x128xi32, #tpu.memory_space<hbm>>, %arg3: memref<2x10240xf32, #tpu.memory_space<hbm>>, %arg4: memref<10240xf32, #tpu.memory_space<vmem_shared>>, %arg5: memref<80x128xi32, #tpu.memory_space<vmem>>, %arg6: memref<128xf32, #tpu.memory_space<vmem>>, %arg7: memref<640xf32, #tpu.memory_space<vmem>>, %arg8: memref<!tpu.dma_semaphore, #tpu.memory_space<semaphore_mem>>) attributes {dimension_semantics = [#tpu.dimension_semantics<core_parallel>, #tpu.dimension_semantics<subcore_parallel>], iteration_bounds = array<i64: 2, 16>, scalar_prefetch = 0 : i64, scratch_operands = 5 : i64, tpu.core_type = #tpu.core_type<sc_vector_subcore>, window_params = [{transform_indices = #map}, {transform_indices = #map1}]} {
    %mul3A = arith.constant 2 : i32
    %mul3A_0 = arith.muli %arg1, %mul3A : i32
    %add3A = arith.addi %mul3A_0, %arg0 : i32
    %broadcast_in_dim3A = arith.constant 1.000000e+00 : f32
    %broadcast_in_dim3A_1 = vector.broadcast %broadcast_in_dim3A : f32 to vector<16xf32>
    %broadcast_in_dim3A_2 = arith.constant 0.000000e+00 : f32
    %broadcast_in_dim3A_3 = vector.broadcast %broadcast_in_dim3A_2 : f32 to vector<16xf32>
    %swap3A = arith.constant 0 : index
    %swap3A_4 = tpu.vector_load %arg6[%swap3A] {strides = array<i32>} : memref<128xf32, #tpu.memory_space<vmem>>, vector<16xf32>,
    %swap3A_5 = vector.shape_cast %swap3A_4 : vector<16xf32> to vector<16xf32>
    %swap3A_6 = vector.shape_cast %broadcast_in_dim3A_1 : vector<16xf32> to vector<16xf32>
    tpu.vector_store %arg6[%swap3A], %swap3A_6 {strides = array<i32>} : memref<128xf32, #tpu.memory_space<vmem>>, vector<16xf32>,
    %swap3A_7 = arith.constant 16 : index
    %swap3A_8 = tpu.vector_load %arg6[%swap3A_7] {strides = array<i32>} : memref<128xf32, #tpu.memory_space<vmem>>, vector<16xf32>,
    %swap3A_9 = vector.shape_cast %swap3A_8 : vector<16xf32> to vector<16xf32>
    %swap3A_10 = vector.shape_cast %broadcast_in_dim3A_1 : vector<16xf32> to vector<16xf32>
    tpu.vector_store %arg6[%swap3A_7], %swap3A_10 {strides = array<i32>} : memref<128xf32, #tpu.memory_space<vmem>>, vector<16xf32>,
    %swap3A_11 = arith.constant 32 : index
    %swap3A_12 = tpu.vector_load %arg6[%swap3A_11] {strides = array<i32>} : memref<128xf32, #tpu.memory_space<vmem>>, vector<16xf32>,
    %swap3A_13 = vector.shape_cast %swap3A_12 : vector<16xf32> to vector<16xf32>
    %swap3A_14 = vector.shape_cast %broadcast_in_dim3A_1 : vector<16xf32> to vector<16xf32>
    tpu.vector_store %arg6[%swap3A_11], %swap3A_14 {strides = array<i32>} : memref<128xf32, #tpu.memory_space<vmem>>, vector<16xf32>,
    %swap3A_15 = arith.constant 48 : index
    %swap3A_16 = tpu.vector_load %arg6[%swap3A_15] {strides = array<i32>} : memref<128xf32, #tpu.memory_space<vmem>>, vector<16xf32>,
    %swap3A_17 = vector.shape_cast %swap3A_16 : vector<16xf32> to vector<16xf32>
    %swap3A_18 = vector.shape_cast %broadcast_in_dim3A_1 : vector<16xf32> to vector<16xf32>
    tpu.vector_store %arg6[%swap3A_15], %swap3A_18 {strides = array<i32>} : memref<128xf32, #tpu.memory_space<vmem>>, vector<16xf32>,
    %swap3A_19 = arith.constant 64 : index
    %swap3A_20 = tpu.vector_load %arg6[%swap3A_19] {strides = array<i32>} : memref<128xf32, #tpu.memory_space<vmem>>, vector<16xf32>,
    %swap3A_21 = vector.shape_cast %swap3A_20 : vector<16xf32> to vector<16xf32>
    %swap3A_22 = vector.shape_cast %broadcast_in_dim3A_1 : vector<16xf32> to vector<16xf32>
    tpu.vector_store %arg6[%swap3A_19], %swap3A_22 {strides = array<i32>} : memref<128xf32, #tpu.memory_space<vmem>>, vector<16xf32>,
    %swap3A_23 = arith.constant 80 : index
    %swap3A_24 = tpu.vector_load %arg6[%swap3A_23] {strides = array<i32>} : memref<128xf32, #tpu.memory_space<vmem>>, vector<16xf32>,
    %swap3A_25 = vector.shape_cast %swap3A_24 : vector<16xf32> to vector<16xf32>
    %swap3A_26 = vector.shape_cast %broadcast_in_dim3A_1 : vector<16xf32> to vector<16xf32>
    tpu.vector_store %arg6[%swap3A_23], %swap3A_26 {strides = array<i32>} : memref<128xf32, #tpu.memory_space<vmem>>, vector<16xf32>,
    %swap3A_27 = arith.constant 96 : index
    %swap3A_28 = tpu.vector_load %arg6[%swap3A_27] {strides = array<i32>} : memref<128xf32, #tpu.memory_space<vmem>>, vector<16xf32>,
    %swap3A_29 = vector.shape_cast %swap3A_28 : vector<16xf32> to vector<16xf32>
    %swap3A_30 = vector.shape_cast %broadcast_in_dim3A_1 : vector<16xf32> to vector<16xf32>
    tpu.vector_store %arg6[%swap3A_27], %swap3A_30 {strides = array<i32>} : memref<128xf32, #tpu.memory_space<vmem>>, vector<16xf32>,
    %swap3A_31 = arith.constant 112 : index
    %swap3A_32 = tpu.vector_load %arg6[%swap3A_31] {strides = array<i32>} : memref<128xf32, #tpu.memory_space<vmem>>, vector<16xf32>,
    %swap3A_33 = vector.shape_cast %swap3A_32 : vector<16xf32> to vector<16xf32>
    %swap3A_34 = vector.shape_cast %broadcast_in_dim3A_1 : vector<16xf32> to vector<16xf32>
    tpu.vector_store %arg6[%swap3A_31], %swap3A_34 {strides = array<i32>} : memref<128xf32, #tpu.memory_space<vmem>>, vector<16xf32>,
    %swap3A_35 = arith.constant 0 : index
    %swap3A_36 = tpu.vector_load %arg7[%swap3A_35] {strides = array<i32>} : memref<640xf32, #tpu.memory_space<vmem>>, vector<16xf32>,
    %swap3A_37 = vector.shape_cast %swap3A_36 : vector<16xf32> to vector<16xf32>
    %swap3A_38 = vector.shape_cast %broadcast_in_dim3A_3 : vector<16xf32> to vector<16xf32>
    tpu.vector_store %arg7[%swap3A_35], %swap3A_38 {strides = array<i32>} : memref<640xf32, #tpu.memory_space<vmem>>, vector<16xf32>,
    %swap3A_39 = arith.constant 16 : index
    %swap3A_40 = tpu.vector_load %arg7[%swap3A_39] {strides = array<i32>} : memref<640xf32, #tpu.memory_space<vmem>>, vector<16xf32>,
    %swap3A_41 = vector.shape_cast %swap3A_40 : vector<16xf32> to vector<16xf32>
    %swap3A_42 = vector.shape_cast %broadcast_in_dim3A_3 : vector<16xf32> to vector<16xf32>
    tpu.vector_store %arg7[%swap3A_39], %swap3A_42 {strides = array<i32>} : memref<640xf32, #tpu.memory_space<vmem>>, vector<16xf32>,
    %swap3A_43 = arith.constant 32 : index
    %swap3A_44 = tpu.vector_load %arg7[%swap3A_43] {strides = array<i32>} : memref<640xf32, #tpu.memory_space<vmem>>, vector<16xf32>,
    %swap3A_45 = vector.shape_cast %swap3A_44 : vector<16xf32> to vector<16xf32>
    %swap3A_46 = vector.shape_cast %broadcast_in_dim3A_3 : vector<16xf32> to vector<16xf32>
    tpu.vector_store %arg7[%swap3A_43], %swap3A_46 {strides = array<i32>} : memref<640xf32, #tpu.memory_space<vmem>>, vector<16xf32>,
    %swap3A_47 = arith.constant 48 : index
    %swap3A_48 = tpu.vector_load %arg7[%swap3A_47] {strides = array<i32>} : memref<640xf32, #tpu.memory_space<vmem>>, vector<16xf32>,
    %swap3A_49 = vector.shape_cast %swap3A_48 : vector<16xf32> to vector<16xf32>
    %swap3A_50 = vector.shape_cast %broadcast_in_dim3A_3 : vector<16xf32> to vector<16xf32>
    tpu.vector_store %arg7[%swap3A_47], %swap3A_50 {strides = array<i32>} : memref<640xf32, #tpu.memory_space<vmem>>, vector<16xf32>,
    %swap3A_51 = arith.constant 64 : index
    %swap3A_52 = tpu.vector_load %arg7[%swap3A_51] {strides = array<i32>} : memref<640xf32, #tpu.memory_space<vmem>>, vector<16xf32>,
    %swap3A_53 = vector.shape_cast %swap3A_52 : vector<16xf32> to vector<16xf32>
    %swap3A_54 = vector.shape_cast %broadcast_in_dim3A_3 : vector<16xf32> to vector<16xf32>
    tpu.vector_store %arg7[%swap3A_51], %swap3A_54 {strides = array<i32>} : memref<640xf32, #tpu.memory_space<vmem>>, vector<16xf32>,
    %swap3A_55 = arith.constant 80 : index
    %swap3A_56 = tpu.vector_load %arg7[%swap3A_55] {strides = array<i32>} : memref<640xf32, #tpu.memory_space<vmem>>, vector<16xf32>,
    %swap3A_57 = vector.shape_cast %swap3A_56 : vector<16xf32> to vector<16xf32>
    %swap3A_58 = vector.shape_cast %broadcast_in_dim3A_3 : vector<16xf32> to vector<16xf32>
    tpu.vector_store %arg7[%swap3A_55], %swap3A_58 {strides = array<i32>} : memref<640xf32, #tpu.memory_space<vmem>>, vector<16xf32>,
    %swap3A_59 = arith.constant 96 : index
    %swap3A_60 = tpu.vector_load %arg7[%swap3A_59] {strides = array<i32>} : memref<640xf32, #tpu.memory_space<vmem>>, vector<16xf32>,
    %swap3A_61 = vector.shape_cast %swap3A_60 : vector<16xf32> to vector<16xf32>
    %swap3A_62 = vector.shape_cast %broadcast_in_dim3A_3 : vector<16xf32> to vector<16xf32>
    tpu.vector_store %arg7[%swap3A_59], %swap3A_62 {strides = array<i32>} : memref<640xf32, #tpu.memory_space<vmem>>, vector<16xf32>,
    %swap3A_63 = arith.constant 112 : index
    %swap3A_64 = tpu.vector_load %arg7[%swap3A_63] {strides = array<i32>} : memref<640xf32, #tpu.memory_space<vmem>>, vector<16xf32>,
    %swap3A_65 = vector.shape_cast %swap3A_64 : vector<16xf32> to vector<16xf32>
    %swap3A_66 = vector.shape_cast %broadcast_in_dim3A_3 : vector<16xf32> to vector<16xf32>
    tpu.vector_store %arg7[%swap3A_63], %swap3A_66 {strides = array<i32>} : memref<640xf32, #tpu.memory_space<vmem>>, vector<16xf32>,
    %swap3A_67 = arith.constant 128 : index
    %swap3A_68 = tpu.vector_load %arg7[%swap3A_67] {strides = array<i32>} : memref<640xf32, #tpu.memory_space<vmem>>, vector<16xf32>,
    %swap3A_69 = vector.shape_cast %swap3A_68 : vector<16xf32> to vector<16xf32>
    %swap3A_70 = vector.shape_cast %broadcast_in_dim3A_3 : vector<16xf32> to vector<16xf32>
    tpu.vector_store %arg7[%swap3A_67], %swap3A_70 {strides = array<i32>} : memref<640xf32, #tpu.memory_space<vmem>>, vector<16xf32>,
    %swap3A_71 = arith.constant 144 : index
    %swap3A_72 = tpu.vector_load %arg7[%swap3A_71] {strides = array<i32>} : memref<640xf32, #tpu.memory_space<vmem>>, vector<16xf32>,
    %swap3A_73 = vector.shape_cast %swap3A_72 : vector<16xf32> to vector<16xf32>
    %swap3A_74 = vector.shape_cast %broadcast_in_dim3A_3 : vector<16xf32> to vector<16xf32>
    tpu.vector_store %arg7[%swap3A_71], %swap3A_74 {strides = array<i32>} : memref<640xf32, #tpu.memory_space<vmem>>, vector<16xf32>,
    %swap3A_75 = arith.constant 160 : index
    %swap3A_76 = tpu.vector_load %arg7[%swap3A_75] {strides = array<i32>} : memref<640xf32, #tpu.memory_space<vmem>>, vector<16xf32>,
    %swap3A_77 = vector.shape_cast %swap3A_76 : vector<16xf32> to vector<16xf32>
    %swap3A_78 = vector.shape_cast %broadcast_in_dim3A_3 : vector<16xf32> to vector<16xf32>
    tpu.vector_store %arg7[%swap3A_75], %swap3A_78 {strides = array<i32>} : memref<640xf32, #tpu.memory_space<vmem>>, vector<16xf32>,
    %swap3A_79 = arith.constant 176 : index
    %swap3A_80 = tpu.vector_load %arg7[%swap3A_79] {strides = array<i32>} : memref<640xf32, #tpu.memory_space<vmem>>, vector<16xf32>,
    %swap3A_81 = vector.shape_cast %swap3A_80 : vector<16xf32> to vector<16xf32>
    %swap3A_82 = vector.shape_cast %broadcast_in_dim3A_3 : vector<16xf32> to vector<16xf32>
    tpu.vector_store %arg7[%swap3A_79], %swap3A_82 {strides = array<i32>} : memref<640xf32, #tpu.memory_space<vmem>>, vector<16xf32>,
    %swap3A_83 = arith.constant 192 : index
    %swap3A_84 = tpu.vector_load %arg7[%swap3A_83] {strides = array<i32>} : memref<640xf32, #tpu.memory_space<vmem>>, vector<16xf32>,
    %swap3A_85 = vector.shape_cast %swap3A_84 : vector<16xf32> to vector<16xf32>
    %swap3A_86 = vector.shape_cast %broadcast_in_dim3A_3 : vector<16xf32> to vector<16xf32>
    tpu.vector_store %arg7[%swap3A_83], %swap3A_86 {strides = array<i32>} : memref<640xf32, #tpu.memory_space<vmem>>, vector<16xf32>,
    %swap3A_87 = arith.constant 208 : index
    %swap3A_88 = tpu.vector_load %arg7[%swap3A_87] {strides = array<i32>} : memref<640xf32, #tpu.memory_space<vmem>>, vector<16xf32>,
    %swap3A_89 = vector.shape_cast %swap3A_88 : vector<16xf32> to vector<16xf32>
    %swap3A_90 = vector.shape_cast %broadcast_in_dim3A_3 : vector<16xf32> to vector<16xf32>
    tpu.vector_store %arg7[%swap3A_87], %swap3A_90 {strides = array<i32>} : memref<640xf32, #tpu.memory_space<vmem>>, vector<16xf32>,
    %swap3A_91 = arith.constant 224 : index
    %swap3A_92 = tpu.vector_load %arg7[%swap3A_91] {strides = array<i32>} : memref<640xf32, #tpu.memory_space<vmem>>, vector<16xf32>,
    %swap3A_93 = vector.shape_cast %swap3A_92 : vector<16xf32> to vector<16xf32>
    %swap3A_94 = vector.shape_cast %broadcast_in_dim3A_3 : vector<16xf32> to vector<16xf32>
    tpu.vector_store %arg7[%swap3A_91], %swap3A_94 {strides = array<i32>} : memref<640xf32, #tpu.memory_space<vmem>>, vector<16xf32>,
    %swap3A_95 = arith.constant 240 : index
    %swap3A_96 = tpu.vector_load %arg7[%swap3A_95] {strides = array<i32>} : memref<640xf32, #tpu.memory_space<vmem>>, vector<16xf32>,
    %swap3A_97 = vector.shape_cast %swap3A_96 : vector<16xf32> to vector<16xf32>
    %swap3A_98 = vector.shape_cast %broadcast_in_dim3A_3 : vector<16xf32> to vector<16xf32>
    tpu.vector_store %arg7[%swap3A_95], %swap3A_98 {strides = array<i32>} : memref<640xf32, #tpu.memory_space<vmem>>, vector<16xf32>,
    %swap3A_99 = arith.constant 256 : index
    %swap3A_100 = tpu.vector_load %arg7[%swap3A_99] {strides = array<i32>} : memref<640xf32, #tpu.memory_space<vmem>>, vector<16xf32>,
    %swap3A_101 = vector.shape_cast %swap3A_100 : vector<16xf32> to vector<16xf32>
    %swap3A_102 = vector.shape_cast %broadcast_in_dim3A_3 : vector<16xf32> to vector<16xf32>
    tpu.vector_store %arg7[%swap3A_99], %swap3A_102 {strides = array<i32>} : memref<640xf32, #tpu.memory_space<vmem>>, vector<16xf32>,
    %swap3A_103 = arith.constant 272 : index
    %swap3A_104 = tpu.vector_load %arg7[%swap3A_103] {strides = array<i32>} : memref<640xf32, #tpu.memory_space<vmem>>, vector<16xf32>,
    %swap3A_105 = vector.shape_cast %swap3A_104 : vector<16xf32> to vector<16xf32>
    %swap3A_106 = vector.shape_cast %broadcast_in_dim3A_3 : vector<16xf32> to vector<16xf32>
    tpu.vector_store %arg7[%swap3A_103], %swap3A_106 {strides = array<i32>} : memref<640xf32, #tpu.memory_space<vmem>>, vector<16xf32>,
    %swap3A_107 = arith.constant 288 : index
    %swap3A_108 = tpu.vector_load %arg7[%swap3A_107] {strides = array<i32>} : memref<640xf32, #tpu.memory_space<vmem>>, vector<16xf32>,
    %swap3A_109 = vector.shape_cast %swap3A_108 : vector<16xf32> to vector<16xf32>
    %swap3A_110 = vector.shape_cast %broadcast_in_dim3A_3 : vector<16xf32> to vector<16xf32>
    tpu.vector_store %arg7[%swap3A_107], %swap3A_110 {strides = array<i32>} : memref<640xf32, #tpu.memory_space<vmem>>, vector<16xf32>,
    %swap3A_111 = arith.constant 304 : index
    %swap3A_112 = tpu.vector_load %arg7[%swap3A_111] {strides = array<i32>} : memref<640xf32, #tpu.memory_space<vmem>>, vector<16xf32>,
    %swap3A_113 = vector.shape_cast %swap3A_112 : vector<16xf32> to vector<16xf32>
    %swap3A_114 = vector.shape_cast %broadcast_in_dim3A_3 : vector<16xf32> to vector<16xf32>
    tpu.vector_store %arg7[%swap3A_111], %swap3A_114 {strides = array<i32>} : memref<640xf32, #tpu.memory_space<vmem>>, vector<16xf32>,
    %swap3A_115 = arith.constant 320 : index
    %swap3A_116 = tpu.vector_load %arg7[%swap3A_115] {strides = array<i32>} : memref<640xf32, #tpu.memory_space<vmem>>, vector<16xf32>,
    %swap3A_117 = vector.shape_cast %swap3A_116 : vector<16xf32> to vector<16xf32>
    %swap3A_118 = vector.shape_cast %broadcast_in_dim3A_3 : vector<16xf32> to vector<16xf32>
    tpu.vector_store %arg7[%swap3A_115], %swap3A_118 {strides = array<i32>} : memref<640xf32, #tpu.memory_space<vmem>>, vector<16xf32>,
    %swap3A_119 = arith.constant 336 : index
    %swap3A_120 = tpu.vector_load %arg7[%swap3A_119] {strides = array<i32>} : memref<640xf32, #tpu.memory_space<vmem>>, vector<16xf32>,
    %swap3A_121 = vector.shape_cast %swap3A_120 : vector<16xf32> to vector<16xf32>
    %swap3A_122 = vector.shape_cast %broadcast_in_dim3A_3 : vector<16xf32> to vector<16xf32>
    tpu.vector_store %arg7[%swap3A_119], %swap3A_122 {strides = array<i32>} : memref<640xf32, #tpu.memory_space<vmem>>, vector<16xf32>,
    %swap3A_123 = arith.constant 352 : index
    %swap3A_124 = tpu.vector_load %arg7[%swap3A_123] {strides = array<i32>} : memref<640xf32, #tpu.memory_space<vmem>>, vector<16xf32>,
    %swap3A_125 = vector.shape_cast %swap3A_124 : vector<16xf32> to vector<16xf32>
    %swap3A_126 = vector.shape_cast %broadcast_in_dim3A_3 : vector<16xf32> to vector<16xf32>
    tpu.vector_store %arg7[%swap3A_123], %swap3A_126 {strides = array<i32>} : memref<640xf32, #tpu.memory_space<vmem>>, vector<16xf32>,
    %swap3A_127 = arith.constant 368 : index
    %swap3A_128 = tpu.vector_load %arg7[%swap3A_127] {strides = array<i32>} : memref<640xf32, #tpu.memory_space<vmem>>, vector<16xf32>,
    %swap3A_129 = vector.shape_cast %swap3A_128 : vector<16xf32> to vector<16xf32>
    %swap3A_130 = vector.shape_cast %broadcast_in_dim3A_3 : vector<16xf32> to vector<16xf32>
    tpu.vector_store %arg7[%swap3A_127], %swap3A_130 {strides = array<i32>} : memref<640xf32, #tpu.memory_space<vmem>>, vector<16xf32>,
    %swap3A_131 = arith.constant 384 : index
    %swap3A_132 = tpu.vector_load %arg7[%swap3A_131] {strides = array<i32>} : memref<640xf32, #tpu.memory_space<vmem>>, vector<16xf32>,
    %swap3A_133 = vector.shape_cast %swap3A_132 : vector<16xf32> to vector<16xf32>
    %swap3A_134 = vector.shape_cast %broadcast_in_dim3A_3 : vector<16xf32> to vector<16xf32>
    tpu.vector_store %arg7[%swap3A_131], %swap3A_134 {strides = array<i32>} : memref<640xf32, #tpu.memory_space<vmem>>, vector<16xf32>,
    %swap3A_135 = arith.constant 400 : index
    %swap3A_136 = tpu.vector_load %arg7[%swap3A_135] {strides = array<i32>} : memref<640xf32, #tpu.memory_space<vmem>>, vector<16xf32>,
    %swap3A_137 = vector.shape_cast %swap3A_136 : vector<16xf32> to vector<16xf32>
    %swap3A_138 = vector.shape_cast %broadcast_in_dim3A_3 : vector<16xf32> to vector<16xf32>
    tpu.vector_store %arg7[%swap3A_135], %swap3A_138 {strides = array<i32>} : memref<640xf32, #tpu.memory_space<vmem>>, vector<16xf32>,
    %swap3A_139 = arith.constant 416 : index
    %swap3A_140 = tpu.vector_load %arg7[%swap3A_139] {strides = array<i32>} : memref<640xf32, #tpu.memory_space<vmem>>, vector<16xf32>,
    %swap3A_141 = vector.shape_cast %swap3A_140 : vector<16xf32> to vector<16xf32>
    %swap3A_142 = vector.shape_cast %broadcast_in_dim3A_3 : vector<16xf32> to vector<16xf32>
    tpu.vector_store %arg7[%swap3A_139], %swap3A_142 {strides = array<i32>} : memref<640xf32, #tpu.memory_space<vmem>>, vector<16xf32>,
    %swap3A_143 = arith.constant 432 : index
    %swap3A_144 = tpu.vector_load %arg7[%swap3A_143] {strides = array<i32>} : memref<640xf32, #tpu.memory_space<vmem>>, vector<16xf32>,
    %swap3A_145 = vector.shape_cast %swap3A_144 : vector<16xf32> to vector<16xf32>
    %swap3A_146 = vector.shape_cast %broadcast_in_dim3A_3 : vector<16xf32> to vector<16xf32>
    tpu.vector_store %arg7[%swap3A_143], %swap3A_146 {strides = array<i32>} : memref<640xf32, #tpu.memory_space<vmem>>, vector<16xf32>,
    %swap3A_147 = arith.constant 448 : index
    %swap3A_148 = tpu.vector_load %arg7[%swap3A_147] {strides = array<i32>} : memref<640xf32, #tpu.memory_space<vmem>>, vector<16xf32>,
    %swap3A_149 = vector.shape_cast %swap3A_148 : vector<16xf32> to vector<16xf32>
    %swap3A_150 = vector.shape_cast %broadcast_in_dim3A_3 : vector<16xf32> to vector<16xf32>
    tpu.vector_store %arg7[%swap3A_147], %swap3A_150 {strides = array<i32>} : memref<640xf32, #tpu.memory_space<vmem>>, vector<16xf32>,
    %swap3A_151 = arith.constant 464 : index
    %swap3A_152 = tpu.vector_load %arg7[%swap3A_151] {strides = array<i32>} : memref<640xf32, #tpu.memory_space<vmem>>, vector<16xf32>,
    %swap3A_153 = vector.shape_cast %swap3A_152 : vector<16xf32> to vector<16xf32>
    %swap3A_154 = vector.shape_cast %broadcast_in_dim3A_3 : vector<16xf32> to vector<16xf32>
    tpu.vector_store %arg7[%swap3A_151], %swap3A_154 {strides = array<i32>} : memref<640xf32, #tpu.memory_space<vmem>>, vector<16xf32>,
    %swap3A_155 = arith.constant 480 : index
    %swap3A_156 = tpu.vector_load %arg7[%swap3A_155] {strides = array<i32>} : memref<640xf32, #tpu.memory_space<vmem>>, vector<16xf32>,
    %swap3A_157 = vector.shape_cast %swap3A_156 : vector<16xf32> to vector<16xf32>
    %swap3A_158 = vector.shape_cast %broadcast_in_dim3A_3 : vector<16xf32> to vector<16xf32>
    tpu.vector_store %arg7[%swap3A_155], %swap3A_158 {strides = array<i32>} : memref<640xf32, #tpu.memory_space<vmem>>, vector<16xf32>,
    %swap3A_159 = arith.constant 496 : index
    %swap3A_160 = tpu.vector_load %arg7[%swap3A_159] {strides = array<i32>} : memref<640xf32, #tpu.memory_space<vmem>>, vector<16xf32>,
    %swap3A_161 = vector.shape_cast %swap3A_160 : vector<16xf32> to vector<16xf32>
    %swap3A_162 = vector.shape_cast %broadcast_in_dim3A_3 : vector<16xf32> to vector<16xf32>
    tpu.vector_store %arg7[%swap3A_159], %swap3A_162 {strides = array<i32>} : memref<640xf32, #tpu.memory_space<vmem>>, vector<16xf32>,
    %swap3A_163 = arith.constant 512 : index
    %swap3A_164 = tpu.vector_load %arg7[%swap3A_163] {strides = array<i32>} : memref<640xf32, #tpu.memory_space<vmem>>, vector<16xf32>,
    %swap3A_165 = vector.shape_cast %swap3A_164 : vector<16xf32> to vector<16xf32>
    %swap3A_166 = vector.shape_cast %broadcast_in_dim3A_3 : vector<16xf32> to vector<16xf32>
    tpu.vector_store %arg7[%swap3A_163], %swap3A_166 {strides = array<i32>} : memref<640xf32, #tpu.memory_space<vmem>>, vector<16xf32>,
    %swap3A_167 = arith.constant 528 : index
    %swap3A_168 = tpu.vector_load %arg7[%swap3A_167] {strides = array<i32>} : memref<640xf32, #tpu.memory_space<vmem>>, vector<16xf32>,
    %swap3A_169 = vector.shape_cast %swap3A_168 : vector<16xf32> to vector<16xf32>
    %swap3A_170 = vector.shape_cast %broadcast_in_dim3A_3 : vector<16xf32> to vector<16xf32>
    tpu.vector_store %arg7[%swap3A_167], %swap3A_170 {strides = array<i32>} : memref<640xf32, #tpu.memory_space<vmem>>, vector<16xf32>,
    %swap3A_171 = arith.constant 544 : index
    %swap3A_172 = tpu.vector_load %arg7[%swap3A_171] {strides = array<i32>} : memref<640xf32, #tpu.memory_space<vmem>>, vector<16xf32>,
    %swap3A_173 = vector.shape_cast %swap3A_172 : vector<16xf32> to vector<16xf32>
    %swap3A_174 = vector.shape_cast %broadcast_in_dim3A_3 : vector<16xf32> to vector<16xf32>
    tpu.vector_store %arg7[%swap3A_171], %swap3A_174 {strides = array<i32>} : memref<640xf32, #tpu.memory_space<vmem>>, vector<16xf32>,
    %swap3A_175 = arith.constant 560 : index
    %swap3A_176 = tpu.vector_load %arg7[%swap3A_175] {strides = array<i32>} : memref<640xf32, #tpu.memory_space<vmem>>, vector<16xf32>,
    %swap3A_177 = vector.shape_cast %swap3A_176 : vector<16xf32> to vector<16xf32>
    %swap3A_178 = vector.shape_cast %broadcast_in_dim3A_3 : vector<16xf32> to vector<16xf32>
    tpu.vector_store %arg7[%swap3A_175], %swap3A_178 {strides = array<i32>} : memref<640xf32, #tpu.memory_space<vmem>>, vector<16xf32>,
    %swap3A_179 = arith.constant 576 : index
    %swap3A_180 = tpu.vector_load %arg7[%swap3A_179] {strides = array<i32>} : memref<640xf32, #tpu.memory_space<vmem>>, vector<16xf32>,
    %swap3A_181 = vector.shape_cast %swap3A_180 : vector<16xf32> to vector<16xf32>
    %swap3A_182 = vector.shape_cast %broadcast_in_dim3A_3 : vector<16xf32> to vector<16xf32>
    tpu.vector_store %arg7[%swap3A_179], %swap3A_182 {strides = array<i32>} : memref<640xf32, #tpu.memory_space<vmem>>, vector<16xf32>,
    %swap3A_183 = arith.constant 592 : index
    %swap3A_184 = tpu.vector_load %arg7[%swap3A_183] {strides = array<i32>} : memref<640xf32, #tpu.memory_space<vmem>>, vector<16xf32>,
    %swap3A_185 = vector.shape_cast %swap3A_184 : vector<16xf32> to vector<16xf32>
    %swap3A_186 = vector.shape_cast %broadcast_in_dim3A_3 : vector<16xf32> to vector<16xf32>
    tpu.vector_store %arg7[%swap3A_183], %swap3A_186 {strides = array<i32>} : memref<640xf32, #tpu.memory_space<vmem>>, vector<16xf32>,
    %swap3A_187 = arith.constant 608 : index
    %swap3A_188 = tpu.vector_load %arg7[%swap3A_187] {strides = array<i32>} : memref<640xf32, #tpu.memory_space<vmem>>, vector<16xf32>,
    %swap3A_189 = vector.shape_cast %swap3A_188 : vector<16xf32> to vector<16xf32>
    %swap3A_190 = vector.shape_cast %broadcast_in_dim3A_3 : vector<16xf32> to vector<16xf32>
    tpu.vector_store %arg7[%swap3A_187], %swap3A_190 {strides = array<i32>} : memref<640xf32, #tpu.memory_space<vmem>>, vector<16xf32>,
    %swap3A_191 = arith.constant 624 : index
    %swap3A_192 = tpu.vector_load %arg7[%swap3A_191] {strides = array<i32>} : memref<640xf32, #tpu.memory_space<vmem>>, vector<16xf32>,
    %swap3A_193 = vector.shape_cast %swap3A_192 : vector<16xf32> to vector<16xf32>
    %swap3A_194 = vector.shape_cast %broadcast_in_dim3A_3 : vector<16xf32> to vector<16xf32>
    tpu.vector_store %arg7[%swap3A_191], %swap3A_194 {strides = array<i32>} : memref<640xf32, #tpu.memory_space<vmem>>, vector<16xf32>,
    %mul3A_195 = arith.constant 640 : i32
    %mul3A_196 = arith.muli %arg1, %mul3A_195 : i32
    "tpu.region"() ({
      %run_scoped3A = tpu.sem_alloc : memref<!tpu.dma_semaphore, #tpu.memory_space<semaphore_mem>>
      %dma_start3A = tpu.memref_slice %arg4[%mul3A_196] : memref<10240xf32, #tpu.memory_space<vmem_shared>> -> memref<640xf32, #tpu.memory_space<vmem_shared>>
      %dma_start3A_207 = tpu.memref_slice %arg4[%mul3A_196] : memref<10240xf32, #tpu.memory_space<vmem_shared>> -> memref<640xf32, #tpu.memory_space<vmem_shared>>
      tpu.enqueue_dma source(%arg7 : memref<640xf32, #tpu.memory_space<vmem>>) target(%dma_start3A_207 : memref<640xf32, #tpu.memory_space<vmem_shared>>) target_semaphore(%run_scoped3A : memref<!tpu.dma_semaphore, #tpu.memory_space<semaphore_mem>>)
      %dma_wait3A = tpu.memref_slice %arg4[%mul3A_196] : memref<10240xf32, #tpu.memory_space<vmem_shared>> -> memref<640xf32, #tpu.memory_space<vmem_shared>>
      %dma_wait3A_208 = tpu.memref_slice %arg4[%mul3A_196] : memref<10240xf32, #tpu.memory_space<vmem_shared>> -> memref<640xf32, #tpu.memory_space<vmem_shared>>
      tpu.wait_dma2 semaphore(%run_scoped3A : memref<!tpu.dma_semaphore, #tpu.memory_space<semaphore_mem>>) src(%arg7 : memref<640xf32, #tpu.memory_space<vmem>>) dst(%dma_wait3A_208 : memref<640xf32, #tpu.memory_space<vmem_shared>>)
      tpu.yield
    }) : () -> ()
    %barrier3A = arith.constant 0 : index
    tpu.barrier barrier_id(%barrier3A)
    "tpu.region"() ({
      %run_scoped3A = tpu.sem_alloc : memref<!tpu.dma_semaphore, #tpu.memory_space<semaphore_mem>>
      %dma_start3A = arith.constant 0 : i32
      %dma_start3A_207 = arith.constant 0 : i32
      %dma_start3A_208 = tpu.memref_slice %arg2[%add3A, %dma_start3A, %dma_start3A_207] : memref<32x80x128xi32, #tpu.memory_space<hbm>> -> memref<1x80x128xi32, #tpu.memory_space<hbm>>
      %dma_start3A_209 = tpu.memref_squeeze %dma_start3A_208 : memref<1x80x128xi32, #tpu.memory_space<hbm>> -> memref<80x128xi32, #tpu.memory_space<hbm>>
      %dma_start3A_210 = arith.constant 0 : i32
      %dma_start3A_211 = arith.constant 0 : i32
      %dma_start3A_212 = tpu.memref_slice %arg2[%add3A, %dma_start3A_210, %dma_start3A_211] : memref<32x80x128xi32, #tpu.memory_space<hbm>> -> memref<1x80x128xi32, #tpu.memory_space<hbm>>
      %dma_start3A_213 = tpu.memref_squeeze %dma_start3A_212 : memref<1x80x128xi32, #tpu.memory_space<hbm>> -> memref<80x128xi32, #tpu.memory_space<hbm>>
      tpu.enqueue_dma source(%dma_start3A_213 : memref<80x128xi32, #tpu.memory_space<hbm>>) target(%arg5 : memref<80x128xi32, #tpu.memory_space<vmem>>) target_semaphore(%run_scoped3A : memref<!tpu.dma_semaphore, #tpu.memory_space<semaphore_mem>>)
      %dma_wait3A = arith.constant 0 : i32
      %dma_wait3A_214 = arith.constant 0 : i32
      %dma_wait3A_215 = tpu.memref_slice %arg2[%add3A, %dma_wait3A, %dma_wait3A_214] : memref<32x80x128xi32, #tpu.memory_space<hbm>> -> memref<1x80x128xi32, #tpu.memory_space<hbm>>
      %dma_wait3A_216 = tpu.memref_squeeze %dma_wait3A_215 : memref<1x80x128xi32, #tpu.memory_space<hbm>> -> memref<80x128xi32, #tpu.memory_space<hbm>>
      %dma_wait3A_217 = arith.constant 0 : i32
      %dma_wait3A_218 = arith.constant 0 : i32
      %dma_wait3A_219 = tpu.memref_slice %arg2[%add3A, %dma_wait3A_217, %dma_wait3A_218] : memref<32x80x128xi32, #tpu.memory_space<hbm>> -> memref<1x80x128xi32, #tpu.memory_space<hbm>>
      %dma_wait3A_220 = tpu.memref_squeeze %dma_wait3A_219 : memref<1x80x128xi32, #tpu.memory_space<hbm>> -> memref<80x128xi32, #tpu.memory_space<hbm>>
      tpu.wait_dma2 semaphore(%run_scoped3A : memref<!tpu.dma_semaphore, #tpu.memory_space<semaphore_mem>>) src(%dma_wait3A_220 : memref<80x128xi32, #tpu.memory_space<hbm>>) dst(%arg5 : memref<80x128xi32, #tpu.memory_space<vmem>>)
      tpu.yield
    }) : () -> ()
    %scan3A = arith.constant 0 : i32
    %scan3A_197 = arith.constant 0 : i32
    %scan3A_198 = arith.constant 10 : i32
    %scan3A_199 = arith.addi %scan3A_197, %scan3A_198 : i32
    %scan3A_200 = arith.constant 1 : i32
    scf.for %scan3A_207 = %scan3A_197 to %scan3A_199 step %scan3A_200  : i32 {
      %mul3A_208 = arith.constant 8 : i32
      %mul3A_209 = arith.muli %scan3A_207, %mul3A_208 : i32
      %add3A_210 = arith.constant 0 : i32
      %add3A_211 = arith.addi %mul3A_209, %add3A_210 : i32
      %dma_start3A = arith.constant 0 : i32
      %dma_start3A_212 = tpu.memref_slice %arg5[%add3A_211, %dma_start3A] : memref<80x128xi32, #tpu.memory_space<vmem>> -> memref<1x128xi32, #tpu.memory_space<vmem>>
      %dma_start3A_213 = tpu.memref_squeeze %dma_start3A_212 : memref<1x128xi32, #tpu.memory_space<vmem>> -> memref<128xi32, #tpu.memory_space<vmem>>
      %dma_start3A_214 = arith.constant 0 : i32
      %dma_start3A_215 = tpu.memref_slice %arg4[%dma_start3A_214] : memref<10240xf32, #tpu.memory_space<vmem_shared>> -> memref<10240xf32, #tpu.memory_space<vmem_shared>>
      tpu.enqueue_indirect_dma source(%arg6 : memref<128xf32, #tpu.memory_space<vmem>>) target(%dma_start3A_215 : memref<10240xf32, #tpu.memory_space<vmem_shared>>) offsets(%dma_start3A_213 : memref<128xi32, #tpu.memory_space<vmem>>) semaphore(%arg8 : memref<!tpu.dma_semaphore, #tpu.memory_space<semaphore_mem>>) {add = true}
      %mul3A_216 = arith.constant 8 : i32
      %mul3A_217 = arith.muli %scan3A_207, %mul3A_216 : i32
      %add3A_218 = arith.constant 1 : i32
      %add3A_219 = arith.addi %mul3A_217, %add3A_218 : i32
      %dma_start3A_220 = arith.constant 0 : i32
      %dma_start3A_221 = tpu.memref_slice %arg5[%add3A_219, %dma_start3A_220] : memref<80x128xi32, #tpu.memory_space<vmem>> -> memref<1x128xi32, #tpu.memory_space<vmem>>
      %dma_start3A_222 = tpu.memref_squeeze %dma_start3A_221 : memref<1x128xi32, #tpu.memory_space<vmem>> -> memref<128xi32, #tpu.memory_space<vmem>>
      %dma_start3A_223 = arith.constant 0 : i32
      %dma_start3A_224 = tpu.memref_slice %arg4[%dma_start3A_223] : memref<10240xf32, #tpu.memory_space<vmem_shared>> -> memref<10240xf32, #tpu.memory_space<vmem_shared>>
      tpu.enqueue_indirect_dma source(%arg6 : memref<128xf32, #tpu.memory_space<vmem>>) target(%dma_start3A_224 : memref<10240xf32, #tpu.memory_space<vmem_shared>>) offsets(%dma_start3A_222 : memref<128xi32, #tpu.memory_space<vmem>>) semaphore(%arg8 : memref<!tpu.dma_semaphore, #tpu.memory_space<semaphore_mem>>) {add = true}
      %mul3A_225 = arith.constant 8 : i32
      %mul3A_226 = arith.muli %scan3A_207, %mul3A_225 : i32
      %add3A_227 = arith.constant 2 : i32
      %add3A_228 = arith.addi %mul3A_226, %add3A_227 : i32
      %dma_start3A_229 = arith.constant 0 : i32
      %dma_start3A_230 = tpu.memref_slice %arg5[%add3A_228, %dma_start3A_229] : memref<80x128xi32, #tpu.memory_space<vmem>> -> memref<1x128xi32, #tpu.memory_space<vmem>>
      %dma_start3A_231 = tpu.memref_squeeze %dma_start3A_230 : memref<1x128xi32, #tpu.memory_space<vmem>> -> memref<128xi32, #tpu.memory_space<vmem>>
      %dma_start3A_232 = arith.constant 0 : i32
      %dma_start3A_233 = tpu.memref_slice %arg4[%dma_start3A_232] : memref<10240xf32, #tpu.memory_space<vmem_shared>> -> memref<10240xf32, #tpu.memory_space<vmem_shared>>
      tpu.enqueue_indirect_dma source(%arg6 : memref<128xf32, #tpu.memory_space<vmem>>) target(%dma_start3A_233 : memref<10240xf32, #tpu.memory_space<vmem_shared>>) offsets(%dma_start3A_231 : memref<128xi32, #tpu.memory_space<vmem>>) semaphore(%arg8 : memref<!tpu.dma_semaphore, #tpu.memory_space<semaphore_mem>>) {add = true}
      %mul3A_234 = arith.constant 8 : i32
      %mul3A_235 = arith.muli %scan3A_207, %mul3A_234 : i32
      %add3A_236 = arith.constant 3 : i32
      %add3A_237 = arith.addi %mul3A_235, %add3A_236 : i32
      %dma_start3A_238 = arith.constant 0 : i32
      %dma_start3A_239 = tpu.memref_slice %arg5[%add3A_237, %dma_start3A_238] : memref<80x128xi32, #tpu.memory_space<vmem>> -> memref<1x128xi32, #tpu.memory_space<vmem>>
      %dma_start3A_240 = tpu.memref_squeeze %dma_start3A_239 : memref<1x128xi32, #tpu.memory_space<vmem>> -> memref<128xi32, #tpu.memory_space<vmem>>
      %dma_start3A_241 = arith.constant 0 : i32
      %dma_start3A_242 = tpu.memref_slice %arg4[%dma_start3A_241] : memref<10240xf32, #tpu.memory_space<vmem_shared>> -> memref<10240xf32, #tpu.memory_space<vmem_shared>>
      tpu.enqueue_indirect_dma source(%arg6 : memref<128xf32, #tpu.memory_space<vmem>>) target(%dma_start3A_242 : memref<10240xf32, #tpu.memory_space<vmem_shared>>) offsets(%dma_start3A_240 : memref<128xi32, #tpu.memory_space<vmem>>) semaphore(%arg8 : memref<!tpu.dma_semaphore, #tpu.memory_space<semaphore_mem>>) {add = true}
      %mul3A_243 = arith.constant 8 : i32
      %mul3A_244 = arith.muli %scan3A_207, %mul3A_243 : i32
      %add3A_245 = arith.constant 4 : i32
      %add3A_246 = arith.addi %mul3A_244, %add3A_245 : i32
      %dma_start3A_247 = arith.constant 0 : i32
      %dma_start3A_248 = tpu.memref_slice %arg5[%add3A_246, %dma_start3A_247] : memref<80x128xi32, #tpu.memory_space<vmem>> -> memref<1x128xi32, #tpu.memory_space<vmem>>
      %dma_start3A_249 = tpu.memref_squeeze %dma_start3A_248 : memref<1x128xi32, #tpu.memory_space<vmem>> -> memref<128xi32, #tpu.memory_space<vmem>>
      %dma_start3A_250 = arith.constant 0 : i32
      %dma_start3A_251 = tpu.memref_slice %arg4[%dma_start3A_250] : memref<10240xf32, #tpu.memory_space<vmem_shared>> -> memref<10240xf32, #tpu.memory_space<vmem_shared>>
      tpu.enqueue_indirect_dma source(%arg6 : memref<128xf32, #tpu.memory_space<vmem>>) target(%dma_start3A_251 : memref<10240xf32, #tpu.memory_space<vmem_shared>>) offsets(%dma_start3A_249 : memref<128xi32, #tpu.memory_space<vmem>>) semaphore(%arg8 : memref<!tpu.dma_semaphore, #tpu.memory_space<semaphore_mem>>) {add = true}
      %mul3A_252 = arith.constant 8 : i32
      %mul3A_253 = arith.muli %scan3A_207, %mul3A_252 : i32
      %add3A_254 = arith.constant 5 : i32
      %add3A_255 = arith.addi %mul3A_253, %add3A_254 : i32
      %dma_start3A_256 = arith.constant 0 : i32
      %dma_start3A_257 = tpu.memref_slice %arg5[%add3A_255, %dma_start3A_256] : memref<80x128xi32, #tpu.memory_space<vmem>> -> memref<1x128xi32, #tpu.memory_space<vmem>>
      %dma_start3A_258 = tpu.memref_squeeze %dma_start3A_257 : memref<1x128xi32, #tpu.memory_space<vmem>> -> memref<128xi32, #tpu.memory_space<vmem>>
      %dma_start3A_259 = arith.constant 0 : i32
      %dma_start3A_260 = tpu.memref_slice %arg4[%dma_start3A_259] : memref<10240xf32, #tpu.memory_space<vmem_shared>> -> memref<10240xf32, #tpu.memory_space<vmem_shared>>
      tpu.enqueue_indirect_dma source(%arg6 : memref<128xf32, #tpu.memory_space<vmem>>) target(%dma_start3A_260 : memref<10240xf32, #tpu.memory_space<vmem_shared>>) offsets(%dma_start3A_258 : memref<128xi32, #tpu.memory_space<vmem>>) semaphore(%arg8 : memref<!tpu.dma_semaphore, #tpu.memory_space<semaphore_mem>>) {add = true}
      %mul3A_261 = arith.constant 8 : i32
      %mul3A_262 = arith.muli %scan3A_207, %mul3A_261 : i32
      %add3A_263 = arith.constant 6 : i32
      %add3A_264 = arith.addi %mul3A_262, %add3A_263 : i32
      %dma_start3A_265 = arith.constant 0 : i32
      %dma_start3A_266 = tpu.memref_slice %arg5[%add3A_264, %dma_start3A_265] : memref<80x128xi32, #tpu.memory_space<vmem>> -> memref<1x128xi32, #tpu.memory_space<vmem>>
      %dma_start3A_267 = tpu.memref_squeeze %dma_start3A_266 : memref<1x128xi32, #tpu.memory_space<vmem>> -> memref<128xi32, #tpu.memory_space<vmem>>
      %dma_start3A_268 = arith.constant 0 : i32
      %dma_start3A_269 = tpu.memref_slice %arg4[%dma_start3A_268] : memref<10240xf32, #tpu.memory_space<vmem_shared>> -> memref<10240xf32, #tpu.memory_space<vmem_shared>>
      tpu.enqueue_indirect_dma source(%arg6 : memref<128xf32, #tpu.memory_space<vmem>>) target(%dma_start3A_269 : memref<10240xf32, #tpu.memory_space<vmem_shared>>) offsets(%dma_start3A_267 : memref<128xi32, #tpu.memory_space<vmem>>) semaphore(%arg8 : memref<!tpu.dma_semaphore, #tpu.memory_space<semaphore_mem>>) {add = true}
      %mul3A_270 = arith.constant 8 : i32
      %mul3A_271 = arith.muli %scan3A_207, %mul3A_270 : i32
      %add3A_272 = arith.constant 7 : i32
      %add3A_273 = arith.addi %mul3A_271, %add3A_272 : i32
      %dma_start3A_274 = arith.constant 0 : i32
      %dma_start3A_275 = tpu.memref_slice %arg5[%add3A_273, %dma_start3A_274] : memref<80x128xi32, #tpu.memory_space<vmem>> -> memref<1x128xi32, #tpu.memory_space<vmem>>
      %dma_start3A_276 = tpu.memref_squeeze %dma_start3A_275 : memref<1x128xi32, #tpu.memory_space<vmem>> -> memref<128xi32, #tpu.memory_space<vmem>>
      %dma_start3A_277 = arith.constant 0 : i32
      %dma_start3A_278 = tpu.memref_slice %arg4[%dma_start3A_277] : memref<10240xf32, #tpu.memory_space<vmem_shared>> -> memref<10240xf32, #tpu.memory_space<vmem_shared>>
      tpu.enqueue_indirect_dma source(%arg6 : memref<128xf32, #tpu.memory_space<vmem>>) target(%dma_start3A_278 : memref<10240xf32, #tpu.memory_space<vmem_shared>>) offsets(%dma_start3A_276 : memref<128xi32, #tpu.memory_space<vmem>>) semaphore(%arg8 : memref<!tpu.dma_semaphore, #tpu.memory_space<semaphore_mem>>) {add = true}
      %mul3A_279 = arith.constant 8 : i32
      %mul3A_280 = arith.muli %scan3A_207, %mul3A_279 : i32
      %add3A_281 = arith.constant 0 : i32
      %add3A_282 = arith.addi %mul3A_280, %add3A_281 : i32
      %dma_wait3A = arith.constant 0 : i32
      %dma_wait3A_283 = tpu.memref_slice %arg5[%add3A_282, %dma_wait3A] : memref<80x128xi32, #tpu.memory_space<vmem>> -> memref<1x128xi32, #tpu.memory_space<vmem>>
      %dma_wait3A_284 = tpu.memref_squeeze %dma_wait3A_283 : memref<1x128xi32, #tpu.memory_space<vmem>> -> memref<128xi32, #tpu.memory_space<vmem>>
      %dma_wait3A_285 = arith.constant 0 : i32
      %dma_wait3A_286 = tpu.memref_slice %arg4[%dma_wait3A_285] : memref<10240xf32, #tpu.memory_space<vmem_shared>> -> memref<10240xf32, #tpu.memory_space<vmem_shared>>
      tpu.wait_indirect_dma semaphore(%arg8 : memref<!tpu.dma_semaphore, #tpu.memory_space<semaphore_mem>>) src(%arg6 : memref<128xf32, #tpu.memory_space<vmem>>) dst(%dma_wait3A_286 : memref<10240xf32, #tpu.memory_space<vmem_shared>>)
      %mul3A_287 = arith.constant 8 : i32
      %mul3A_288 = arith.muli %scan3A_207, %mul3A_287 : i32
      %add3A_289 = arith.constant 1 : i32
      %add3A_290 = arith.addi %mul3A_288, %add3A_289 : i32
      %dma_wait3A_291 = arith.constant 0 : i32
      %dma_wait3A_292 = tpu.memref_slice %arg5[%add3A_290, %dma_wait3A_291] : memref<80x128xi32, #tpu.memory_space<vmem>> -> memref<1x128xi32, #tpu.memory_space<vmem>>
      %dma_wait3A_293 = tpu.memref_squeeze %dma_wait3A_292 : memref<1x128xi32, #tpu.memory_space<vmem>> -> memref<128xi32, #tpu.memory_space<vmem>>
      %dma_wait3A_294 = arith.constant 0 : i32
      %dma_wait3A_295 = tpu.memref_slice %arg4[%dma_wait3A_294] : memref<10240xf32, #tpu.memory_space<vmem_shared>> -> memref<10240xf32, #tpu.memory_space<vmem_shared>>
      tpu.wait_indirect_dma semaphore(%arg8 : memref<!tpu.dma_semaphore, #tpu.memory_space<semaphore_mem>>) src(%arg6 : memref<128xf32, #tpu.memory_space<vmem>>) dst(%dma_wait3A_295 : memref<10240xf32, #tpu.memory_space<vmem_shared>>)
      %mul3A_296 = arith.constant 8 : i32
      %mul3A_297 = arith.muli %scan3A_207, %mul3A_296 : i32
      %add3A_298 = arith.constant 2 : i32
      %add3A_299 = arith.addi %mul3A_297, %add3A_298 : i32
      %dma_wait3A_300 = arith.constant 0 : i32
      %dma_wait3A_301 = tpu.memref_slice %arg5[%add3A_299, %dma_wait3A_300] : memref<80x128xi32, #tpu.memory_space<vmem>> -> memref<1x128xi32, #tpu.memory_space<vmem>>
      %dma_wait3A_302 = tpu.memref_squeeze %dma_wait3A_301 : memref<1x128xi32, #tpu.memory_space<vmem>> -> memref<128xi32, #tpu.memory_space<vmem>>
      %dma_wait3A_303 = arith.constant 0 : i32
      %dma_wait3A_304 = tpu.memref_slice %arg4[%dma_wait3A_303] : memref<10240xf32, #tpu.memory_space<vmem_shared>> -> memref<10240xf32, #tpu.memory_space<vmem_shared>>
      tpu.wait_indirect_dma semaphore(%arg8 : memref<!tpu.dma_semaphore, #tpu.memory_space<semaphore_mem>>) src(%arg6 : memref<128xf32, #tpu.memory_space<vmem>>) dst(%dma_wait3A_304 : memref<10240xf32, #tpu.memory_space<vmem_shared>>)
      %mul3A_305 = arith.constant 8 : i32
      %mul3A_306 = arith.muli %scan3A_207, %mul3A_305 : i32
      %add3A_307 = arith.constant 3 : i32
      %add3A_308 = arith.addi %mul3A_306, %add3A_307 : i32
      %dma_wait3A_309 = arith.constant 0 : i32
      %dma_wait3A_310 = tpu.memref_slice %arg5[%add3A_308, %dma_wait3A_309] : memref<80x128xi32, #tpu.memory_space<vmem>> -> memref<1x128xi32, #tpu.memory_space<vmem>>
      %dma_wait3A_311 = tpu.memref_squeeze %dma_wait3A_310 : memref<1x128xi32, #tpu.memory_space<vmem>> -> memref<128xi32, #tpu.memory_space<vmem>>
      %dma_wait3A_312 = arith.constant 0 : i32
      %dma_wait3A_313 = tpu.memref_slice %arg4[%dma_wait3A_312] : memref<10240xf32, #tpu.memory_space<vmem_shared>> -> memref<10240xf32, #tpu.memory_space<vmem_shared>>
      tpu.wait_indirect_dma semaphore(%arg8 : memref<!tpu.dma_semaphore, #tpu.memory_space<semaphore_mem>>) src(%arg6 : memref<128xf32, #tpu.memory_space<vmem>>) dst(%dma_wait3A_313 : memref<10240xf32, #tpu.memory_space<vmem_shared>>)
      %mul3A_314 = arith.constant 8 : i32
      %mul3A_315 = arith.muli %scan3A_207, %mul3A_314 : i32
      %add3A_316 = arith.constant 4 : i32
      %add3A_317 = arith.addi %mul3A_315, %add3A_316 : i32
      %dma_wait3A_318 = arith.constant 0 : i32
      %dma_wait3A_319 = tpu.memref_slice %arg5[%add3A_317, %dma_wait3A_318] : memref<80x128xi32, #tpu.memory_space<vmem>> -> memref<1x128xi32, #tpu.memory_space<vmem>>
      %dma_wait3A_320 = tpu.memref_squeeze %dma_wait3A_319 : memref<1x128xi32, #tpu.memory_space<vmem>> -> memref<128xi32, #tpu.memory_space<vmem>>
      %dma_wait3A_321 = arith.constant 0 : i32
      %dma_wait3A_322 = tpu.memref_slice %arg4[%dma_wait3A_321] : memref<10240xf32, #tpu.memory_space<vmem_shared>> -> memref<10240xf32, #tpu.memory_space<vmem_shared>>
      tpu.wait_indirect_dma semaphore(%arg8 : memref<!tpu.dma_semaphore, #tpu.memory_space<semaphore_mem>>) src(%arg6 : memref<128xf32, #tpu.memory_space<vmem>>) dst(%dma_wait3A_322 : memref<10240xf32, #tpu.memory_space<vmem_shared>>)
      %mul3A_323 = arith.constant 8 : i32
      %mul3A_324 = arith.muli %scan3A_207, %mul3A_323 : i32
      %add3A_325 = arith.constant 5 : i32
      %add3A_326 = arith.addi %mul3A_324, %add3A_325 : i32
      %dma_wait3A_327 = arith.constant 0 : i32
      %dma_wait3A_328 = tpu.memref_slice %arg5[%add3A_326, %dma_wait3A_327] : memref<80x128xi32, #tpu.memory_space<vmem>> -> memref<1x128xi32, #tpu.memory_space<vmem>>
      %dma_wait3A_329 = tpu.memref_squeeze %dma_wait3A_328 : memref<1x128xi32, #tpu.memory_space<vmem>> -> memref<128xi32, #tpu.memory_space<vmem>>
      %dma_wait3A_330 = arith.constant 0 : i32
      %dma_wait3A_331 = tpu.memref_slice %arg4[%dma_wait3A_330] : memref<10240xf32, #tpu.memory_space<vmem_shared>> -> memref<10240xf32, #tpu.memory_space<vmem_shared>>
      tpu.wait_indirect_dma semaphore(%arg8 : memref<!tpu.dma_semaphore, #tpu.memory_space<semaphore_mem>>) src(%arg6 : memref<128xf32, #tpu.memory_space<vmem>>) dst(%dma_wait3A_331 : memref<10240xf32, #tpu.memory_space<vmem_shared>>)
      %mul3A_332 = arith.constant 8 : i32
      %mul3A_333 = arith.muli %scan3A_207, %mul3A_332 : i32
      %add3A_334 = arith.constant 6 : i32
      %add3A_335 = arith.addi %mul3A_333, %add3A_334 : i32
      %dma_wait3A_336 = arith.constant 0 : i32
      %dma_wait3A_337 = tpu.memref_slice %arg5[%add3A_335, %dma_wait3A_336] : memref<80x128xi32, #tpu.memory_space<vmem>> -> memref<1x128xi32, #tpu.memory_space<vmem>>
      %dma_wait3A_338 = tpu.memref_squeeze %dma_wait3A_337 : memref<1x128xi32, #tpu.memory_space<vmem>> -> memref<128xi32, #tpu.memory_space<vmem>>
      %dma_wait3A_339 = arith.constant 0 : i32
      %dma_wait3A_340 = tpu.memref_slice %arg4[%dma_wait3A_339] : memref<10240xf32, #tpu.memory_space<vmem_shared>> -> memref<10240xf32, #tpu.memory_space<vmem_shared>>
      tpu.wait_indirect_dma semaphore(%arg8 : memref<!tpu.dma_semaphore, #tpu.memory_space<semaphore_mem>>) src(%arg6 : memref<128xf32, #tpu.memory_space<vmem>>) dst(%dma_wait3A_340 : memref<10240xf32, #tpu.memory_space<vmem_shared>>)
      %mul3A_341 = arith.constant 8 : i32
      %mul3A_342 = arith.muli %scan3A_207, %mul3A_341 : i32
      %add3A_343 = arith.constant 7 : i32
      %add3A_344 = arith.addi %mul3A_342, %add3A_343 : i32
      %dma_wait3A_345 = arith.constant 0 : i32
      %dma_wait3A_346 = tpu.memref_slice %arg5[%add3A_344, %dma_wait3A_345] : memref<80x128xi32, #tpu.memory_space<vmem>> -> memref<1x128xi32, #tpu.memory_space<vmem>>
      %dma_wait3A_347 = tpu.memref_squeeze %dma_wait3A_346 : memref<1x128xi32, #tpu.memory_space<vmem>> -> memref<128xi32, #tpu.memory_space<vmem>>
      %dma_wait3A_348 = arith.constant 0 : i32
      %dma_wait3A_349 = tpu.memref_slice %arg4[%dma_wait3A_348] : memref<10240xf32, #tpu.memory_space<vmem_shared>> -> memref<10240xf32, #tpu.memory_space<vmem_shared>>
      tpu.wait_indirect_dma semaphore(%arg8 : memref<!tpu.dma_semaphore, #tpu.memory_space<semaphore_mem>>) src(%arg6 : memref<128xf32, #tpu.memory_space<vmem>>) dst(%dma_wait3A_349 : memref<10240xf32, #tpu.memory_space<vmem_shared>>)
    }
    %scan3A_201 = arith.constant 10 : i32
    %barrier3A_202 = arith.constant 0 : index
    tpu.barrier barrier_id(%barrier3A_202)
    %mul3A_203 = arith.constant 640 : i32
    %mul3A_204 = arith.muli %arg1, %mul3A_203 : i32
    %mul3A_205 = arith.constant 640 : i32
    %mul3A_206 = arith.muli %arg1, %mul3A_205 : i32
    "tpu.region"() ({
      %run_scoped3A = tpu.sem_alloc : memref<!tpu.dma_semaphore, #tpu.memory_space<semaphore_mem>>
      %dma_start3A = tpu.memref_slice %arg3[%arg0, %mul3A_206] : memref<2x10240xf32, #tpu.memory_space<hbm>> -> memref<1x640xf32, #tpu.memory_space<hbm>>
      %dma_start3A_207 = tpu.memref_squeeze %dma_start3A : memref<1x640xf32, #tpu.memory_space<hbm>> -> memref<640xf32, #tpu.memory_space<hbm>>
      %dma_start3A_208 = tpu.memref_slice %arg4[%mul3A_204] : memref<10240xf32, #tpu.memory_space<vmem_shared>> -> memref<640xf32, #tpu.memory_space<vmem_shared>>
      tpu.enqueue_dma source(%dma_start3A_208 : memref<640xf32, #tpu.memory_space<vmem_shared>>) target(%dma_start3A_207 : memref<640xf32, #tpu.memory_space<hbm>>) target_semaphore(%run_scoped3A : memref<!tpu.dma_semaphore, #tpu.memory_space<semaphore_mem>>)
      %dma_wait3A = tpu.memref_slice %arg3[%arg0, %mul3A_206] : memref<2x10240xf32, #tpu.memory_space<hbm>> -> memref<1x640xf32, #tpu.memory_space<hbm>>
      %dma_wait3A_209 = tpu.memref_squeeze %dma_wait3A : memref<1x640xf32, #tpu.memory_space<hbm>> -> memref<640xf32, #tpu.memory_space<hbm>>
      %dma_wait3A_210 = tpu.memref_slice %arg4[%mul3A_204] : memref<10240xf32, #tpu.memory_space<vmem_shared>> -> memref<640xf32, #tpu.memory_space<vmem_shared>>
      tpu.wait_dma2 semaphore(%run_scoped3A : memref<!tpu.dma_semaphore, #tpu.memory_space<semaphore_mem>>) src(%dma_wait3A_210 : memref<640xf32, #tpu.memory_space<vmem_shared>>) dst(%dma_wait3A_209 : memref<640xf32, #tpu.memory_space<hbm>>)
      tpu.yield
    }) : () -> ()
    return
  }
}

#map = affine_map<(d0, d1) -> (0, 0)>
#map1 = affine_map<(d0, d1) -> (0, 0, 0)>
module attributes {stable_mosaic.version = 14 : i64} {
  func.func @_agg_body(%arg0: i32, %arg1: i32, %arg2: memref<10000x128xf32, #tpu.memory_space<hbm>>, %arg3: memref<32x10240xi32, #tpu.memory_space<hbm>>, %arg4: memref<32x80x128xi32, #tpu.memory_space<hbm>>, %arg5: memref<2x10240x128xf32, #tpu.memory_space<hbm>>, %arg6: memref<10240x128xf32, #tpu.memory_space<vmem_shared>>, %arg7: memref<10240xi32, #tpu.memory_space<vmem>>, %arg8: memref<40x128xi32, #tpu.memory_space<vmem>>, %arg9: memref<128x128xf32, #tpu.memory_space<vmem>>, %arg10: memref<128x128xf32, #tpu.memory_space<vmem>>, %arg11: memref<!tpu.dma_semaphore, #tpu.memory_space<semaphore_mem>>, %arg12: memref<!tpu.dma_semaphore, #tpu.memory_space<semaphore_mem>>, %arg13: memref<!tpu.dma_semaphore, #tpu.memory_space<semaphore_mem>>, %arg14: memref<!tpu.dma_semaphore, #tpu.memory_space<semaphore_mem>>, %arg15: memref<!tpu.dma_semaphore, #tpu.memory_space<semaphore_mem>>) attributes {dimension_semantics = [#tpu.dimension_semantics<core_parallel>, #tpu.dimension_semantics<subcore_parallel>], iteration_bounds = array<i64: 2, 16>, scalar_prefetch = 0 : i64, scratch_operands = 10 : i64, tpu.core_type = #tpu.core_type<sc_vector_subcore>, window_params = [{transform_indices = #map}, {transform_indices = #map}, {transform_indices = #map1}, {transform_indices = #map1}]} {
    %mul3A = arith.constant 2 : i32
    %mul3A_0 = arith.muli %arg1, %mul3A : i32
    %add3A = arith.addi %mul3A_0, %arg0 : i32
    %broadcast_in_dim3A = arith.constant 0.000000e+00 : f32
    %broadcast_in_dim3A_1 = vector.broadcast %broadcast_in_dim3A : f32 to vector<16xf32>
    "tpu.region"() ({
      %run_scoped3A = tpu.sem_alloc : memref<!tpu.dma_semaphore, #tpu.memory_space<semaphore_mem>>
      %dma_start3A_1148 = arith.constant 0 : i32
      %dma_start3A_1149 = tpu.memref_slice %arg3[%add3A, %dma_start3A_1148] : memref<32x10240xi32, #tpu.memory_space<hbm>> -> memref<1x10240xi32, #tpu.memory_space<hbm>>
      %dma_start3A_1150 = tpu.memref_squeeze %dma_start3A_1149 : memref<1x10240xi32, #tpu.memory_space<hbm>> -> memref<10240xi32, #tpu.memory_space<hbm>>
      %dma_start3A_1151 = arith.constant 0 : i32
      %dma_start3A_1152 = tpu.memref_slice %arg3[%add3A, %dma_start3A_1151] : memref<32x10240xi32, #tpu.memory_space<hbm>> -> memref<1x10240xi32, #tpu.memory_space<hbm>>
      %dma_start3A_1153 = tpu.memref_squeeze %dma_start3A_1152 : memref<1x10240xi32, #tpu.memory_space<hbm>> -> memref<10240xi32, #tpu.memory_space<hbm>>
      tpu.enqueue_dma source(%dma_start3A_1153 : memref<10240xi32, #tpu.memory_space<hbm>>) target(%arg7 : memref<10240xi32, #tpu.memory_space<vmem>>) target_semaphore(%run_scoped3A : memref<!tpu.dma_semaphore, #tpu.memory_space<semaphore_mem>>)
      %dma_wait3A_1154 = arith.constant 0 : i32
      %dma_wait3A_1155 = tpu.memref_slice %arg3[%add3A, %dma_wait3A_1154] : memref<32x10240xi32, #tpu.memory_space<hbm>> -> memref<1x10240xi32, #tpu.memory_space<hbm>>
      %dma_wait3A_1156 = tpu.memref_squeeze %dma_wait3A_1155 : memref<1x10240xi32, #tpu.memory_space<hbm>> -> memref<10240xi32, #tpu.memory_space<hbm>>
      %dma_wait3A_1157 = arith.constant 0 : i32
      %dma_wait3A_1158 = tpu.memref_slice %arg3[%add3A, %dma_wait3A_1157] : memref<32x10240xi32, #tpu.memory_space<hbm>> -> memref<1x10240xi32, #tpu.memory_space<hbm>>
      %dma_wait3A_1159 = tpu.memref_squeeze %dma_wait3A_1158 : memref<1x10240xi32, #tpu.memory_space<hbm>> -> memref<10240xi32, #tpu.memory_space<hbm>>
      tpu.wait_dma2 semaphore(%run_scoped3A : memref<!tpu.dma_semaphore, #tpu.memory_space<semaphore_mem>>) src(%dma_wait3A_1159 : memref<10240xi32, #tpu.memory_space<hbm>>) dst(%arg7 : memref<10240xi32, #tpu.memory_space<vmem>>)
      tpu.yield
    }) : () -> ()
    %dma_start3A = arith.constant 0 : i32
    %dma_start3A_2 = tpu.memref_slice %arg7[%dma_start3A] : memref<10240xi32, #tpu.memory_space<vmem>> -> memref<128xi32, #tpu.memory_space<vmem>>
    %dma_start3A_3 = arith.constant 0 : i32
    %dma_start3A_4 = arith.constant 0 : i32
    %dma_start3A_5 = tpu.memref_slice %arg2[%dma_start3A_3, %dma_start3A_4] : memref<10000x128xf32, #tpu.memory_space<hbm>> -> memref<10000x128xf32, #tpu.memory_space<hbm>>
    tpu.enqueue_indirect_dma source(%dma_start3A_5 : memref<10000x128xf32, #tpu.memory_space<hbm>>) target(%arg10 : memref<128x128xf32, #tpu.memory_space<vmem>>) offsets(%dma_start3A_2 : memref<128xi32, #tpu.memory_space<vmem>>) semaphore(%arg12 : memref<!tpu.dma_semaphore, #tpu.memory_space<semaphore_mem>>)
    %scan3A = arith.constant 0 : i32
    %scan3A_6 = arith.constant 0 : i32
    %scan3A_7 = arith.constant 16 : i32
    %scan3A_8 = arith.addi %scan3A_6, %scan3A_7 : i32
    %scan3A_9 = arith.constant 1 : i32
    scf.for %scan3A_1148 = %scan3A_6 to %scan3A_8 step %scan3A_9  : i32 {
      %swap3A = arith.index_cast %scan3A_1148 : i32 to index
      %swap3A_1149 = arith.constant 0 : index
      %swap3A_1150 = tpu.vector_load %arg9[%swap3A, %swap3A_1149] {strides = array<i32>} : memref<128x128xf32, #tpu.memory_space<vmem>>, vector<1x16xf32>,
      %swap3A_1151 = vector.shape_cast %swap3A_1150 : vector<1x16xf32> to vector<16xf32>
      %swap3A_1152 = vector.shape_cast %broadcast_in_dim3A_1 : vector<16xf32> to vector<1x16xf32>
      tpu.vector_store %arg9[%swap3A, %swap3A_1149], %swap3A_1152 {strides = array<i32>} : memref<128x128xf32, #tpu.memory_space<vmem>>, vector<1x16xf32>,
      %swap3A_1153 = arith.index_cast %scan3A_1148 : i32 to index
      %swap3A_1154 = arith.constant 16 : index
      %swap3A_1155 = tpu.vector_load %arg9[%swap3A_1153, %swap3A_1154] {strides = array<i32>} : memref<128x128xf32, #tpu.memory_space<vmem>>, vector<1x16xf32>,
      %swap3A_1156 = vector.shape_cast %swap3A_1155 : vector<1x16xf32> to vector<16xf32>
      %swap3A_1157 = vector.shape_cast %broadcast_in_dim3A_1 : vector<16xf32> to vector<1x16xf32>
      tpu.vector_store %arg9[%swap3A_1153, %swap3A_1154], %swap3A_1157 {strides = array<i32>} : memref<128x128xf32, #tpu.memory_space<vmem>>, vector<1x16xf32>,
      %swap3A_1158 = arith.index_cast %scan3A_1148 : i32 to index
      %swap3A_1159 = arith.constant 32 : index
      %swap3A_1160 = tpu.vector_load %arg9[%swap3A_1158, %swap3A_1159] {strides = array<i32>} : memref<128x128xf32, #tpu.memory_space<vmem>>, vector<1x16xf32>,
      %swap3A_1161 = vector.shape_cast %swap3A_1160 : vector<1x16xf32> to vector<16xf32>
      %swap3A_1162 = vector.shape_cast %broadcast_in_dim3A_1 : vector<16xf32> to vector<1x16xf32>
      tpu.vector_store %arg9[%swap3A_1158, %swap3A_1159], %swap3A_1162 {strides = array<i32>} : memref<128x128xf32, #tpu.memory_space<vmem>>, vector<1x16xf32>,
      %swap3A_1163 = arith.index_cast %scan3A_1148 : i32 to index
      %swap3A_1164 = arith.constant 48 : index
      %swap3A_1165 = tpu.vector_load %arg9[%swap3A_1163, %swap3A_1164] {strides = array<i32>} : memref<128x128xf32, #tpu.memory_space<vmem>>, vector<1x16xf32>,
      %swap3A_1166 = vector.shape_cast %swap3A_1165 : vector<1x16xf32> to vector<16xf32>
      %swap3A_1167 = vector.shape_cast %broadcast_in_dim3A_1 : vector<16xf32> to vector<1x16xf32>
      tpu.vector_store %arg9[%swap3A_1163, %swap3A_1164], %swap3A_1167 {strides = array<i32>} : memref<128x128xf32, #tpu.memory_space<vmem>>, vector<1x16xf32>,
      %swap3A_1168 = arith.index_cast %scan3A_1148 : i32 to index
      %swap3A_1169 = arith.constant 64 : index
      %swap3A_1170 = tpu.vector_load %arg9[%swap3A_1168, %swap3A_1169] {strides = array<i32>} : memref<128x128xf32, #tpu.memory_space<vmem>>, vector<1x16xf32>,
      %swap3A_1171 = vector.shape_cast %swap3A_1170 : vector<1x16xf32> to vector<16xf32>
      %swap3A_1172 = vector.shape_cast %broadcast_in_dim3A_1 : vector<16xf32> to vector<1x16xf32>
      tpu.vector_store %arg9[%swap3A_1168, %swap3A_1169], %swap3A_1172 {strides = array<i32>} : memref<128x128xf32, #tpu.memory_space<vmem>>, vector<1x16xf32>,
      %swap3A_1173 = arith.index_cast %scan3A_1148 : i32 to index
      %swap3A_1174 = arith.constant 80 : index
      %swap3A_1175 = tpu.vector_load %arg9[%swap3A_1173, %swap3A_1174] {strides = array<i32>} : memref<128x128xf32, #tpu.memory_space<vmem>>, vector<1x16xf32>,
      %swap3A_1176 = vector.shape_cast %swap3A_1175 : vector<1x16xf32> to vector<16xf32>
      %swap3A_1177 = vector.shape_cast %broadcast_in_dim3A_1 : vector<16xf32> to vector<1x16xf32>
      tpu.vector_store %arg9[%swap3A_1173, %swap3A_1174], %swap3A_1177 {strides = array<i32>} : memref<128x128xf32, #tpu.memory_space<vmem>>, vector<1x16xf32>,
      %swap3A_1178 = arith.index_cast %scan3A_1148 : i32 to index
      %swap3A_1179 = arith.constant 96 : index
      %swap3A_1180 = tpu.vector_load %arg9[%swap3A_1178, %swap3A_1179] {strides = array<i32>} : memref<128x128xf32, #tpu.memory_space<vmem>>, vector<1x16xf32>,
      %swap3A_1181 = vector.shape_cast %swap3A_1180 : vector<1x16xf32> to vector<16xf32>
      %swap3A_1182 = vector.shape_cast %broadcast_in_dim3A_1 : vector<16xf32> to vector<1x16xf32>
      tpu.vector_store %arg9[%swap3A_1178, %swap3A_1179], %swap3A_1182 {strides = array<i32>} : memref<128x128xf32, #tpu.memory_space<vmem>>, vector<1x16xf32>,
      %swap3A_1183 = arith.index_cast %scan3A_1148 : i32 to index
      %swap3A_1184 = arith.constant 112 : index
      %swap3A_1185 = tpu.vector_load %arg9[%swap3A_1183, %swap3A_1184] {strides = array<i32>} : memref<128x128xf32, #tpu.memory_space<vmem>>, vector<1x16xf32>,
      %swap3A_1186 = vector.shape_cast %swap3A_1185 : vector<1x16xf32> to vector<16xf32>
      %swap3A_1187 = vector.shape_cast %broadcast_in_dim3A_1 : vector<16xf32> to vector<1x16xf32>
      tpu.vector_store %arg9[%swap3A_1183, %swap3A_1184], %swap3A_1187 {strides = array<i32>} : memref<128x128xf32, #tpu.memory_space<vmem>>, vector<1x16xf32>,
    }
    %scan3A_10 = arith.constant 16 : i32
    %mul3A_11 = arith.constant 640 : i32
    %mul3A_12 = arith.muli %arg1, %mul3A_11 : i32
    %add3A_13 = arith.constant 0 : i32
    %add3A_14 = arith.addi %mul3A_12, %add3A_13 : i32
    %dma_start3A_15 = arith.constant 0 : i32
    %dma_start3A_16 = arith.constant 0 : i32
    %dma_start3A_17 = tpu.memref_slice %arg9[%dma_start3A_15, %dma_start3A_16] : memref<128x128xf32, #tpu.memory_space<vmem>> -> memref<16x128xf32, #tpu.memory_space<vmem>>
    %dma_start3A_18 = arith.constant 0 : i32
    %dma_start3A_19 = tpu.memref_slice %arg6[%add3A_14, %dma_start3A_18] : memref<10240x128xf32, #tpu.memory_space<vmem_shared>> -> memref<16x128xf32, #tpu.memory_space<vmem_shared>>
    %dma_start3A_20 = arith.constant 0 : i32
    %dma_start3A_21 = tpu.memref_slice %arg6[%add3A_14, %dma_start3A_20] : memref<10240x128xf32, #tpu.memory_space<vmem_shared>> -> memref<16x128xf32, #tpu.memory_space<vmem_shared>>
    %dma_start3A_22 = arith.constant 0 : i32
    %dma_start3A_23 = arith.constant 0 : i32
    %dma_start3A_24 = tpu.memref_slice %arg9[%dma_start3A_22, %dma_start3A_23] : memref<128x128xf32, #tpu.memory_space<vmem>> -> memref<16x128xf32, #tpu.memory_space<vmem>>
    tpu.enqueue_dma source(%dma_start3A_24 : memref<16x128xf32, #tpu.memory_space<vmem>>) target(%dma_start3A_21 : memref<16x128xf32, #tpu.memory_space<vmem_shared>>) target_semaphore(%arg15 : memref<!tpu.dma_semaphore, #tpu.memory_space<semaphore_mem>>)
    %mul3A_25 = arith.constant 640 : i32
    %mul3A_26 = arith.muli %arg1, %mul3A_25 : i32
    %add3A_27 = arith.constant 16 : i32
    %add3A_28 = arith.addi %mul3A_26, %add3A_27 : i32
    %dma_start3A_29 = arith.constant 0 : i32
    %dma_start3A_30 = arith.constant 0 : i32
    %dma_start3A_31 = tpu.memref_slice %arg9[%dma_start3A_29, %dma_start3A_30] : memref<128x128xf32, #tpu.memory_space<vmem>> -> memref<16x128xf32, #tpu.memory_space<vmem>>
    %dma_start3A_32 = arith.constant 0 : i32
    %dma_start3A_33 = tpu.memref_slice %arg6[%add3A_28, %dma_start3A_32] : memref<10240x128xf32, #tpu.memory_space<vmem_shared>> -> memref<16x128xf32, #tpu.memory_space<vmem_shared>>
    %dma_start3A_34 = arith.constant 0 : i32
    %dma_start3A_35 = tpu.memref_slice %arg6[%add3A_28, %dma_start3A_34] : memref<10240x128xf32, #tpu.memory_space<vmem_shared>> -> memref<16x128xf32, #tpu.memory_space<vmem_shared>>
    %dma_start3A_36 = arith.constant 0 : i32
    %dma_start3A_37 = arith.constant 0 : i32
    %dma_start3A_38 = tpu.memref_slice %arg9[%dma_start3A_36, %dma_start3A_37] : memref<128x128xf32, #tpu.memory_space<vmem>> -> memref<16x128xf32, #tpu.memory_space<vmem>>
    tpu.enqueue_dma source(%dma_start3A_38 : memref<16x128xf32, #tpu.memory_space<vmem>>) target(%dma_start3A_35 : memref<16x128xf32, #tpu.memory_space<vmem_shared>>) target_semaphore(%arg15 : memref<!tpu.dma_semaphore, #tpu.memory_space<semaphore_mem>>)
    %mul3A_39 = arith.constant 640 : i32
    %mul3A_40 = arith.muli %arg1, %mul3A_39 : i32
    %add3A_41 = arith.constant 32 : i32
    %add3A_42 = arith.addi %mul3A_40, %add3A_41 : i32
    %dma_start3A_43 = arith.constant 0 : i32
    %dma_start3A_44 = arith.constant 0 : i32
    %dma_start3A_45 = tpu.memref_slice %arg9[%dma_start3A_43, %dma_start3A_44] : memref<128x128xf32, #tpu.memory_space<vmem>> -> memref<16x128xf32, #tpu.memory_space<vmem>>
    %dma_start3A_46 = arith.constant 0 : i32
    %dma_start3A_47 = tpu.memref_slice %arg6[%add3A_42, %dma_start3A_46] : memref<10240x128xf32, #tpu.memory_space<vmem_shared>> -> memref<16x128xf32, #tpu.memory_space<vmem_shared>>
    %dma_start3A_48 = arith.constant 0 : i32
    %dma_start3A_49 = tpu.memref_slice %arg6[%add3A_42, %dma_start3A_48] : memref<10240x128xf32, #tpu.memory_space<vmem_shared>> -> memref<16x128xf32, #tpu.memory_space<vmem_shared>>
    %dma_start3A_50 = arith.constant 0 : i32
    %dma_start3A_51 = arith.constant 0 : i32
    %dma_start3A_52 = tpu.memref_slice %arg9[%dma_start3A_50, %dma_start3A_51] : memref<128x128xf32, #tpu.memory_space<vmem>> -> memref<16x128xf32, #tpu.memory_space<vmem>>
    tpu.enqueue_dma source(%dma_start3A_52 : memref<16x128xf32, #tpu.memory_space<vmem>>) target(%dma_start3A_49 : memref<16x128xf32, #tpu.memory_space<vmem_shared>>) target_semaphore(%arg15 : memref<!tpu.dma_semaphore, #tpu.memory_space<semaphore_mem>>)
    %mul3A_53 = arith.constant 640 : i32
    %mul3A_54 = arith.muli %arg1, %mul3A_53 : i32
    %add3A_55 = arith.constant 48 : i32
    %add3A_56 = arith.addi %mul3A_54, %add3A_55 : i32
    %dma_start3A_57 = arith.constant 0 : i32
    %dma_start3A_58 = arith.constant 0 : i32
    %dma_start3A_59 = tpu.memref_slice %arg9[%dma_start3A_57, %dma_start3A_58] : memref<128x128xf32, #tpu.memory_space<vmem>> -> memref<16x128xf32, #tpu.memory_space<vmem>>
    %dma_start3A_60 = arith.constant 0 : i32
    %dma_start3A_61 = tpu.memref_slice %arg6[%add3A_56, %dma_start3A_60] : memref<10240x128xf32, #tpu.memory_space<vmem_shared>> -> memref<16x128xf32, #tpu.memory_space<vmem_shared>>
    %dma_start3A_62 = arith.constant 0 : i32
    %dma_start3A_63 = tpu.memref_slice %arg6[%add3A_56, %dma_start3A_62] : memref<10240x128xf32, #tpu.memory_space<vmem_shared>> -> memref<16x128xf32, #tpu.memory_space<vmem_shared>>
    %dma_start3A_64 = arith.constant 0 : i32
    %dma_start3A_65 = arith.constant 0 : i32
    %dma_start3A_66 = tpu.memref_slice %arg9[%dma_start3A_64, %dma_start3A_65] : memref<128x128xf32, #tpu.memory_space<vmem>> -> memref<16x128xf32, #tpu.memory_space<vmem>>
    tpu.enqueue_dma source(%dma_start3A_66 : memref<16x128xf32, #tpu.memory_space<vmem>>) target(%dma_start3A_63 : memref<16x128xf32, #tpu.memory_space<vmem_shared>>) target_semaphore(%arg15 : memref<!tpu.dma_semaphore, #tpu.memory_space<semaphore_mem>>)
    %mul3A_67 = arith.constant 640 : i32
    %mul3A_68 = arith.muli %arg1, %mul3A_67 : i32
    %add3A_69 = arith.constant 64 : i32
    %add3A_70 = arith.addi %mul3A_68, %add3A_69 : i32
    %dma_start3A_71 = arith.constant 0 : i32
    %dma_start3A_72 = arith.constant 0 : i32
    %dma_start3A_73 = tpu.memref_slice %arg9[%dma_start3A_71, %dma_start3A_72] : memref<128x128xf32, #tpu.memory_space<vmem>> -> memref<16x128xf32, #tpu.memory_space<vmem>>
    %dma_start3A_74 = arith.constant 0 : i32
    %dma_start3A_75 = tpu.memref_slice %arg6[%add3A_70, %dma_start3A_74] : memref<10240x128xf32, #tpu.memory_space<vmem_shared>> -> memref<16x128xf32, #tpu.memory_space<vmem_shared>>
    %dma_start3A_76 = arith.constant 0 : i32
    %dma_start3A_77 = tpu.memref_slice %arg6[%add3A_70, %dma_start3A_76] : memref<10240x128xf32, #tpu.memory_space<vmem_shared>> -> memref<16x128xf32, #tpu.memory_space<vmem_shared>>
    %dma_start3A_78 = arith.constant 0 : i32
    %dma_start3A_79 = arith.constant 0 : i32
    %dma_start3A_80 = tpu.memref_slice %arg9[%dma_start3A_78, %dma_start3A_79] : memref<128x128xf32, #tpu.memory_space<vmem>> -> memref<16x128xf32, #tpu.memory_space<vmem>>
    tpu.enqueue_dma source(%dma_start3A_80 : memref<16x128xf32, #tpu.memory_space<vmem>>) target(%dma_start3A_77 : memref<16x128xf32, #tpu.memory_space<vmem_shared>>) target_semaphore(%arg15 : memref<!tpu.dma_semaphore, #tpu.memory_space<semaphore_mem>>)
    %mul3A_81 = arith.constant 640 : i32
    %mul3A_82 = arith.muli %arg1, %mul3A_81 : i32
    %add3A_83 = arith.constant 80 : i32
    %add3A_84 = arith.addi %mul3A_82, %add3A_83 : i32
    %dma_start3A_85 = arith.constant 0 : i32
    %dma_start3A_86 = arith.constant 0 : i32
    %dma_start3A_87 = tpu.memref_slice %arg9[%dma_start3A_85, %dma_start3A_86] : memref<128x128xf32, #tpu.memory_space<vmem>> -> memref<16x128xf32, #tpu.memory_space<vmem>>
    %dma_start3A_88 = arith.constant 0 : i32
    %dma_start3A_89 = tpu.memref_slice %arg6[%add3A_84, %dma_start3A_88] : memref<10240x128xf32, #tpu.memory_space<vmem_shared>> -> memref<16x128xf32, #tpu.memory_space<vmem_shared>>
    %dma_start3A_90 = arith.constant 0 : i32
    %dma_start3A_91 = tpu.memref_slice %arg6[%add3A_84, %dma_start3A_90] : memref<10240x128xf32, #tpu.memory_space<vmem_shared>> -> memref<16x128xf32, #tpu.memory_space<vmem_shared>>
    %dma_start3A_92 = arith.constant 0 : i32
    %dma_start3A_93 = arith.constant 0 : i32
    %dma_start3A_94 = tpu.memref_slice %arg9[%dma_start3A_92, %dma_start3A_93] : memref<128x128xf32, #tpu.memory_space<vmem>> -> memref<16x128xf32, #tpu.memory_space<vmem>>
    tpu.enqueue_dma source(%dma_start3A_94 : memref<16x128xf32, #tpu.memory_space<vmem>>) target(%dma_start3A_91 : memref<16x128xf32, #tpu.memory_space<vmem_shared>>) target_semaphore(%arg15 : memref<!tpu.dma_semaphore, #tpu.memory_space<semaphore_mem>>)
    %mul3A_95 = arith.constant 640 : i32
    %mul3A_96 = arith.muli %arg1, %mul3A_95 : i32
    %add3A_97 = arith.constant 96 : i32
    %add3A_98 = arith.addi %mul3A_96, %add3A_97 : i32
    %dma_start3A_99 = arith.constant 0 : i32
    %dma_start3A_100 = arith.constant 0 : i32
    %dma_start3A_101 = tpu.memref_slice %arg9[%dma_start3A_99, %dma_start3A_100] : memref<128x128xf32, #tpu.memory_space<vmem>> -> memref<16x128xf32, #tpu.memory_space<vmem>>
    %dma_start3A_102 = arith.constant 0 : i32
    %dma_start3A_103 = tpu.memref_slice %arg6[%add3A_98, %dma_start3A_102] : memref<10240x128xf32, #tpu.memory_space<vmem_shared>> -> memref<16x128xf32, #tpu.memory_space<vmem_shared>>
    %dma_start3A_104 = arith.constant 0 : i32
    %dma_start3A_105 = tpu.memref_slice %arg6[%add3A_98, %dma_start3A_104] : memref<10240x128xf32, #tpu.memory_space<vmem_shared>> -> memref<16x128xf32, #tpu.memory_space<vmem_shared>>
    %dma_start3A_106 = arith.constant 0 : i32
    %dma_start3A_107 = arith.constant 0 : i32
    %dma_start3A_108 = tpu.memref_slice %arg9[%dma_start3A_106, %dma_start3A_107] : memref<128x128xf32, #tpu.memory_space<vmem>> -> memref<16x128xf32, #tpu.memory_space<vmem>>
    tpu.enqueue_dma source(%dma_start3A_108 : memref<16x128xf32, #tpu.memory_space<vmem>>) target(%dma_start3A_105 : memref<16x128xf32, #tpu.memory_space<vmem_shared>>) target_semaphore(%arg15 : memref<!tpu.dma_semaphore, #tpu.memory_space<semaphore_mem>>)
    %mul3A_109 = arith.constant 640 : i32
    %mul3A_110 = arith.muli %arg1, %mul3A_109 : i32
    %add3A_111 = arith.constant 112 : i32
    %add3A_112 = arith.addi %mul3A_110, %add3A_111 : i32
    %dma_start3A_113 = arith.constant 0 : i32
    %dma_start3A_114 = arith.constant 0 : i32
    %dma_start3A_115 = tpu.memref_slice %arg9[%dma_start3A_113, %dma_start3A_114] : memref<128x128xf32, #tpu.memory_space<vmem>> -> memref<16x128xf32, #tpu.memory_space<vmem>>
    %dma_start3A_116 = arith.constant 0 : i32
    %dma_start3A_117 = tpu.memref_slice %arg6[%add3A_112, %dma_start3A_116] : memref<10240x128xf32, #tpu.memory_space<vmem_shared>> -> memref<16x128xf32, #tpu.memory_space<vmem_shared>>
    %dma_start3A_118 = arith.constant 0 : i32
    %dma_start3A_119 = tpu.memref_slice %arg6[%add3A_112, %dma_start3A_118] : memref<10240x128xf32, #tpu.memory_space<vmem_shared>> -> memref<16x128xf32, #tpu.memory_space<vmem_shared>>
    %dma_start3A_120 = arith.constant 0 : i32
    %dma_start3A_121 = arith.constant 0 : i32
    %dma_start3A_122 = tpu.memref_slice %arg9[%dma_start3A_120, %dma_start3A_121] : memref<128x128xf32, #tpu.memory_space<vmem>> -> memref<16x128xf32, #tpu.memory_space<vmem>>
    tpu.enqueue_dma source(%dma_start3A_122 : memref<16x128xf32, #tpu.memory_space<vmem>>) target(%dma_start3A_119 : memref<16x128xf32, #tpu.memory_space<vmem_shared>>) target_semaphore(%arg15 : memref<!tpu.dma_semaphore, #tpu.memory_space<semaphore_mem>>)
    %mul3A_123 = arith.constant 640 : i32
    %mul3A_124 = arith.muli %arg1, %mul3A_123 : i32
    %add3A_125 = arith.constant 128 : i32
    %add3A_126 = arith.addi %mul3A_124, %add3A_125 : i32
    %dma_start3A_127 = arith.constant 0 : i32
    %dma_start3A_128 = arith.constant 0 : i32
    %dma_start3A_129 = tpu.memref_slice %arg9[%dma_start3A_127, %dma_start3A_128] : memref<128x128xf32, #tpu.memory_space<vmem>> -> memref<16x128xf32, #tpu.memory_space<vmem>>
    %dma_start3A_130 = arith.constant 0 : i32
    %dma_start3A_131 = tpu.memref_slice %arg6[%add3A_126, %dma_start3A_130] : memref<10240x128xf32, #tpu.memory_space<vmem_shared>> -> memref<16x128xf32, #tpu.memory_space<vmem_shared>>
    %dma_start3A_132 = arith.constant 0 : i32
    %dma_start3A_133 = tpu.memref_slice %arg6[%add3A_126, %dma_start3A_132] : memref<10240x128xf32, #tpu.memory_space<vmem_shared>> -> memref<16x128xf32, #tpu.memory_space<vmem_shared>>
    %dma_start3A_134 = arith.constant 0 : i32
    %dma_start3A_135 = arith.constant 0 : i32
    %dma_start3A_136 = tpu.memref_slice %arg9[%dma_start3A_134, %dma_start3A_135] : memref<128x128xf32, #tpu.memory_space<vmem>> -> memref<16x128xf32, #tpu.memory_space<vmem>>
    tpu.enqueue_dma source(%dma_start3A_136 : memref<16x128xf32, #tpu.memory_space<vmem>>) target(%dma_start3A_133 : memref<16x128xf32, #tpu.memory_space<vmem_shared>>) target_semaphore(%arg15 : memref<!tpu.dma_semaphore, #tpu.memory_space<semaphore_mem>>)
    %mul3A_137 = arith.constant 640 : i32
    %mul3A_138 = arith.muli %arg1, %mul3A_137 : i32
    %add3A_139 = arith.constant 144 : i32
    %add3A_140 = arith.addi %mul3A_138, %add3A_139 : i32
    %dma_start3A_141 = arith.constant 0 : i32
    %dma_start3A_142 = arith.constant 0 : i32
    %dma_start3A_143 = tpu.memref_slice %arg9[%dma_start3A_141, %dma_start3A_142] : memref<128x128xf32, #tpu.memory_space<vmem>> -> memref<16x128xf32, #tpu.memory_space<vmem>>
    %dma_start3A_144 = arith.constant 0 : i32
    %dma_start3A_145 = tpu.memref_slice %arg6[%add3A_140, %dma_start3A_144] : memref<10240x128xf32, #tpu.memory_space<vmem_shared>> -> memref<16x128xf32, #tpu.memory_space<vmem_shared>>
    %dma_start3A_146 = arith.constant 0 : i32
    %dma_start3A_147 = tpu.memref_slice %arg6[%add3A_140, %dma_start3A_146] : memref<10240x128xf32, #tpu.memory_space<vmem_shared>> -> memref<16x128xf32, #tpu.memory_space<vmem_shared>>
    %dma_start3A_148 = arith.constant 0 : i32
    %dma_start3A_149 = arith.constant 0 : i32
    %dma_start3A_150 = tpu.memref_slice %arg9[%dma_start3A_148, %dma_start3A_149] : memref<128x128xf32, #tpu.memory_space<vmem>> -> memref<16x128xf32, #tpu.memory_space<vmem>>
    tpu.enqueue_dma source(%dma_start3A_150 : memref<16x128xf32, #tpu.memory_space<vmem>>) target(%dma_start3A_147 : memref<16x128xf32, #tpu.memory_space<vmem_shared>>) target_semaphore(%arg15 : memref<!tpu.dma_semaphore, #tpu.memory_space<semaphore_mem>>)
    %mul3A_151 = arith.constant 640 : i32
    %mul3A_152 = arith.muli %arg1, %mul3A_151 : i32
    %add3A_153 = arith.constant 160 : i32
    %add3A_154 = arith.addi %mul3A_152, %add3A_153 : i32
    %dma_start3A_155 = arith.constant 0 : i32
    %dma_start3A_156 = arith.constant 0 : i32
    %dma_start3A_157 = tpu.memref_slice %arg9[%dma_start3A_155, %dma_start3A_156] : memref<128x128xf32, #tpu.memory_space<vmem>> -> memref<16x128xf32, #tpu.memory_space<vmem>>
    %dma_start3A_158 = arith.constant 0 : i32
    %dma_start3A_159 = tpu.memref_slice %arg6[%add3A_154, %dma_start3A_158] : memref<10240x128xf32, #tpu.memory_space<vmem_shared>> -> memref<16x128xf32, #tpu.memory_space<vmem_shared>>
    %dma_start3A_160 = arith.constant 0 : i32
    %dma_start3A_161 = tpu.memref_slice %arg6[%add3A_154, %dma_start3A_160] : memref<10240x128xf32, #tpu.memory_space<vmem_shared>> -> memref<16x128xf32, #tpu.memory_space<vmem_shared>>
    %dma_start3A_162 = arith.constant 0 : i32
    %dma_start3A_163 = arith.constant 0 : i32
    %dma_start3A_164 = tpu.memref_slice %arg9[%dma_start3A_162, %dma_start3A_163] : memref<128x128xf32, #tpu.memory_space<vmem>> -> memref<16x128xf32, #tpu.memory_space<vmem>>
    tpu.enqueue_dma source(%dma_start3A_164 : memref<16x128xf32, #tpu.memory_space<vmem>>) target(%dma_start3A_161 : memref<16x128xf32, #tpu.memory_space<vmem_shared>>) target_semaphore(%arg15 : memref<!tpu.dma_semaphore, #tpu.memory_space<semaphore_mem>>)
    %mul3A_165 = arith.constant 640 : i32
    %mul3A_166 = arith.muli %arg1, %mul3A_165 : i32
    %add3A_167 = arith.constant 176 : i32
    %add3A_168 = arith.addi %mul3A_166, %add3A_167 : i32
    %dma_start3A_169 = arith.constant 0 : i32
    %dma_start3A_170 = arith.constant 0 : i32
    %dma_start3A_171 = tpu.memref_slice %arg9[%dma_start3A_169, %dma_start3A_170] : memref<128x128xf32, #tpu.memory_space<vmem>> -> memref<16x128xf32, #tpu.memory_space<vmem>>
    %dma_start3A_172 = arith.constant 0 : i32
    %dma_start3A_173 = tpu.memref_slice %arg6[%add3A_168, %dma_start3A_172] : memref<10240x128xf32, #tpu.memory_space<vmem_shared>> -> memref<16x128xf32, #tpu.memory_space<vmem_shared>>
    %dma_start3A_174 = arith.constant 0 : i32
    %dma_start3A_175 = tpu.memref_slice %arg6[%add3A_168, %dma_start3A_174] : memref<10240x128xf32, #tpu.memory_space<vmem_shared>> -> memref<16x128xf32, #tpu.memory_space<vmem_shared>>
    %dma_start3A_176 = arith.constant 0 : i32
    %dma_start3A_177 = arith.constant 0 : i32
    %dma_start3A_178 = tpu.memref_slice %arg9[%dma_start3A_176, %dma_start3A_177] : memref<128x128xf32, #tpu.memory_space<vmem>> -> memref<16x128xf32, #tpu.memory_space<vmem>>
    tpu.enqueue_dma source(%dma_start3A_178 : memref<16x128xf32, #tpu.memory_space<vmem>>) target(%dma_start3A_175 : memref<16x128xf32, #tpu.memory_space<vmem_shared>>) target_semaphore(%arg15 : memref<!tpu.dma_semaphore, #tpu.memory_space<semaphore_mem>>)
    %mul3A_179 = arith.constant 640 : i32
    %mul3A_180 = arith.muli %arg1, %mul3A_179 : i32
    %add3A_181 = arith.constant 192 : i32
    %add3A_182 = arith.addi %mul3A_180, %add3A_181 : i32
    %dma_start3A_183 = arith.constant 0 : i32
    %dma_start3A_184 = arith.constant 0 : i32
    %dma_start3A_185 = tpu.memref_slice %arg9[%dma_start3A_183, %dma_start3A_184] : memref<128x128xf32, #tpu.memory_space<vmem>> -> memref<16x128xf32, #tpu.memory_space<vmem>>
    %dma_start3A_186 = arith.constant 0 : i32
    %dma_start3A_187 = tpu.memref_slice %arg6[%add3A_182, %dma_start3A_186] : memref<10240x128xf32, #tpu.memory_space<vmem_shared>> -> memref<16x128xf32, #tpu.memory_space<vmem_shared>>
    %dma_start3A_188 = arith.constant 0 : i32
    %dma_start3A_189 = tpu.memref_slice %arg6[%add3A_182, %dma_start3A_188] : memref<10240x128xf32, #tpu.memory_space<vmem_shared>> -> memref<16x128xf32, #tpu.memory_space<vmem_shared>>
    %dma_start3A_190 = arith.constant 0 : i32
    %dma_start3A_191 = arith.constant 0 : i32
    %dma_start3A_192 = tpu.memref_slice %arg9[%dma_start3A_190, %dma_start3A_191] : memref<128x128xf32, #tpu.memory_space<vmem>> -> memref<16x128xf32, #tpu.memory_space<vmem>>
    tpu.enqueue_dma source(%dma_start3A_192 : memref<16x128xf32, #tpu.memory_space<vmem>>) target(%dma_start3A_189 : memref<16x128xf32, #tpu.memory_space<vmem_shared>>) target_semaphore(%arg15 : memref<!tpu.dma_semaphore, #tpu.memory_space<semaphore_mem>>)
    %mul3A_193 = arith.constant 640 : i32
    %mul3A_194 = arith.muli %arg1, %mul3A_193 : i32
    %add3A_195 = arith.constant 208 : i32
    %add3A_196 = arith.addi %mul3A_194, %add3A_195 : i32
    %dma_start3A_197 = arith.constant 0 : i32
    %dma_start3A_198 = arith.constant 0 : i32
    %dma_start3A_199 = tpu.memref_slice %arg9[%dma_start3A_197, %dma_start3A_198] : memref<128x128xf32, #tpu.memory_space<vmem>> -> memref<16x128xf32, #tpu.memory_space<vmem>>
    %dma_start3A_200 = arith.constant 0 : i32
    %dma_start3A_201 = tpu.memref_slice %arg6[%add3A_196, %dma_start3A_200] : memref<10240x128xf32, #tpu.memory_space<vmem_shared>> -> memref<16x128xf32, #tpu.memory_space<vmem_shared>>
    %dma_start3A_202 = arith.constant 0 : i32
    %dma_start3A_203 = tpu.memref_slice %arg6[%add3A_196, %dma_start3A_202] : memref<10240x128xf32, #tpu.memory_space<vmem_shared>> -> memref<16x128xf32, #tpu.memory_space<vmem_shared>>
    %dma_start3A_204 = arith.constant 0 : i32
    %dma_start3A_205 = arith.constant 0 : i32
    %dma_start3A_206 = tpu.memref_slice %arg9[%dma_start3A_204, %dma_start3A_205] : memref<128x128xf32, #tpu.memory_space<vmem>> -> memref<16x128xf32, #tpu.memory_space<vmem>>
    tpu.enqueue_dma source(%dma_start3A_206 : memref<16x128xf32, #tpu.memory_space<vmem>>) target(%dma_start3A_203 : memref<16x128xf32, #tpu.memory_space<vmem_shared>>) target_semaphore(%arg15 : memref<!tpu.dma_semaphore, #tpu.memory_space<semaphore_mem>>)
    %mul3A_207 = arith.constant 640 : i32
    %mul3A_208 = arith.muli %arg1, %mul3A_207 : i32
    %add3A_209 = arith.constant 224 : i32
    %add3A_210 = arith.addi %mul3A_208, %add3A_209 : i32
    %dma_start3A_211 = arith.constant 0 : i32
    %dma_start3A_212 = arith.constant 0 : i32
    %dma_start3A_213 = tpu.memref_slice %arg9[%dma_start3A_211, %dma_start3A_212] : memref<128x128xf32, #tpu.memory_space<vmem>> -> memref<16x128xf32, #tpu.memory_space<vmem>>
    %dma_start3A_214 = arith.constant 0 : i32
    %dma_start3A_215 = tpu.memref_slice %arg6[%add3A_210, %dma_start3A_214] : memref<10240x128xf32, #tpu.memory_space<vmem_shared>> -> memref<16x128xf32, #tpu.memory_space<vmem_shared>>
    %dma_start3A_216 = arith.constant 0 : i32
    %dma_start3A_217 = tpu.memref_slice %arg6[%add3A_210, %dma_start3A_216] : memref<10240x128xf32, #tpu.memory_space<vmem_shared>> -> memref<16x128xf32, #tpu.memory_space<vmem_shared>>
    %dma_start3A_218 = arith.constant 0 : i32
    %dma_start3A_219 = arith.constant 0 : i32
    %dma_start3A_220 = tpu.memref_slice %arg9[%dma_start3A_218, %dma_start3A_219] : memref<128x128xf32, #tpu.memory_space<vmem>> -> memref<16x128xf32, #tpu.memory_space<vmem>>
    tpu.enqueue_dma source(%dma_start3A_220 : memref<16x128xf32, #tpu.memory_space<vmem>>) target(%dma_start3A_217 : memref<16x128xf32, #tpu.memory_space<vmem_shared>>) target_semaphore(%arg15 : memref<!tpu.dma_semaphore, #tpu.memory_space<semaphore_mem>>)
    %mul3A_221 = arith.constant 640 : i32
    %mul3A_222 = arith.muli %arg1, %mul3A_221 : i32
    %add3A_223 = arith.constant 240 : i32
    %add3A_224 = arith.addi %mul3A_222, %add3A_223 : i32
    %dma_start3A_225 = arith.constant 0 : i32
    %dma_start3A_226 = arith.constant 0 : i32
    %dma_start3A_227 = tpu.memref_slice %arg9[%dma_start3A_225, %dma_start3A_226] : memref<128x128xf32, #tpu.memory_space<vmem>> -> memref<16x128xf32, #tpu.memory_space<vmem>>
    %dma_start3A_228 = arith.constant 0 : i32
    %dma_start3A_229 = tpu.memref_slice %arg6[%add3A_224, %dma_start3A_228] : memref<10240x128xf32, #tpu.memory_space<vmem_shared>> -> memref<16x128xf32, #tpu.memory_space<vmem_shared>>
    %dma_start3A_230 = arith.constant 0 : i32
    %dma_start3A_231 = tpu.memref_slice %arg6[%add3A_224, %dma_start3A_230] : memref<10240x128xf32, #tpu.memory_space<vmem_shared>> -> memref<16x128xf32, #tpu.memory_space<vmem_shared>>
    %dma_start3A_232 = arith.constant 0 : i32
    %dma_start3A_233 = arith.constant 0 : i32
    %dma_start3A_234 = tpu.memref_slice %arg9[%dma_start3A_232, %dma_start3A_233] : memref<128x128xf32, #tpu.memory_space<vmem>> -> memref<16x128xf32, #tpu.memory_space<vmem>>
    tpu.enqueue_dma source(%dma_start3A_234 : memref<16x128xf32, #tpu.memory_space<vmem>>) target(%dma_start3A_231 : memref<16x128xf32, #tpu.memory_space<vmem_shared>>) target_semaphore(%arg15 : memref<!tpu.dma_semaphore, #tpu.memory_space<semaphore_mem>>)
    %mul3A_235 = arith.constant 640 : i32
    %mul3A_236 = arith.muli %arg1, %mul3A_235 : i32
    %add3A_237 = arith.constant 256 : i32
    %add3A_238 = arith.addi %mul3A_236, %add3A_237 : i32
    %dma_start3A_239 = arith.constant 0 : i32
    %dma_start3A_240 = arith.constant 0 : i32
    %dma_start3A_241 = tpu.memref_slice %arg9[%dma_start3A_239, %dma_start3A_240] : memref<128x128xf32, #tpu.memory_space<vmem>> -> memref<16x128xf32, #tpu.memory_space<vmem>>
    %dma_start3A_242 = arith.constant 0 : i32
    %dma_start3A_243 = tpu.memref_slice %arg6[%add3A_238, %dma_start3A_242] : memref<10240x128xf32, #tpu.memory_space<vmem_shared>> -> memref<16x128xf32, #tpu.memory_space<vmem_shared>>
    %dma_start3A_244 = arith.constant 0 : i32
    %dma_start3A_245 = tpu.memref_slice %arg6[%add3A_238, %dma_start3A_244] : memref<10240x128xf32, #tpu.memory_space<vmem_shared>> -> memref<16x128xf32, #tpu.memory_space<vmem_shared>>
    %dma_start3A_246 = arith.constant 0 : i32
    %dma_start3A_247 = arith.constant 0 : i32
    %dma_start3A_248 = tpu.memref_slice %arg9[%dma_start3A_246, %dma_start3A_247] : memref<128x128xf32, #tpu.memory_space<vmem>> -> memref<16x128xf32, #tpu.memory_space<vmem>>
    tpu.enqueue_dma source(%dma_start3A_248 : memref<16x128xf32, #tpu.memory_space<vmem>>) target(%dma_start3A_245 : memref<16x128xf32, #tpu.memory_space<vmem_shared>>) target_semaphore(%arg15 : memref<!tpu.dma_semaphore, #tpu.memory_space<semaphore_mem>>)
    %mul3A_249 = arith.constant 640 : i32
    %mul3A_250 = arith.muli %arg1, %mul3A_249 : i32
    %add3A_251 = arith.constant 272 : i32
    %add3A_252 = arith.addi %mul3A_250, %add3A_251 : i32
    %dma_start3A_253 = arith.constant 0 : i32
    %dma_start3A_254 = arith.constant 0 : i32
    %dma_start3A_255 = tpu.memref_slice %arg9[%dma_start3A_253, %dma_start3A_254] : memref<128x128xf32, #tpu.memory_space<vmem>> -> memref<16x128xf32, #tpu.memory_space<vmem>>
    %dma_start3A_256 = arith.constant 0 : i32
    %dma_start3A_257 = tpu.memref_slice %arg6[%add3A_252, %dma_start3A_256] : memref<10240x128xf32, #tpu.memory_space<vmem_shared>> -> memref<16x128xf32, #tpu.memory_space<vmem_shared>>
    %dma_start3A_258 = arith.constant 0 : i32
    %dma_start3A_259 = tpu.memref_slice %arg6[%add3A_252, %dma_start3A_258] : memref<10240x128xf32, #tpu.memory_space<vmem_shared>> -> memref<16x128xf32, #tpu.memory_space<vmem_shared>>
    %dma_start3A_260 = arith.constant 0 : i32
    %dma_start3A_261 = arith.constant 0 : i32
    %dma_start3A_262 = tpu.memref_slice %arg9[%dma_start3A_260, %dma_start3A_261] : memref<128x128xf32, #tpu.memory_space<vmem>> -> memref<16x128xf32, #tpu.memory_space<vmem>>
    tpu.enqueue_dma source(%dma_start3A_262 : memref<16x128xf32, #tpu.memory_space<vmem>>) target(%dma_start3A_259 : memref<16x128xf32, #tpu.memory_space<vmem_shared>>) target_semaphore(%arg15 : memref<!tpu.dma_semaphore, #tpu.memory_space<semaphore_mem>>)
    %mul3A_263 = arith.constant 640 : i32
    %mul3A_264 = arith.muli %arg1, %mul3A_263 : i32
    %add3A_265 = arith.constant 288 : i32
    %add3A_266 = arith.addi %mul3A_264, %add3A_265 : i32
    %dma_start3A_267 = arith.constant 0 : i32
    %dma_start3A_268 = arith.constant 0 : i32
    %dma_start3A_269 = tpu.memref_slice %arg9[%dma_start3A_267, %dma_start3A_268] : memref<128x128xf32, #tpu.memory_space<vmem>> -> memref<16x128xf32, #tpu.memory_space<vmem>>
    %dma_start3A_270 = arith.constant 0 : i32
    %dma_start3A_271 = tpu.memref_slice %arg6[%add3A_266, %dma_start3A_270] : memref<10240x128xf32, #tpu.memory_space<vmem_shared>> -> memref<16x128xf32, #tpu.memory_space<vmem_shared>>
    %dma_start3A_272 = arith.constant 0 : i32
    %dma_start3A_273 = tpu.memref_slice %arg6[%add3A_266, %dma_start3A_272] : memref<10240x128xf32, #tpu.memory_space<vmem_shared>> -> memref<16x128xf32, #tpu.memory_space<vmem_shared>>
    %dma_start3A_274 = arith.constant 0 : i32
    %dma_start3A_275 = arith.constant 0 : i32
    %dma_start3A_276 = tpu.memref_slice %arg9[%dma_start3A_274, %dma_start3A_275] : memref<128x128xf32, #tpu.memory_space<vmem>> -> memref<16x128xf32, #tpu.memory_space<vmem>>
    tpu.enqueue_dma source(%dma_start3A_276 : memref<16x128xf32, #tpu.memory_space<vmem>>) target(%dma_start3A_273 : memref<16x128xf32, #tpu.memory_space<vmem_shared>>) target_semaphore(%arg15 : memref<!tpu.dma_semaphore, #tpu.memory_space<semaphore_mem>>)
    %mul3A_277 = arith.constant 640 : i32
    %mul3A_278 = arith.muli %arg1, %mul3A_277 : i32
    %add3A_279 = arith.constant 304 : i32
    %add3A_280 = arith.addi %mul3A_278, %add3A_279 : i32
    %dma_start3A_281 = arith.constant 0 : i32
    %dma_start3A_282 = arith.constant 0 : i32
    %dma_start3A_283 = tpu.memref_slice %arg9[%dma_start3A_281, %dma_start3A_282] : memref<128x128xf32, #tpu.memory_space<vmem>> -> memref<16x128xf32, #tpu.memory_space<vmem>>
    %dma_start3A_284 = arith.constant 0 : i32
    %dma_start3A_285 = tpu.memref_slice %arg6[%add3A_280, %dma_start3A_284] : memref<10240x128xf32, #tpu.memory_space<vmem_shared>> -> memref<16x128xf32, #tpu.memory_space<vmem_shared>>
    %dma_start3A_286 = arith.constant 0 : i32
    %dma_start3A_287 = tpu.memref_slice %arg6[%add3A_280, %dma_start3A_286] : memref<10240x128xf32, #tpu.memory_space<vmem_shared>> -> memref<16x128xf32, #tpu.memory_space<vmem_shared>>
    %dma_start3A_288 = arith.constant 0 : i32
    %dma_start3A_289 = arith.constant 0 : i32
    %dma_start3A_290 = tpu.memref_slice %arg9[%dma_start3A_288, %dma_start3A_289] : memref<128x128xf32, #tpu.memory_space<vmem>> -> memref<16x128xf32, #tpu.memory_space<vmem>>
    tpu.enqueue_dma source(%dma_start3A_290 : memref<16x128xf32, #tpu.memory_space<vmem>>) target(%dma_start3A_287 : memref<16x128xf32, #tpu.memory_space<vmem_shared>>) target_semaphore(%arg15 : memref<!tpu.dma_semaphore, #tpu.memory_space<semaphore_mem>>)
    %mul3A_291 = arith.constant 640 : i32
    %mul3A_292 = arith.muli %arg1, %mul3A_291 : i32
    %add3A_293 = arith.constant 320 : i32
    %add3A_294 = arith.addi %mul3A_292, %add3A_293 : i32
    %dma_start3A_295 = arith.constant 0 : i32
    %dma_start3A_296 = arith.constant 0 : i32
    %dma_start3A_297 = tpu.memref_slice %arg9[%dma_start3A_295, %dma_start3A_296] : memref<128x128xf32, #tpu.memory_space<vmem>> -> memref<16x128xf32, #tpu.memory_space<vmem>>
    %dma_start3A_298 = arith.constant 0 : i32
    %dma_start3A_299 = tpu.memref_slice %arg6[%add3A_294, %dma_start3A_298] : memref<10240x128xf32, #tpu.memory_space<vmem_shared>> -> memref<16x128xf32, #tpu.memory_space<vmem_shared>>
    %dma_start3A_300 = arith.constant 0 : i32
    %dma_start3A_301 = tpu.memref_slice %arg6[%add3A_294, %dma_start3A_300] : memref<10240x128xf32, #tpu.memory_space<vmem_shared>> -> memref<16x128xf32, #tpu.memory_space<vmem_shared>>
    %dma_start3A_302 = arith.constant 0 : i32
    %dma_start3A_303 = arith.constant 0 : i32
    %dma_start3A_304 = tpu.memref_slice %arg9[%dma_start3A_302, %dma_start3A_303] : memref<128x128xf32, #tpu.memory_space<vmem>> -> memref<16x128xf32, #tpu.memory_space<vmem>>
    tpu.enqueue_dma source(%dma_start3A_304 : memref<16x128xf32, #tpu.memory_space<vmem>>) target(%dma_start3A_301 : memref<16x128xf32, #tpu.memory_space<vmem_shared>>) target_semaphore(%arg15 : memref<!tpu.dma_semaphore, #tpu.memory_space<semaphore_mem>>)
    %mul3A_305 = arith.constant 640 : i32
    %mul3A_306 = arith.muli %arg1, %mul3A_305 : i32
    %add3A_307 = arith.constant 336 : i32
    %add3A_308 = arith.addi %mul3A_306, %add3A_307 : i32
    %dma_start3A_309 = arith.constant 0 : i32
    %dma_start3A_310 = arith.constant 0 : i32
    %dma_start3A_311 = tpu.memref_slice %arg9[%dma_start3A_309, %dma_start3A_310] : memref<128x128xf32, #tpu.memory_space<vmem>> -> memref<16x128xf32, #tpu.memory_space<vmem>>
    %dma_start3A_312 = arith.constant 0 : i32
    %dma_start3A_313 = tpu.memref_slice %arg6[%add3A_308, %dma_start3A_312] : memref<10240x128xf32, #tpu.memory_space<vmem_shared>> -> memref<16x128xf32, #tpu.memory_space<vmem_shared>>
    %dma_start3A_314 = arith.constant 0 : i32
    %dma_start3A_315 = tpu.memref_slice %arg6[%add3A_308, %dma_start3A_314] : memref<10240x128xf32, #tpu.memory_space<vmem_shared>> -> memref<16x128xf32, #tpu.memory_space<vmem_shared>>
    %dma_start3A_316 = arith.constant 0 : i32
    %dma_start3A_317 = arith.constant 0 : i32
    %dma_start3A_318 = tpu.memref_slice %arg9[%dma_start3A_316, %dma_start3A_317] : memref<128x128xf32, #tpu.memory_space<vmem>> -> memref<16x128xf32, #tpu.memory_space<vmem>>
    tpu.enqueue_dma source(%dma_start3A_318 : memref<16x128xf32, #tpu.memory_space<vmem>>) target(%dma_start3A_315 : memref<16x128xf32, #tpu.memory_space<vmem_shared>>) target_semaphore(%arg15 : memref<!tpu.dma_semaphore, #tpu.memory_space<semaphore_mem>>)
    %mul3A_319 = arith.constant 640 : i32
    %mul3A_320 = arith.muli %arg1, %mul3A_319 : i32
    %add3A_321 = arith.constant 352 : i32
    %add3A_322 = arith.addi %mul3A_320, %add3A_321 : i32
    %dma_start3A_323 = arith.constant 0 : i32
    %dma_start3A_324 = arith.constant 0 : i32
    %dma_start3A_325 = tpu.memref_slice %arg9[%dma_start3A_323, %dma_start3A_324] : memref<128x128xf32, #tpu.memory_space<vmem>> -> memref<16x128xf32, #tpu.memory_space<vmem>>
    %dma_start3A_326 = arith.constant 0 : i32
    %dma_start3A_327 = tpu.memref_slice %arg6[%add3A_322, %dma_start3A_326] : memref<10240x128xf32, #tpu.memory_space<vmem_shared>> -> memref<16x128xf32, #tpu.memory_space<vmem_shared>>
    %dma_start3A_328 = arith.constant 0 : i32
    %dma_start3A_329 = tpu.memref_slice %arg6[%add3A_322, %dma_start3A_328] : memref<10240x128xf32, #tpu.memory_space<vmem_shared>> -> memref<16x128xf32, #tpu.memory_space<vmem_shared>>
    %dma_start3A_330 = arith.constant 0 : i32
    %dma_start3A_331 = arith.constant 0 : i32
    %dma_start3A_332 = tpu.memref_slice %arg9[%dma_start3A_330, %dma_start3A_331] : memref<128x128xf32, #tpu.memory_space<vmem>> -> memref<16x128xf32, #tpu.memory_space<vmem>>
    tpu.enqueue_dma source(%dma_start3A_332 : memref<16x128xf32, #tpu.memory_space<vmem>>) target(%dma_start3A_329 : memref<16x128xf32, #tpu.memory_space<vmem_shared>>) target_semaphore(%arg15 : memref<!tpu.dma_semaphore, #tpu.memory_space<semaphore_mem>>)
    %mul3A_333 = arith.constant 640 : i32
    %mul3A_334 = arith.muli %arg1, %mul3A_333 : i32
    %add3A_335 = arith.constant 368 : i32
    %add3A_336 = arith.addi %mul3A_334, %add3A_335 : i32
    %dma_start3A_337 = arith.constant 0 : i32
    %dma_start3A_338 = arith.constant 0 : i32
    %dma_start3A_339 = tpu.memref_slice %arg9[%dma_start3A_337, %dma_start3A_338] : memref<128x128xf32, #tpu.memory_space<vmem>> -> memref<16x128xf32, #tpu.memory_space<vmem>>
    %dma_start3A_340 = arith.constant 0 : i32
    %dma_start3A_341 = tpu.memref_slice %arg6[%add3A_336, %dma_start3A_340] : memref<10240x128xf32, #tpu.memory_space<vmem_shared>> -> memref<16x128xf32, #tpu.memory_space<vmem_shared>>
    %dma_start3A_342 = arith.constant 0 : i32
    %dma_start3A_343 = tpu.memref_slice %arg6[%add3A_336, %dma_start3A_342] : memref<10240x128xf32, #tpu.memory_space<vmem_shared>> -> memref<16x128xf32, #tpu.memory_space<vmem_shared>>
    %dma_start3A_344 = arith.constant 0 : i32
    %dma_start3A_345 = arith.constant 0 : i32
    %dma_start3A_346 = tpu.memref_slice %arg9[%dma_start3A_344, %dma_start3A_345] : memref<128x128xf32, #tpu.memory_space<vmem>> -> memref<16x128xf32, #tpu.memory_space<vmem>>
    tpu.enqueue_dma source(%dma_start3A_346 : memref<16x128xf32, #tpu.memory_space<vmem>>) target(%dma_start3A_343 : memref<16x128xf32, #tpu.memory_space<vmem_shared>>) target_semaphore(%arg15 : memref<!tpu.dma_semaphore, #tpu.memory_space<semaphore_mem>>)
    %mul3A_347 = arith.constant 640 : i32
    %mul3A_348 = arith.muli %arg1, %mul3A_347 : i32
    %add3A_349 = arith.constant 384 : i32
    %add3A_350 = arith.addi %mul3A_348, %add3A_349 : i32
    %dma_start3A_351 = arith.constant 0 : i32
    %dma_start3A_352 = arith.constant 0 : i32
    %dma_start3A_353 = tpu.memref_slice %arg9[%dma_start3A_351, %dma_start3A_352] : memref<128x128xf32, #tpu.memory_space<vmem>> -> memref<16x128xf32, #tpu.memory_space<vmem>>
    %dma_start3A_354 = arith.constant 0 : i32
    %dma_start3A_355 = tpu.memref_slice %arg6[%add3A_350, %dma_start3A_354] : memref<10240x128xf32, #tpu.memory_space<vmem_shared>> -> memref<16x128xf32, #tpu.memory_space<vmem_shared>>
    %dma_start3A_356 = arith.constant 0 : i32
    %dma_start3A_357 = tpu.memref_slice %arg6[%add3A_350, %dma_start3A_356] : memref<10240x128xf32, #tpu.memory_space<vmem_shared>> -> memref<16x128xf32, #tpu.memory_space<vmem_shared>>
    %dma_start3A_358 = arith.constant 0 : i32
    %dma_start3A_359 = arith.constant 0 : i32
    %dma_start3A_360 = tpu.memref_slice %arg9[%dma_start3A_358, %dma_start3A_359] : memref<128x128xf32, #tpu.memory_space<vmem>> -> memref<16x128xf32, #tpu.memory_space<vmem>>
    tpu.enqueue_dma source(%dma_start3A_360 : memref<16x128xf32, #tpu.memory_space<vmem>>) target(%dma_start3A_357 : memref<16x128xf32, #tpu.memory_space<vmem_shared>>) target_semaphore(%arg15 : memref<!tpu.dma_semaphore, #tpu.memory_space<semaphore_mem>>)
    %mul3A_361 = arith.constant 640 : i32
    %mul3A_362 = arith.muli %arg1, %mul3A_361 : i32
    %add3A_363 = arith.constant 400 : i32
    %add3A_364 = arith.addi %mul3A_362, %add3A_363 : i32
    %dma_start3A_365 = arith.constant 0 : i32
    %dma_start3A_366 = arith.constant 0 : i32
    %dma_start3A_367 = tpu.memref_slice %arg9[%dma_start3A_365, %dma_start3A_366] : memref<128x128xf32, #tpu.memory_space<vmem>> -> memref<16x128xf32, #tpu.memory_space<vmem>>
    %dma_start3A_368 = arith.constant 0 : i32
    %dma_start3A_369 = tpu.memref_slice %arg6[%add3A_364, %dma_start3A_368] : memref<10240x128xf32, #tpu.memory_space<vmem_shared>> -> memref<16x128xf32, #tpu.memory_space<vmem_shared>>
    %dma_start3A_370 = arith.constant 0 : i32
    %dma_start3A_371 = tpu.memref_slice %arg6[%add3A_364, %dma_start3A_370] : memref<10240x128xf32, #tpu.memory_space<vmem_shared>> -> memref<16x128xf32, #tpu.memory_space<vmem_shared>>
    %dma_start3A_372 = arith.constant 0 : i32
    %dma_start3A_373 = arith.constant 0 : i32
    %dma_start3A_374 = tpu.memref_slice %arg9[%dma_start3A_372, %dma_start3A_373] : memref<128x128xf32, #tpu.memory_space<vmem>> -> memref<16x128xf32, #tpu.memory_space<vmem>>
    tpu.enqueue_dma source(%dma_start3A_374 : memref<16x128xf32, #tpu.memory_space<vmem>>) target(%dma_start3A_371 : memref<16x128xf32, #tpu.memory_space<vmem_shared>>) target_semaphore(%arg15 : memref<!tpu.dma_semaphore, #tpu.memory_space<semaphore_mem>>)
    %mul3A_375 = arith.constant 640 : i32
    %mul3A_376 = arith.muli %arg1, %mul3A_375 : i32
    %add3A_377 = arith.constant 416 : i32
    %add3A_378 = arith.addi %mul3A_376, %add3A_377 : i32
    %dma_start3A_379 = arith.constant 0 : i32
    %dma_start3A_380 = arith.constant 0 : i32
    %dma_start3A_381 = tpu.memref_slice %arg9[%dma_start3A_379, %dma_start3A_380] : memref<128x128xf32, #tpu.memory_space<vmem>> -> memref<16x128xf32, #tpu.memory_space<vmem>>
    %dma_start3A_382 = arith.constant 0 : i32
    %dma_start3A_383 = tpu.memref_slice %arg6[%add3A_378, %dma_start3A_382] : memref<10240x128xf32, #tpu.memory_space<vmem_shared>> -> memref<16x128xf32, #tpu.memory_space<vmem_shared>>
    %dma_start3A_384 = arith.constant 0 : i32
    %dma_start3A_385 = tpu.memref_slice %arg6[%add3A_378, %dma_start3A_384] : memref<10240x128xf32, #tpu.memory_space<vmem_shared>> -> memref<16x128xf32, #tpu.memory_space<vmem_shared>>
    %dma_start3A_386 = arith.constant 0 : i32
    %dma_start3A_387 = arith.constant 0 : i32
    %dma_start3A_388 = tpu.memref_slice %arg9[%dma_start3A_386, %dma_start3A_387] : memref<128x128xf32, #tpu.memory_space<vmem>> -> memref<16x128xf32, #tpu.memory_space<vmem>>
    tpu.enqueue_dma source(%dma_start3A_388 : memref<16x128xf32, #tpu.memory_space<vmem>>) target(%dma_start3A_385 : memref<16x128xf32, #tpu.memory_space<vmem_shared>>) target_semaphore(%arg15 : memref<!tpu.dma_semaphore, #tpu.memory_space<semaphore_mem>>)
    %mul3A_389 = arith.constant 640 : i32
    %mul3A_390 = arith.muli %arg1, %mul3A_389 : i32
    %add3A_391 = arith.constant 432 : i32
    %add3A_392 = arith.addi %mul3A_390, %add3A_391 : i32
    %dma_start3A_393 = arith.constant 0 : i32
    %dma_start3A_394 = arith.constant 0 : i32
    %dma_start3A_395 = tpu.memref_slice %arg9[%dma_start3A_393, %dma_start3A_394] : memref<128x128xf32, #tpu.memory_space<vmem>> -> memref<16x128xf32, #tpu.memory_space<vmem>>
    %dma_start3A_396 = arith.constant 0 : i32
    %dma_start3A_397 = tpu.memref_slice %arg6[%add3A_392, %dma_start3A_396] : memref<10240x128xf32, #tpu.memory_space<vmem_shared>> -> memref<16x128xf32, #tpu.memory_space<vmem_shared>>
    %dma_start3A_398 = arith.constant 0 : i32
    %dma_start3A_399 = tpu.memref_slice %arg6[%add3A_392, %dma_start3A_398] : memref<10240x128xf32, #tpu.memory_space<vmem_shared>> -> memref<16x128xf32, #tpu.memory_space<vmem_shared>>
    %dma_start3A_400 = arith.constant 0 : i32
    %dma_start3A_401 = arith.constant 0 : i32
    %dma_start3A_402 = tpu.memref_slice %arg9[%dma_start3A_400, %dma_start3A_401] : memref<128x128xf32, #tpu.memory_space<vmem>> -> memref<16x128xf32, #tpu.memory_space<vmem>>
    tpu.enqueue_dma source(%dma_start3A_402 : memref<16x128xf32, #tpu.memory_space<vmem>>) target(%dma_start3A_399 : memref<16x128xf32, #tpu.memory_space<vmem_shared>>) target_semaphore(%arg15 : memref<!tpu.dma_semaphore, #tpu.memory_space<semaphore_mem>>)
    %mul3A_403 = arith.constant 640 : i32
    %mul3A_404 = arith.muli %arg1, %mul3A_403 : i32
    %add3A_405 = arith.constant 448 : i32
    %add3A_406 = arith.addi %mul3A_404, %add3A_405 : i32
    %dma_start3A_407 = arith.constant 0 : i32
    %dma_start3A_408 = arith.constant 0 : i32
    %dma_start3A_409 = tpu.memref_slice %arg9[%dma_start3A_407, %dma_start3A_408] : memref<128x128xf32, #tpu.memory_space<vmem>> -> memref<16x128xf32, #tpu.memory_space<vmem>>
    %dma_start3A_410 = arith.constant 0 : i32
    %dma_start3A_411 = tpu.memref_slice %arg6[%add3A_406, %dma_start3A_410] : memref<10240x128xf32, #tpu.memory_space<vmem_shared>> -> memref<16x128xf32, #tpu.memory_space<vmem_shared>>
    %dma_start3A_412 = arith.constant 0 : i32
    %dma_start3A_413 = tpu.memref_slice %arg6[%add3A_406, %dma_start3A_412] : memref<10240x128xf32, #tpu.memory_space<vmem_shared>> -> memref<16x128xf32, #tpu.memory_space<vmem_shared>>
    %dma_start3A_414 = arith.constant 0 : i32
    %dma_start3A_415 = arith.constant 0 : i32
    %dma_start3A_416 = tpu.memref_slice %arg9[%dma_start3A_414, %dma_start3A_415] : memref<128x128xf32, #tpu.memory_space<vmem>> -> memref<16x128xf32, #tpu.memory_space<vmem>>
    tpu.enqueue_dma source(%dma_start3A_416 : memref<16x128xf32, #tpu.memory_space<vmem>>) target(%dma_start3A_413 : memref<16x128xf32, #tpu.memory_space<vmem_shared>>) target_semaphore(%arg15 : memref<!tpu.dma_semaphore, #tpu.memory_space<semaphore_mem>>)
    %mul3A_417 = arith.constant 640 : i32
    %mul3A_418 = arith.muli %arg1, %mul3A_417 : i32
    %add3A_419 = arith.constant 464 : i32
    %add3A_420 = arith.addi %mul3A_418, %add3A_419 : i32
    %dma_start3A_421 = arith.constant 0 : i32
    %dma_start3A_422 = arith.constant 0 : i32
    %dma_start3A_423 = tpu.memref_slice %arg9[%dma_start3A_421, %dma_start3A_422] : memref<128x128xf32, #tpu.memory_space<vmem>> -> memref<16x128xf32, #tpu.memory_space<vmem>>
    %dma_start3A_424 = arith.constant 0 : i32
    %dma_start3A_425 = tpu.memref_slice %arg6[%add3A_420, %dma_start3A_424] : memref<10240x128xf32, #tpu.memory_space<vmem_shared>> -> memref<16x128xf32, #tpu.memory_space<vmem_shared>>
    %dma_start3A_426 = arith.constant 0 : i32
    %dma_start3A_427 = tpu.memref_slice %arg6[%add3A_420, %dma_start3A_426] : memref<10240x128xf32, #tpu.memory_space<vmem_shared>> -> memref<16x128xf32, #tpu.memory_space<vmem_shared>>
    %dma_start3A_428 = arith.constant 0 : i32
    %dma_start3A_429 = arith.constant 0 : i32
    %dma_start3A_430 = tpu.memref_slice %arg9[%dma_start3A_428, %dma_start3A_429] : memref<128x128xf32, #tpu.memory_space<vmem>> -> memref<16x128xf32, #tpu.memory_space<vmem>>
    tpu.enqueue_dma source(%dma_start3A_430 : memref<16x128xf32, #tpu.memory_space<vmem>>) target(%dma_start3A_427 : memref<16x128xf32, #tpu.memory_space<vmem_shared>>) target_semaphore(%arg15 : memref<!tpu.dma_semaphore, #tpu.memory_space<semaphore_mem>>)
    %mul3A_431 = arith.constant 640 : i32
    %mul3A_432 = arith.muli %arg1, %mul3A_431 : i32
    %add3A_433 = arith.constant 480 : i32
    %add3A_434 = arith.addi %mul3A_432, %add3A_433 : i32
    %dma_start3A_435 = arith.constant 0 : i32
    %dma_start3A_436 = arith.constant 0 : i32
    %dma_start3A_437 = tpu.memref_slice %arg9[%dma_start3A_435, %dma_start3A_436] : memref<128x128xf32, #tpu.memory_space<vmem>> -> memref<16x128xf32, #tpu.memory_space<vmem>>
    %dma_start3A_438 = arith.constant 0 : i32
    %dma_start3A_439 = tpu.memref_slice %arg6[%add3A_434, %dma_start3A_438] : memref<10240x128xf32, #tpu.memory_space<vmem_shared>> -> memref<16x128xf32, #tpu.memory_space<vmem_shared>>
    %dma_start3A_440 = arith.constant 0 : i32
    %dma_start3A_441 = tpu.memref_slice %arg6[%add3A_434, %dma_start3A_440] : memref<10240x128xf32, #tpu.memory_space<vmem_shared>> -> memref<16x128xf32, #tpu.memory_space<vmem_shared>>
    %dma_start3A_442 = arith.constant 0 : i32
    %dma_start3A_443 = arith.constant 0 : i32
    %dma_start3A_444 = tpu.memref_slice %arg9[%dma_start3A_442, %dma_start3A_443] : memref<128x128xf32, #tpu.memory_space<vmem>> -> memref<16x128xf32, #tpu.memory_space<vmem>>
    tpu.enqueue_dma source(%dma_start3A_444 : memref<16x128xf32, #tpu.memory_space<vmem>>) target(%dma_start3A_441 : memref<16x128xf32, #tpu.memory_space<vmem_shared>>) target_semaphore(%arg15 : memref<!tpu.dma_semaphore, #tpu.memory_space<semaphore_mem>>)
    %mul3A_445 = arith.constant 640 : i32
    %mul3A_446 = arith.muli %arg1, %mul3A_445 : i32
    %add3A_447 = arith.constant 496 : i32
    %add3A_448 = arith.addi %mul3A_446, %add3A_447 : i32
    %dma_start3A_449 = arith.constant 0 : i32
    %dma_start3A_450 = arith.constant 0 : i32
    %dma_start3A_451 = tpu.memref_slice %arg9[%dma_start3A_449, %dma_start3A_450] : memref<128x128xf32, #tpu.memory_space<vmem>> -> memref<16x128xf32, #tpu.memory_space<vmem>>
    %dma_start3A_452 = arith.constant 0 : i32
    %dma_start3A_453 = tpu.memref_slice %arg6[%add3A_448, %dma_start3A_452] : memref<10240x128xf32, #tpu.memory_space<vmem_shared>> -> memref<16x128xf32, #tpu.memory_space<vmem_shared>>
    %dma_start3A_454 = arith.constant 0 : i32
    %dma_start3A_455 = tpu.memref_slice %arg6[%add3A_448, %dma_start3A_454] : memref<10240x128xf32, #tpu.memory_space<vmem_shared>> -> memref<16x128xf32, #tpu.memory_space<vmem_shared>>
    %dma_start3A_456 = arith.constant 0 : i32
    %dma_start3A_457 = arith.constant 0 : i32
    %dma_start3A_458 = tpu.memref_slice %arg9[%dma_start3A_456, %dma_start3A_457] : memref<128x128xf32, #tpu.memory_space<vmem>> -> memref<16x128xf32, #tpu.memory_space<vmem>>
    tpu.enqueue_dma source(%dma_start3A_458 : memref<16x128xf32, #tpu.memory_space<vmem>>) target(%dma_start3A_455 : memref<16x128xf32, #tpu.memory_space<vmem_shared>>) target_semaphore(%arg15 : memref<!tpu.dma_semaphore, #tpu.memory_space<semaphore_mem>>)
    %mul3A_459 = arith.constant 640 : i32
    %mul3A_460 = arith.muli %arg1, %mul3A_459 : i32
    %add3A_461 = arith.constant 512 : i32
    %add3A_462 = arith.addi %mul3A_460, %add3A_461 : i32
    %dma_start3A_463 = arith.constant 0 : i32
    %dma_start3A_464 = arith.constant 0 : i32
    %dma_start3A_465 = tpu.memref_slice %arg9[%dma_start3A_463, %dma_start3A_464] : memref<128x128xf32, #tpu.memory_space<vmem>> -> memref<16x128xf32, #tpu.memory_space<vmem>>
    %dma_start3A_466 = arith.constant 0 : i32
    %dma_start3A_467 = tpu.memref_slice %arg6[%add3A_462, %dma_start3A_466] : memref<10240x128xf32, #tpu.memory_space<vmem_shared>> -> memref<16x128xf32, #tpu.memory_space<vmem_shared>>
    %dma_start3A_468 = arith.constant 0 : i32
    %dma_start3A_469 = tpu.memref_slice %arg6[%add3A_462, %dma_start3A_468] : memref<10240x128xf32, #tpu.memory_space<vmem_shared>> -> memref<16x128xf32, #tpu.memory_space<vmem_shared>>
    %dma_start3A_470 = arith.constant 0 : i32
    %dma_start3A_471 = arith.constant 0 : i32
    %dma_start3A_472 = tpu.memref_slice %arg9[%dma_start3A_470, %dma_start3A_471] : memref<128x128xf32, #tpu.memory_space<vmem>> -> memref<16x128xf32, #tpu.memory_space<vmem>>
    tpu.enqueue_dma source(%dma_start3A_472 : memref<16x128xf32, #tpu.memory_space<vmem>>) target(%dma_start3A_469 : memref<16x128xf32, #tpu.memory_space<vmem_shared>>) target_semaphore(%arg15 : memref<!tpu.dma_semaphore, #tpu.memory_space<semaphore_mem>>)
    %mul3A_473 = arith.constant 640 : i32
    %mul3A_474 = arith.muli %arg1, %mul3A_473 : i32
    %add3A_475 = arith.constant 528 : i32
    %add3A_476 = arith.addi %mul3A_474, %add3A_475 : i32
    %dma_start3A_477 = arith.constant 0 : i32
    %dma_start3A_478 = arith.constant 0 : i32
    %dma_start3A_479 = tpu.memref_slice %arg9[%dma_start3A_477, %dma_start3A_478] : memref<128x128xf32, #tpu.memory_space<vmem>> -> memref<16x128xf32, #tpu.memory_space<vmem>>
    %dma_start3A_480 = arith.constant 0 : i32
    %dma_start3A_481 = tpu.memref_slice %arg6[%add3A_476, %dma_start3A_480] : memref<10240x128xf32, #tpu.memory_space<vmem_shared>> -> memref<16x128xf32, #tpu.memory_space<vmem_shared>>
    %dma_start3A_482 = arith.constant 0 : i32
    %dma_start3A_483 = tpu.memref_slice %arg6[%add3A_476, %dma_start3A_482] : memref<10240x128xf32, #tpu.memory_space<vmem_shared>> -> memref<16x128xf32, #tpu.memory_space<vmem_shared>>
    %dma_start3A_484 = arith.constant 0 : i32
    %dma_start3A_485 = arith.constant 0 : i32
    %dma_start3A_486 = tpu.memref_slice %arg9[%dma_start3A_484, %dma_start3A_485] : memref<128x128xf32, #tpu.memory_space<vmem>> -> memref<16x128xf32, #tpu.memory_space<vmem>>
    tpu.enqueue_dma source(%dma_start3A_486 : memref<16x128xf32, #tpu.memory_space<vmem>>) target(%dma_start3A_483 : memref<16x128xf32, #tpu.memory_space<vmem_shared>>) target_semaphore(%arg15 : memref<!tpu.dma_semaphore, #tpu.memory_space<semaphore_mem>>)
    %mul3A_487 = arith.constant 640 : i32
    %mul3A_488 = arith.muli %arg1, %mul3A_487 : i32
    %add3A_489 = arith.constant 544 : i32
    %add3A_490 = arith.addi %mul3A_488, %add3A_489 : i32
    %dma_start3A_491 = arith.constant 0 : i32
    %dma_start3A_492 = arith.constant 0 : i32
    %dma_start3A_493 = tpu.memref_slice %arg9[%dma_start3A_491, %dma_start3A_492] : memref<128x128xf32, #tpu.memory_space<vmem>> -> memref<16x128xf32, #tpu.memory_space<vmem>>
    %dma_start3A_494 = arith.constant 0 : i32
    %dma_start3A_495 = tpu.memref_slice %arg6[%add3A_490, %dma_start3A_494] : memref<10240x128xf32, #tpu.memory_space<vmem_shared>> -> memref<16x128xf32, #tpu.memory_space<vmem_shared>>
    %dma_start3A_496 = arith.constant 0 : i32
    %dma_start3A_497 = tpu.memref_slice %arg6[%add3A_490, %dma_start3A_496] : memref<10240x128xf32, #tpu.memory_space<vmem_shared>> -> memref<16x128xf32, #tpu.memory_space<vmem_shared>>
    %dma_start3A_498 = arith.constant 0 : i32
    %dma_start3A_499 = arith.constant 0 : i32
    %dma_start3A_500 = tpu.memref_slice %arg9[%dma_start3A_498, %dma_start3A_499] : memref<128x128xf32, #tpu.memory_space<vmem>> -> memref<16x128xf32, #tpu.memory_space<vmem>>
    tpu.enqueue_dma source(%dma_start3A_500 : memref<16x128xf32, #tpu.memory_space<vmem>>) target(%dma_start3A_497 : memref<16x128xf32, #tpu.memory_space<vmem_shared>>) target_semaphore(%arg15 : memref<!tpu.dma_semaphore, #tpu.memory_space<semaphore_mem>>)
    %mul3A_501 = arith.constant 640 : i32
    %mul3A_502 = arith.muli %arg1, %mul3A_501 : i32
    %add3A_503 = arith.constant 560 : i32
    %add3A_504 = arith.addi %mul3A_502, %add3A_503 : i32
    %dma_start3A_505 = arith.constant 0 : i32
    %dma_start3A_506 = arith.constant 0 : i32
    %dma_start3A_507 = tpu.memref_slice %arg9[%dma_start3A_505, %dma_start3A_506] : memref<128x128xf32, #tpu.memory_space<vmem>> -> memref<16x128xf32, #tpu.memory_space<vmem>>
    %dma_start3A_508 = arith.constant 0 : i32
    %dma_start3A_509 = tpu.memref_slice %arg6[%add3A_504, %dma_start3A_508] : memref<10240x128xf32, #tpu.memory_space<vmem_shared>> -> memref<16x128xf32, #tpu.memory_space<vmem_shared>>
    %dma_start3A_510 = arith.constant 0 : i32
    %dma_start3A_511 = tpu.memref_slice %arg6[%add3A_504, %dma_start3A_510] : memref<10240x128xf32, #tpu.memory_space<vmem_shared>> -> memref<16x128xf32, #tpu.memory_space<vmem_shared>>
    %dma_start3A_512 = arith.constant 0 : i32
    %dma_start3A_513 = arith.constant 0 : i32
    %dma_start3A_514 = tpu.memref_slice %arg9[%dma_start3A_512, %dma_start3A_513] : memref<128x128xf32, #tpu.memory_space<vmem>> -> memref<16x128xf32, #tpu.memory_space<vmem>>
    tpu.enqueue_dma source(%dma_start3A_514 : memref<16x128xf32, #tpu.memory_space<vmem>>) target(%dma_start3A_511 : memref<16x128xf32, #tpu.memory_space<vmem_shared>>) target_semaphore(%arg15 : memref<!tpu.dma_semaphore, #tpu.memory_space<semaphore_mem>>)
    %mul3A_515 = arith.constant 640 : i32
    %mul3A_516 = arith.muli %arg1, %mul3A_515 : i32
    %add3A_517 = arith.constant 576 : i32
    %add3A_518 = arith.addi %mul3A_516, %add3A_517 : i32
    %dma_start3A_519 = arith.constant 0 : i32
    %dma_start3A_520 = arith.constant 0 : i32
    %dma_start3A_521 = tpu.memref_slice %arg9[%dma_start3A_519, %dma_start3A_520] : memref<128x128xf32, #tpu.memory_space<vmem>> -> memref<16x128xf32, #tpu.memory_space<vmem>>
    %dma_start3A_522 = arith.constant 0 : i32
    %dma_start3A_523 = tpu.memref_slice %arg6[%add3A_518, %dma_start3A_522] : memref<10240x128xf32, #tpu.memory_space<vmem_shared>> -> memref<16x128xf32, #tpu.memory_space<vmem_shared>>
    %dma_start3A_524 = arith.constant 0 : i32
    %dma_start3A_525 = tpu.memref_slice %arg6[%add3A_518, %dma_start3A_524] : memref<10240x128xf32, #tpu.memory_space<vmem_shared>> -> memref<16x128xf32, #tpu.memory_space<vmem_shared>>
    %dma_start3A_526 = arith.constant 0 : i32
    %dma_start3A_527 = arith.constant 0 : i32
    %dma_start3A_528 = tpu.memref_slice %arg9[%dma_start3A_526, %dma_start3A_527] : memref<128x128xf32, #tpu.memory_space<vmem>> -> memref<16x128xf32, #tpu.memory_space<vmem>>
    tpu.enqueue_dma source(%dma_start3A_528 : memref<16x128xf32, #tpu.memory_space<vmem>>) target(%dma_start3A_525 : memref<16x128xf32, #tpu.memory_space<vmem_shared>>) target_semaphore(%arg15 : memref<!tpu.dma_semaphore, #tpu.memory_space<semaphore_mem>>)
    %mul3A_529 = arith.constant 640 : i32
    %mul3A_530 = arith.muli %arg1, %mul3A_529 : i32
    %add3A_531 = arith.constant 592 : i32
    %add3A_532 = arith.addi %mul3A_530, %add3A_531 : i32
    %dma_start3A_533 = arith.constant 0 : i32
    %dma_start3A_534 = arith.constant 0 : i32
    %dma_start3A_535 = tpu.memref_slice %arg9[%dma_start3A_533, %dma_start3A_534] : memref<128x128xf32, #tpu.memory_space<vmem>> -> memref<16x128xf32, #tpu.memory_space<vmem>>
    %dma_start3A_536 = arith.constant 0 : i32
    %dma_start3A_537 = tpu.memref_slice %arg6[%add3A_532, %dma_start3A_536] : memref<10240x128xf32, #tpu.memory_space<vmem_shared>> -> memref<16x128xf32, #tpu.memory_space<vmem_shared>>
    %dma_start3A_538 = arith.constant 0 : i32
    %dma_start3A_539 = tpu.memref_slice %arg6[%add3A_532, %dma_start3A_538] : memref<10240x128xf32, #tpu.memory_space<vmem_shared>> -> memref<16x128xf32, #tpu.memory_space<vmem_shared>>
    %dma_start3A_540 = arith.constant 0 : i32
    %dma_start3A_541 = arith.constant 0 : i32
    %dma_start3A_542 = tpu.memref_slice %arg9[%dma_start3A_540, %dma_start3A_541] : memref<128x128xf32, #tpu.memory_space<vmem>> -> memref<16x128xf32, #tpu.memory_space<vmem>>
    tpu.enqueue_dma source(%dma_start3A_542 : memref<16x128xf32, #tpu.memory_space<vmem>>) target(%dma_start3A_539 : memref<16x128xf32, #tpu.memory_space<vmem_shared>>) target_semaphore(%arg15 : memref<!tpu.dma_semaphore, #tpu.memory_space<semaphore_mem>>)
    %mul3A_543 = arith.constant 640 : i32
    %mul3A_544 = arith.muli %arg1, %mul3A_543 : i32
    %add3A_545 = arith.constant 608 : i32
    %add3A_546 = arith.addi %mul3A_544, %add3A_545 : i32
    %dma_start3A_547 = arith.constant 0 : i32
    %dma_start3A_548 = arith.constant 0 : i32
    %dma_start3A_549 = tpu.memref_slice %arg9[%dma_start3A_547, %dma_start3A_548] : memref<128x128xf32, #tpu.memory_space<vmem>> -> memref<16x128xf32, #tpu.memory_space<vmem>>
    %dma_start3A_550 = arith.constant 0 : i32
    %dma_start3A_551 = tpu.memref_slice %arg6[%add3A_546, %dma_start3A_550] : memref<10240x128xf32, #tpu.memory_space<vmem_shared>> -> memref<16x128xf32, #tpu.memory_space<vmem_shared>>
    %dma_start3A_552 = arith.constant 0 : i32
    %dma_start3A_553 = tpu.memref_slice %arg6[%add3A_546, %dma_start3A_552] : memref<10240x128xf32, #tpu.memory_space<vmem_shared>> -> memref<16x128xf32, #tpu.memory_space<vmem_shared>>
    %dma_start3A_554 = arith.constant 0 : i32
    %dma_start3A_555 = arith.constant 0 : i32
    %dma_start3A_556 = tpu.memref_slice %arg9[%dma_start3A_554, %dma_start3A_555] : memref<128x128xf32, #tpu.memory_space<vmem>> -> memref<16x128xf32, #tpu.memory_space<vmem>>
    tpu.enqueue_dma source(%dma_start3A_556 : memref<16x128xf32, #tpu.memory_space<vmem>>) target(%dma_start3A_553 : memref<16x128xf32, #tpu.memory_space<vmem_shared>>) target_semaphore(%arg15 : memref<!tpu.dma_semaphore, #tpu.memory_space<semaphore_mem>>)
    %mul3A_557 = arith.constant 640 : i32
    %mul3A_558 = arith.muli %arg1, %mul3A_557 : i32
    %add3A_559 = arith.constant 624 : i32
    %add3A_560 = arith.addi %mul3A_558, %add3A_559 : i32
    %dma_start3A_561 = arith.constant 0 : i32
    %dma_start3A_562 = arith.constant 0 : i32
    %dma_start3A_563 = tpu.memref_slice %arg9[%dma_start3A_561, %dma_start3A_562] : memref<128x128xf32, #tpu.memory_space<vmem>> -> memref<16x128xf32, #tpu.memory_space<vmem>>
    %dma_start3A_564 = arith.constant 0 : i32
    %dma_start3A_565 = tpu.memref_slice %arg6[%add3A_560, %dma_start3A_564] : memref<10240x128xf32, #tpu.memory_space<vmem_shared>> -> memref<16x128xf32, #tpu.memory_space<vmem_shared>>
    %dma_start3A_566 = arith.constant 0 : i32
    %dma_start3A_567 = tpu.memref_slice %arg6[%add3A_560, %dma_start3A_566] : memref<10240x128xf32, #tpu.memory_space<vmem_shared>> -> memref<16x128xf32, #tpu.memory_space<vmem_shared>>
    %dma_start3A_568 = arith.constant 0 : i32
    %dma_start3A_569 = arith.constant 0 : i32
    %dma_start3A_570 = tpu.memref_slice %arg9[%dma_start3A_568, %dma_start3A_569] : memref<128x128xf32, #tpu.memory_space<vmem>> -> memref<16x128xf32, #tpu.memory_space<vmem>>
    tpu.enqueue_dma source(%dma_start3A_570 : memref<16x128xf32, #tpu.memory_space<vmem>>) target(%dma_start3A_567 : memref<16x128xf32, #tpu.memory_space<vmem_shared>>) target_semaphore(%arg15 : memref<!tpu.dma_semaphore, #tpu.memory_space<semaphore_mem>>)
    %mul3A_571 = arith.constant 640 : i32
    %mul3A_572 = arith.muli %arg1, %mul3A_571 : i32
    %add3A_573 = arith.constant 0 : i32
    %add3A_574 = arith.addi %mul3A_572, %add3A_573 : i32
    %dma_wait3A = arith.constant 0 : i32
    %dma_wait3A_575 = arith.constant 0 : i32
    %dma_wait3A_576 = tpu.memref_slice %arg9[%dma_wait3A, %dma_wait3A_575] : memref<128x128xf32, #tpu.memory_space<vmem>> -> memref<16x128xf32, #tpu.memory_space<vmem>>
    %dma_wait3A_577 = arith.constant 0 : i32
    %dma_wait3A_578 = tpu.memref_slice %arg6[%add3A_574, %dma_wait3A_577] : memref<10240x128xf32, #tpu.memory_space<vmem_shared>> -> memref<16x128xf32, #tpu.memory_space<vmem_shared>>
    %dma_wait3A_579 = arith.constant 0 : i32
    %dma_wait3A_580 = tpu.memref_slice %arg6[%add3A_574, %dma_wait3A_579] : memref<10240x128xf32, #tpu.memory_space<vmem_shared>> -> memref<16x128xf32, #tpu.memory_space<vmem_shared>>
    %dma_wait3A_581 = arith.constant 0 : i32
    %dma_wait3A_582 = arith.constant 0 : i32
    %dma_wait3A_583 = tpu.memref_slice %arg9[%dma_wait3A_581, %dma_wait3A_582] : memref<128x128xf32, #tpu.memory_space<vmem>> -> memref<16x128xf32, #tpu.memory_space<vmem>>
    tpu.wait_dma2 semaphore(%arg15 : memref<!tpu.dma_semaphore, #tpu.memory_space<semaphore_mem>>) src(%dma_wait3A_583 : memref<16x128xf32, #tpu.memory_space<vmem>>) dst(%dma_wait3A_580 : memref<16x128xf32, #tpu.memory_space<vmem_shared>>)
    %mul3A_584 = arith.constant 640 : i32
    %mul3A_585 = arith.muli %arg1, %mul3A_584 : i32
    %add3A_586 = arith.constant 16 : i32
    %add3A_587 = arith.addi %mul3A_585, %add3A_586 : i32
    %dma_wait3A_588 = arith.constant 0 : i32
    %dma_wait3A_589 = arith.constant 0 : i32
    %dma_wait3A_590 = tpu.memref_slice %arg9[%dma_wait3A_588, %dma_wait3A_589] : memref<128x128xf32, #tpu.memory_space<vmem>> -> memref<16x128xf32, #tpu.memory_space<vmem>>
    %dma_wait3A_591 = arith.constant 0 : i32
    %dma_wait3A_592 = tpu.memref_slice %arg6[%add3A_587, %dma_wait3A_591] : memref<10240x128xf32, #tpu.memory_space<vmem_shared>> -> memref<16x128xf32, #tpu.memory_space<vmem_shared>>
    %dma_wait3A_593 = arith.constant 0 : i32
    %dma_wait3A_594 = tpu.memref_slice %arg6[%add3A_587, %dma_wait3A_593] : memref<10240x128xf32, #tpu.memory_space<vmem_shared>> -> memref<16x128xf32, #tpu.memory_space<vmem_shared>>
    %dma_wait3A_595 = arith.constant 0 : i32
    %dma_wait3A_596 = arith.constant 0 : i32
    %dma_wait3A_597 = tpu.memref_slice %arg9[%dma_wait3A_595, %dma_wait3A_596] : memref<128x128xf32, #tpu.memory_space<vmem>> -> memref<16x128xf32, #tpu.memory_space<vmem>>
    tpu.wait_dma2 semaphore(%arg15 : memref<!tpu.dma_semaphore, #tpu.memory_space<semaphore_mem>>) src(%dma_wait3A_597 : memref<16x128xf32, #tpu.memory_space<vmem>>) dst(%dma_wait3A_594 : memref<16x128xf32, #tpu.memory_space<vmem_shared>>)
    %mul3A_598 = arith.constant 640 : i32
    %mul3A_599 = arith.muli %arg1, %mul3A_598 : i32
    %add3A_600 = arith.constant 32 : i32
    %add3A_601 = arith.addi %mul3A_599, %add3A_600 : i32
    %dma_wait3A_602 = arith.constant 0 : i32
    %dma_wait3A_603 = arith.constant 0 : i32
    %dma_wait3A_604 = tpu.memref_slice %arg9[%dma_wait3A_602, %dma_wait3A_603] : memref<128x128xf32, #tpu.memory_space<vmem>> -> memref<16x128xf32, #tpu.memory_space<vmem>>
    %dma_wait3A_605 = arith.constant 0 : i32
    %dma_wait3A_606 = tpu.memref_slice %arg6[%add3A_601, %dma_wait3A_605] : memref<10240x128xf32, #tpu.memory_space<vmem_shared>> -> memref<16x128xf32, #tpu.memory_space<vmem_shared>>
    %dma_wait3A_607 = arith.constant 0 : i32
    %dma_wait3A_608 = tpu.memref_slice %arg6[%add3A_601, %dma_wait3A_607] : memref<10240x128xf32, #tpu.memory_space<vmem_shared>> -> memref<16x128xf32, #tpu.memory_space<vmem_shared>>
    %dma_wait3A_609 = arith.constant 0 : i32
    %dma_wait3A_610 = arith.constant 0 : i32
    %dma_wait3A_611 = tpu.memref_slice %arg9[%dma_wait3A_609, %dma_wait3A_610] : memref<128x128xf32, #tpu.memory_space<vmem>> -> memref<16x128xf32, #tpu.memory_space<vmem>>
    tpu.wait_dma2 semaphore(%arg15 : memref<!tpu.dma_semaphore, #tpu.memory_space<semaphore_mem>>) src(%dma_wait3A_611 : memref<16x128xf32, #tpu.memory_space<vmem>>) dst(%dma_wait3A_608 : memref<16x128xf32, #tpu.memory_space<vmem_shared>>)
    %mul3A_612 = arith.constant 640 : i32
    %mul3A_613 = arith.muli %arg1, %mul3A_612 : i32
    %add3A_614 = arith.constant 48 : i32
    %add3A_615 = arith.addi %mul3A_613, %add3A_614 : i32
    %dma_wait3A_616 = arith.constant 0 : i32
    %dma_wait3A_617 = arith.constant 0 : i32
    %dma_wait3A_618 = tpu.memref_slice %arg9[%dma_wait3A_616, %dma_wait3A_617] : memref<128x128xf32, #tpu.memory_space<vmem>> -> memref<16x128xf32, #tpu.memory_space<vmem>>
    %dma_wait3A_619 = arith.constant 0 : i32
    %dma_wait3A_620 = tpu.memref_slice %arg6[%add3A_615, %dma_wait3A_619] : memref<10240x128xf32, #tpu.memory_space<vmem_shared>> -> memref<16x128xf32, #tpu.memory_space<vmem_shared>>
    %dma_wait3A_621 = arith.constant 0 : i32
    %dma_wait3A_622 = tpu.memref_slice %arg6[%add3A_615, %dma_wait3A_621] : memref<10240x128xf32, #tpu.memory_space<vmem_shared>> -> memref<16x128xf32, #tpu.memory_space<vmem_shared>>
    %dma_wait3A_623 = arith.constant 0 : i32
    %dma_wait3A_624 = arith.constant 0 : i32
    %dma_wait3A_625 = tpu.memref_slice %arg9[%dma_wait3A_623, %dma_wait3A_624] : memref<128x128xf32, #tpu.memory_space<vmem>> -> memref<16x128xf32, #tpu.memory_space<vmem>>
    tpu.wait_dma2 semaphore(%arg15 : memref<!tpu.dma_semaphore, #tpu.memory_space<semaphore_mem>>) src(%dma_wait3A_625 : memref<16x128xf32, #tpu.memory_space<vmem>>) dst(%dma_wait3A_622 : memref<16x128xf32, #tpu.memory_space<vmem_shared>>)
    %mul3A_626 = arith.constant 640 : i32
    %mul3A_627 = arith.muli %arg1, %mul3A_626 : i32
    %add3A_628 = arith.constant 64 : i32
    %add3A_629 = arith.addi %mul3A_627, %add3A_628 : i32
    %dma_wait3A_630 = arith.constant 0 : i32
    %dma_wait3A_631 = arith.constant 0 : i32
    %dma_wait3A_632 = tpu.memref_slice %arg9[%dma_wait3A_630, %dma_wait3A_631] : memref<128x128xf32, #tpu.memory_space<vmem>> -> memref<16x128xf32, #tpu.memory_space<vmem>>
    %dma_wait3A_633 = arith.constant 0 : i32
    %dma_wait3A_634 = tpu.memref_slice %arg6[%add3A_629, %dma_wait3A_633] : memref<10240x128xf32, #tpu.memory_space<vmem_shared>> -> memref<16x128xf32, #tpu.memory_space<vmem_shared>>
    %dma_wait3A_635 = arith.constant 0 : i32
    %dma_wait3A_636 = tpu.memref_slice %arg6[%add3A_629, %dma_wait3A_635] : memref<10240x128xf32, #tpu.memory_space<vmem_shared>> -> memref<16x128xf32, #tpu.memory_space<vmem_shared>>
    %dma_wait3A_637 = arith.constant 0 : i32
    %dma_wait3A_638 = arith.constant 0 : i32
    %dma_wait3A_639 = tpu.memref_slice %arg9[%dma_wait3A_637, %dma_wait3A_638] : memref<128x128xf32, #tpu.memory_space<vmem>> -> memref<16x128xf32, #tpu.memory_space<vmem>>
    tpu.wait_dma2 semaphore(%arg15 : memref<!tpu.dma_semaphore, #tpu.memory_space<semaphore_mem>>) src(%dma_wait3A_639 : memref<16x128xf32, #tpu.memory_space<vmem>>) dst(%dma_wait3A_636 : memref<16x128xf32, #tpu.memory_space<vmem_shared>>)
    %mul3A_640 = arith.constant 640 : i32
    %mul3A_641 = arith.muli %arg1, %mul3A_640 : i32
    %add3A_642 = arith.constant 80 : i32
    %add3A_643 = arith.addi %mul3A_641, %add3A_642 : i32
    %dma_wait3A_644 = arith.constant 0 : i32
    %dma_wait3A_645 = arith.constant 0 : i32
    %dma_wait3A_646 = tpu.memref_slice %arg9[%dma_wait3A_644, %dma_wait3A_645] : memref<128x128xf32, #tpu.memory_space<vmem>> -> memref<16x128xf32, #tpu.memory_space<vmem>>
    %dma_wait3A_647 = arith.constant 0 : i32
    %dma_wait3A_648 = tpu.memref_slice %arg6[%add3A_643, %dma_wait3A_647] : memref<10240x128xf32, #tpu.memory_space<vmem_shared>> -> memref<16x128xf32, #tpu.memory_space<vmem_shared>>
    %dma_wait3A_649 = arith.constant 0 : i32
    %dma_wait3A_650 = tpu.memref_slice %arg6[%add3A_643, %dma_wait3A_649] : memref<10240x128xf32, #tpu.memory_space<vmem_shared>> -> memref<16x128xf32, #tpu.memory_space<vmem_shared>>
    %dma_wait3A_651 = arith.constant 0 : i32
    %dma_wait3A_652 = arith.constant 0 : i32
    %dma_wait3A_653 = tpu.memref_slice %arg9[%dma_wait3A_651, %dma_wait3A_652] : memref<128x128xf32, #tpu.memory_space<vmem>> -> memref<16x128xf32, #tpu.memory_space<vmem>>
    tpu.wait_dma2 semaphore(%arg15 : memref<!tpu.dma_semaphore, #tpu.memory_space<semaphore_mem>>) src(%dma_wait3A_653 : memref<16x128xf32, #tpu.memory_space<vmem>>) dst(%dma_wait3A_650 : memref<16x128xf32, #tpu.memory_space<vmem_shared>>)
    %mul3A_654 = arith.constant 640 : i32
    %mul3A_655 = arith.muli %arg1, %mul3A_654 : i32
    %add3A_656 = arith.constant 96 : i32
    %add3A_657 = arith.addi %mul3A_655, %add3A_656 : i32
    %dma_wait3A_658 = arith.constant 0 : i32
    %dma_wait3A_659 = arith.constant 0 : i32
    %dma_wait3A_660 = tpu.memref_slice %arg9[%dma_wait3A_658, %dma_wait3A_659] : memref<128x128xf32, #tpu.memory_space<vmem>> -> memref<16x128xf32, #tpu.memory_space<vmem>>
    %dma_wait3A_661 = arith.constant 0 : i32
    %dma_wait3A_662 = tpu.memref_slice %arg6[%add3A_657, %dma_wait3A_661] : memref<10240x128xf32, #tpu.memory_space<vmem_shared>> -> memref<16x128xf32, #tpu.memory_space<vmem_shared>>
    %dma_wait3A_663 = arith.constant 0 : i32
    %dma_wait3A_664 = tpu.memref_slice %arg6[%add3A_657, %dma_wait3A_663] : memref<10240x128xf32, #tpu.memory_space<vmem_shared>> -> memref<16x128xf32, #tpu.memory_space<vmem_shared>>
    %dma_wait3A_665 = arith.constant 0 : i32
    %dma_wait3A_666 = arith.constant 0 : i32
    %dma_wait3A_667 = tpu.memref_slice %arg9[%dma_wait3A_665, %dma_wait3A_666] : memref<128x128xf32, #tpu.memory_space<vmem>> -> memref<16x128xf32, #tpu.memory_space<vmem>>
    tpu.wait_dma2 semaphore(%arg15 : memref<!tpu.dma_semaphore, #tpu.memory_space<semaphore_mem>>) src(%dma_wait3A_667 : memref<16x128xf32, #tpu.memory_space<vmem>>) dst(%dma_wait3A_664 : memref<16x128xf32, #tpu.memory_space<vmem_shared>>)
    %mul3A_668 = arith.constant 640 : i32
    %mul3A_669 = arith.muli %arg1, %mul3A_668 : i32
    %add3A_670 = arith.constant 112 : i32
    %add3A_671 = arith.addi %mul3A_669, %add3A_670 : i32
    %dma_wait3A_672 = arith.constant 0 : i32
    %dma_wait3A_673 = arith.constant 0 : i32
    %dma_wait3A_674 = tpu.memref_slice %arg9[%dma_wait3A_672, %dma_wait3A_673] : memref<128x128xf32, #tpu.memory_space<vmem>> -> memref<16x128xf32, #tpu.memory_space<vmem>>
    %dma_wait3A_675 = arith.constant 0 : i32
    %dma_wait3A_676 = tpu.memref_slice %arg6[%add3A_671, %dma_wait3A_675] : memref<10240x128xf32, #tpu.memory_space<vmem_shared>> -> memref<16x128xf32, #tpu.memory_space<vmem_shared>>
    %dma_wait3A_677 = arith.constant 0 : i32
    %dma_wait3A_678 = tpu.memref_slice %arg6[%add3A_671, %dma_wait3A_677] : memref<10240x128xf32, #tpu.memory_space<vmem_shared>> -> memref<16x128xf32, #tpu.memory_space<vmem_shared>>
    %dma_wait3A_679 = arith.constant 0 : i32
    %dma_wait3A_680 = arith.constant 0 : i32
    %dma_wait3A_681 = tpu.memref_slice %arg9[%dma_wait3A_679, %dma_wait3A_680] : memref<128x128xf32, #tpu.memory_space<vmem>> -> memref<16x128xf32, #tpu.memory_space<vmem>>
    tpu.wait_dma2 semaphore(%arg15 : memref<!tpu.dma_semaphore, #tpu.memory_space<semaphore_mem>>) src(%dma_wait3A_681 : memref<16x128xf32, #tpu.memory_space<vmem>>) dst(%dma_wait3A_678 : memref<16x128xf32, #tpu.memory_space<vmem_shared>>)
    %mul3A_682 = arith.constant 640 : i32
    %mul3A_683 = arith.muli %arg1, %mul3A_682 : i32
    %add3A_684 = arith.constant 128 : i32
    %add3A_685 = arith.addi %mul3A_683, %add3A_684 : i32
    %dma_wait3A_686 = arith.constant 0 : i32
    %dma_wait3A_687 = arith.constant 0 : i32
    %dma_wait3A_688 = tpu.memref_slice %arg9[%dma_wait3A_686, %dma_wait3A_687] : memref<128x128xf32, #tpu.memory_space<vmem>> -> memref<16x128xf32, #tpu.memory_space<vmem>>
    %dma_wait3A_689 = arith.constant 0 : i32
    %dma_wait3A_690 = tpu.memref_slice %arg6[%add3A_685, %dma_wait3A_689] : memref<10240x128xf32, #tpu.memory_space<vmem_shared>> -> memref<16x128xf32, #tpu.memory_space<vmem_shared>>
    %dma_wait3A_691 = arith.constant 0 : i32
    %dma_wait3A_692 = tpu.memref_slice %arg6[%add3A_685, %dma_wait3A_691] : memref<10240x128xf32, #tpu.memory_space<vmem_shared>> -> memref<16x128xf32, #tpu.memory_space<vmem_shared>>
    %dma_wait3A_693 = arith.constant 0 : i32
    %dma_wait3A_694 = arith.constant 0 : i32
    %dma_wait3A_695 = tpu.memref_slice %arg9[%dma_wait3A_693, %dma_wait3A_694] : memref<128x128xf32, #tpu.memory_space<vmem>> -> memref<16x128xf32, #tpu.memory_space<vmem>>
    tpu.wait_dma2 semaphore(%arg15 : memref<!tpu.dma_semaphore, #tpu.memory_space<semaphore_mem>>) src(%dma_wait3A_695 : memref<16x128xf32, #tpu.memory_space<vmem>>) dst(%dma_wait3A_692 : memref<16x128xf32, #tpu.memory_space<vmem_shared>>)
    %mul3A_696 = arith.constant 640 : i32
    %mul3A_697 = arith.muli %arg1, %mul3A_696 : i32
    %add3A_698 = arith.constant 144 : i32
    %add3A_699 = arith.addi %mul3A_697, %add3A_698 : i32
    %dma_wait3A_700 = arith.constant 0 : i32
    %dma_wait3A_701 = arith.constant 0 : i32
    %dma_wait3A_702 = tpu.memref_slice %arg9[%dma_wait3A_700, %dma_wait3A_701] : memref<128x128xf32, #tpu.memory_space<vmem>> -> memref<16x128xf32, #tpu.memory_space<vmem>>
    %dma_wait3A_703 = arith.constant 0 : i32
    %dma_wait3A_704 = tpu.memref_slice %arg6[%add3A_699, %dma_wait3A_703] : memref<10240x128xf32, #tpu.memory_space<vmem_shared>> -> memref<16x128xf32, #tpu.memory_space<vmem_shared>>
    %dma_wait3A_705 = arith.constant 0 : i32
    %dma_wait3A_706 = tpu.memref_slice %arg6[%add3A_699, %dma_wait3A_705] : memref<10240x128xf32, #tpu.memory_space<vmem_shared>> -> memref<16x128xf32, #tpu.memory_space<vmem_shared>>
    %dma_wait3A_707 = arith.constant 0 : i32
    %dma_wait3A_708 = arith.constant 0 : i32
    %dma_wait3A_709 = tpu.memref_slice %arg9[%dma_wait3A_707, %dma_wait3A_708] : memref<128x128xf32, #tpu.memory_space<vmem>> -> memref<16x128xf32, #tpu.memory_space<vmem>>
    tpu.wait_dma2 semaphore(%arg15 : memref<!tpu.dma_semaphore, #tpu.memory_space<semaphore_mem>>) src(%dma_wait3A_709 : memref<16x128xf32, #tpu.memory_space<vmem>>) dst(%dma_wait3A_706 : memref<16x128xf32, #tpu.memory_space<vmem_shared>>)
    %mul3A_710 = arith.constant 640 : i32
    %mul3A_711 = arith.muli %arg1, %mul3A_710 : i32
    %add3A_712 = arith.constant 160 : i32
    %add3A_713 = arith.addi %mul3A_711, %add3A_712 : i32
    %dma_wait3A_714 = arith.constant 0 : i32
    %dma_wait3A_715 = arith.constant 0 : i32
    %dma_wait3A_716 = tpu.memref_slice %arg9[%dma_wait3A_714, %dma_wait3A_715] : memref<128x128xf32, #tpu.memory_space<vmem>> -> memref<16x128xf32, #tpu.memory_space<vmem>>
    %dma_wait3A_717 = arith.constant 0 : i32
    %dma_wait3A_718 = tpu.memref_slice %arg6[%add3A_713, %dma_wait3A_717] : memref<10240x128xf32, #tpu.memory_space<vmem_shared>> -> memref<16x128xf32, #tpu.memory_space<vmem_shared>>
    %dma_wait3A_719 = arith.constant 0 : i32
    %dma_wait3A_720 = tpu.memref_slice %arg6[%add3A_713, %dma_wait3A_719] : memref<10240x128xf32, #tpu.memory_space<vmem_shared>> -> memref<16x128xf32, #tpu.memory_space<vmem_shared>>
    %dma_wait3A_721 = arith.constant 0 : i32
    %dma_wait3A_722 = arith.constant 0 : i32
    %dma_wait3A_723 = tpu.memref_slice %arg9[%dma_wait3A_721, %dma_wait3A_722] : memref<128x128xf32, #tpu.memory_space<vmem>> -> memref<16x128xf32, #tpu.memory_space<vmem>>
    tpu.wait_dma2 semaphore(%arg15 : memref<!tpu.dma_semaphore, #tpu.memory_space<semaphore_mem>>) src(%dma_wait3A_723 : memref<16x128xf32, #tpu.memory_space<vmem>>) dst(%dma_wait3A_720 : memref<16x128xf32, #tpu.memory_space<vmem_shared>>)
    %mul3A_724 = arith.constant 640 : i32
    %mul3A_725 = arith.muli %arg1, %mul3A_724 : i32
    %add3A_726 = arith.constant 176 : i32
    %add3A_727 = arith.addi %mul3A_725, %add3A_726 : i32
    %dma_wait3A_728 = arith.constant 0 : i32
    %dma_wait3A_729 = arith.constant 0 : i32
    %dma_wait3A_730 = tpu.memref_slice %arg9[%dma_wait3A_728, %dma_wait3A_729] : memref<128x128xf32, #tpu.memory_space<vmem>> -> memref<16x128xf32, #tpu.memory_space<vmem>>
    %dma_wait3A_731 = arith.constant 0 : i32
    %dma_wait3A_732 = tpu.memref_slice %arg6[%add3A_727, %dma_wait3A_731] : memref<10240x128xf32, #tpu.memory_space<vmem_shared>> -> memref<16x128xf32, #tpu.memory_space<vmem_shared>>
    %dma_wait3A_733 = arith.constant 0 : i32
    %dma_wait3A_734 = tpu.memref_slice %arg6[%add3A_727, %dma_wait3A_733] : memref<10240x128xf32, #tpu.memory_space<vmem_shared>> -> memref<16x128xf32, #tpu.memory_space<vmem_shared>>
    %dma_wait3A_735 = arith.constant 0 : i32
    %dma_wait3A_736 = arith.constant 0 : i32
    %dma_wait3A_737 = tpu.memref_slice %arg9[%dma_wait3A_735, %dma_wait3A_736] : memref<128x128xf32, #tpu.memory_space<vmem>> -> memref<16x128xf32, #tpu.memory_space<vmem>>
    tpu.wait_dma2 semaphore(%arg15 : memref<!tpu.dma_semaphore, #tpu.memory_space<semaphore_mem>>) src(%dma_wait3A_737 : memref<16x128xf32, #tpu.memory_space<vmem>>) dst(%dma_wait3A_734 : memref<16x128xf32, #tpu.memory_space<vmem_shared>>)
    %mul3A_738 = arith.constant 640 : i32
    %mul3A_739 = arith.muli %arg1, %mul3A_738 : i32
    %add3A_740 = arith.constant 192 : i32
    %add3A_741 = arith.addi %mul3A_739, %add3A_740 : i32
    %dma_wait3A_742 = arith.constant 0 : i32
    %dma_wait3A_743 = arith.constant 0 : i32
    %dma_wait3A_744 = tpu.memref_slice %arg9[%dma_wait3A_742, %dma_wait3A_743] : memref<128x128xf32, #tpu.memory_space<vmem>> -> memref<16x128xf32, #tpu.memory_space<vmem>>
    %dma_wait3A_745 = arith.constant 0 : i32
    %dma_wait3A_746 = tpu.memref_slice %arg6[%add3A_741, %dma_wait3A_745] : memref<10240x128xf32, #tpu.memory_space<vmem_shared>> -> memref<16x128xf32, #tpu.memory_space<vmem_shared>>
    %dma_wait3A_747 = arith.constant 0 : i32
    %dma_wait3A_748 = tpu.memref_slice %arg6[%add3A_741, %dma_wait3A_747] : memref<10240x128xf32, #tpu.memory_space<vmem_shared>> -> memref<16x128xf32, #tpu.memory_space<vmem_shared>>
    %dma_wait3A_749 = arith.constant 0 : i32
    %dma_wait3A_750 = arith.constant 0 : i32
    %dma_wait3A_751 = tpu.memref_slice %arg9[%dma_wait3A_749, %dma_wait3A_750] : memref<128x128xf32, #tpu.memory_space<vmem>> -> memref<16x128xf32, #tpu.memory_space<vmem>>
    tpu.wait_dma2 semaphore(%arg15 : memref<!tpu.dma_semaphore, #tpu.memory_space<semaphore_mem>>) src(%dma_wait3A_751 : memref<16x128xf32, #tpu.memory_space<vmem>>) dst(%dma_wait3A_748 : memref<16x128xf32, #tpu.memory_space<vmem_shared>>)
    %mul3A_752 = arith.constant 640 : i32
    %mul3A_753 = arith.muli %arg1, %mul3A_752 : i32
    %add3A_754 = arith.constant 208 : i32
    %add3A_755 = arith.addi %mul3A_753, %add3A_754 : i32
    %dma_wait3A_756 = arith.constant 0 : i32
    %dma_wait3A_757 = arith.constant 0 : i32
    %dma_wait3A_758 = tpu.memref_slice %arg9[%dma_wait3A_756, %dma_wait3A_757] : memref<128x128xf32, #tpu.memory_space<vmem>> -> memref<16x128xf32, #tpu.memory_space<vmem>>
    %dma_wait3A_759 = arith.constant 0 : i32
    %dma_wait3A_760 = tpu.memref_slice %arg6[%add3A_755, %dma_wait3A_759] : memref<10240x128xf32, #tpu.memory_space<vmem_shared>> -> memref<16x128xf32, #tpu.memory_space<vmem_shared>>
    %dma_wait3A_761 = arith.constant 0 : i32
    %dma_wait3A_762 = tpu.memref_slice %arg6[%add3A_755, %dma_wait3A_761] : memref<10240x128xf32, #tpu.memory_space<vmem_shared>> -> memref<16x128xf32, #tpu.memory_space<vmem_shared>>
    %dma_wait3A_763 = arith.constant 0 : i32
    %dma_wait3A_764 = arith.constant 0 : i32
    %dma_wait3A_765 = tpu.memref_slice %arg9[%dma_wait3A_763, %dma_wait3A_764] : memref<128x128xf32, #tpu.memory_space<vmem>> -> memref<16x128xf32, #tpu.memory_space<vmem>>
    tpu.wait_dma2 semaphore(%arg15 : memref<!tpu.dma_semaphore, #tpu.memory_space<semaphore_mem>>) src(%dma_wait3A_765 : memref<16x128xf32, #tpu.memory_space<vmem>>) dst(%dma_wait3A_762 : memref<16x128xf32, #tpu.memory_space<vmem_shared>>)
    %mul3A_766 = arith.constant 640 : i32
    %mul3A_767 = arith.muli %arg1, %mul3A_766 : i32
    %add3A_768 = arith.constant 224 : i32
    %add3A_769 = arith.addi %mul3A_767, %add3A_768 : i32
    %dma_wait3A_770 = arith.constant 0 : i32
    %dma_wait3A_771 = arith.constant 0 : i32
    %dma_wait3A_772 = tpu.memref_slice %arg9[%dma_wait3A_770, %dma_wait3A_771] : memref<128x128xf32, #tpu.memory_space<vmem>> -> memref<16x128xf32, #tpu.memory_space<vmem>>
    %dma_wait3A_773 = arith.constant 0 : i32
    %dma_wait3A_774 = tpu.memref_slice %arg6[%add3A_769, %dma_wait3A_773] : memref<10240x128xf32, #tpu.memory_space<vmem_shared>> -> memref<16x128xf32, #tpu.memory_space<vmem_shared>>
    %dma_wait3A_775 = arith.constant 0 : i32
    %dma_wait3A_776 = tpu.memref_slice %arg6[%add3A_769, %dma_wait3A_775] : memref<10240x128xf32, #tpu.memory_space<vmem_shared>> -> memref<16x128xf32, #tpu.memory_space<vmem_shared>>
    %dma_wait3A_777 = arith.constant 0 : i32
    %dma_wait3A_778 = arith.constant 0 : i32
    %dma_wait3A_779 = tpu.memref_slice %arg9[%dma_wait3A_777, %dma_wait3A_778] : memref<128x128xf32, #tpu.memory_space<vmem>> -> memref<16x128xf32, #tpu.memory_space<vmem>>
    tpu.wait_dma2 semaphore(%arg15 : memref<!tpu.dma_semaphore, #tpu.memory_space<semaphore_mem>>) src(%dma_wait3A_779 : memref<16x128xf32, #tpu.memory_space<vmem>>) dst(%dma_wait3A_776 : memref<16x128xf32, #tpu.memory_space<vmem_shared>>)
    %mul3A_780 = arith.constant 640 : i32
    %mul3A_781 = arith.muli %arg1, %mul3A_780 : i32
    %add3A_782 = arith.constant 240 : i32
    %add3A_783 = arith.addi %mul3A_781, %add3A_782 : i32
    %dma_wait3A_784 = arith.constant 0 : i32
    %dma_wait3A_785 = arith.constant 0 : i32
    %dma_wait3A_786 = tpu.memref_slice %arg9[%dma_wait3A_784, %dma_wait3A_785] : memref<128x128xf32, #tpu.memory_space<vmem>> -> memref<16x128xf32, #tpu.memory_space<vmem>>
    %dma_wait3A_787 = arith.constant 0 : i32
    %dma_wait3A_788 = tpu.memref_slice %arg6[%add3A_783, %dma_wait3A_787] : memref<10240x128xf32, #tpu.memory_space<vmem_shared>> -> memref<16x128xf32, #tpu.memory_space<vmem_shared>>
    %dma_wait3A_789 = arith.constant 0 : i32
    %dma_wait3A_790 = tpu.memref_slice %arg6[%add3A_783, %dma_wait3A_789] : memref<10240x128xf32, #tpu.memory_space<vmem_shared>> -> memref<16x128xf32, #tpu.memory_space<vmem_shared>>
    %dma_wait3A_791 = arith.constant 0 : i32
    %dma_wait3A_792 = arith.constant 0 : i32
    %dma_wait3A_793 = tpu.memref_slice %arg9[%dma_wait3A_791, %dma_wait3A_792] : memref<128x128xf32, #tpu.memory_space<vmem>> -> memref<16x128xf32, #tpu.memory_space<vmem>>
    tpu.wait_dma2 semaphore(%arg15 : memref<!tpu.dma_semaphore, #tpu.memory_space<semaphore_mem>>) src(%dma_wait3A_793 : memref<16x128xf32, #tpu.memory_space<vmem>>) dst(%dma_wait3A_790 : memref<16x128xf32, #tpu.memory_space<vmem_shared>>)
    %mul3A_794 = arith.constant 640 : i32
    %mul3A_795 = arith.muli %arg1, %mul3A_794 : i32
    %add3A_796 = arith.constant 256 : i32
    %add3A_797 = arith.addi %mul3A_795, %add3A_796 : i32
    %dma_wait3A_798 = arith.constant 0 : i32
    %dma_wait3A_799 = arith.constant 0 : i32
    %dma_wait3A_800 = tpu.memref_slice %arg9[%dma_wait3A_798, %dma_wait3A_799] : memref<128x128xf32, #tpu.memory_space<vmem>> -> memref<16x128xf32, #tpu.memory_space<vmem>>
    %dma_wait3A_801 = arith.constant 0 : i32
    %dma_wait3A_802 = tpu.memref_slice %arg6[%add3A_797, %dma_wait3A_801] : memref<10240x128xf32, #tpu.memory_space<vmem_shared>> -> memref<16x128xf32, #tpu.memory_space<vmem_shared>>
    %dma_wait3A_803 = arith.constant 0 : i32
    %dma_wait3A_804 = tpu.memref_slice %arg6[%add3A_797, %dma_wait3A_803] : memref<10240x128xf32, #tpu.memory_space<vmem_shared>> -> memref<16x128xf32, #tpu.memory_space<vmem_shared>>
    %dma_wait3A_805 = arith.constant 0 : i32
    %dma_wait3A_806 = arith.constant 0 : i32
    %dma_wait3A_807 = tpu.memref_slice %arg9[%dma_wait3A_805, %dma_wait3A_806] : memref<128x128xf32, #tpu.memory_space<vmem>> -> memref<16x128xf32, #tpu.memory_space<vmem>>
    tpu.wait_dma2 semaphore(%arg15 : memref<!tpu.dma_semaphore, #tpu.memory_space<semaphore_mem>>) src(%dma_wait3A_807 : memref<16x128xf32, #tpu.memory_space<vmem>>) dst(%dma_wait3A_804 : memref<16x128xf32, #tpu.memory_space<vmem_shared>>)
    %mul3A_808 = arith.constant 640 : i32
    %mul3A_809 = arith.muli %arg1, %mul3A_808 : i32
    %add3A_810 = arith.constant 272 : i32
    %add3A_811 = arith.addi %mul3A_809, %add3A_810 : i32
    %dma_wait3A_812 = arith.constant 0 : i32
    %dma_wait3A_813 = arith.constant 0 : i32
    %dma_wait3A_814 = tpu.memref_slice %arg9[%dma_wait3A_812, %dma_wait3A_813] : memref<128x128xf32, #tpu.memory_space<vmem>> -> memref<16x128xf32, #tpu.memory_space<vmem>>
    %dma_wait3A_815 = arith.constant 0 : i32
    %dma_wait3A_816 = tpu.memref_slice %arg6[%add3A_811, %dma_wait3A_815] : memref<10240x128xf32, #tpu.memory_space<vmem_shared>> -> memref<16x128xf32, #tpu.memory_space<vmem_shared>>
    %dma_wait3A_817 = arith.constant 0 : i32
    %dma_wait3A_818 = tpu.memref_slice %arg6[%add3A_811, %dma_wait3A_817] : memref<10240x128xf32, #tpu.memory_space<vmem_shared>> -> memref<16x128xf32, #tpu.memory_space<vmem_shared>>
    %dma_wait3A_819 = arith.constant 0 : i32
    %dma_wait3A_820 = arith.constant 0 : i32
    %dma_wait3A_821 = tpu.memref_slice %arg9[%dma_wait3A_819, %dma_wait3A_820] : memref<128x128xf32, #tpu.memory_space<vmem>> -> memref<16x128xf32, #tpu.memory_space<vmem>>
    tpu.wait_dma2 semaphore(%arg15 : memref<!tpu.dma_semaphore, #tpu.memory_space<semaphore_mem>>) src(%dma_wait3A_821 : memref<16x128xf32, #tpu.memory_space<vmem>>) dst(%dma_wait3A_818 : memref<16x128xf32, #tpu.memory_space<vmem_shared>>)
    %mul3A_822 = arith.constant 640 : i32
    %mul3A_823 = arith.muli %arg1, %mul3A_822 : i32
    %add3A_824 = arith.constant 288 : i32
    %add3A_825 = arith.addi %mul3A_823, %add3A_824 : i32
    %dma_wait3A_826 = arith.constant 0 : i32
    %dma_wait3A_827 = arith.constant 0 : i32
    %dma_wait3A_828 = tpu.memref_slice %arg9[%dma_wait3A_826, %dma_wait3A_827] : memref<128x128xf32, #tpu.memory_space<vmem>> -> memref<16x128xf32, #tpu.memory_space<vmem>>
    %dma_wait3A_829 = arith.constant 0 : i32
    %dma_wait3A_830 = tpu.memref_slice %arg6[%add3A_825, %dma_wait3A_829] : memref<10240x128xf32, #tpu.memory_space<vmem_shared>> -> memref<16x128xf32, #tpu.memory_space<vmem_shared>>
    %dma_wait3A_831 = arith.constant 0 : i32
    %dma_wait3A_832 = tpu.memref_slice %arg6[%add3A_825, %dma_wait3A_831] : memref<10240x128xf32, #tpu.memory_space<vmem_shared>> -> memref<16x128xf32, #tpu.memory_space<vmem_shared>>
    %dma_wait3A_833 = arith.constant 0 : i32
    %dma_wait3A_834 = arith.constant 0 : i32
    %dma_wait3A_835 = tpu.memref_slice %arg9[%dma_wait3A_833, %dma_wait3A_834] : memref<128x128xf32, #tpu.memory_space<vmem>> -> memref<16x128xf32, #tpu.memory_space<vmem>>
    tpu.wait_dma2 semaphore(%arg15 : memref<!tpu.dma_semaphore, #tpu.memory_space<semaphore_mem>>) src(%dma_wait3A_835 : memref<16x128xf32, #tpu.memory_space<vmem>>) dst(%dma_wait3A_832 : memref<16x128xf32, #tpu.memory_space<vmem_shared>>)
    %mul3A_836 = arith.constant 640 : i32
    %mul3A_837 = arith.muli %arg1, %mul3A_836 : i32
    %add3A_838 = arith.constant 304 : i32
    %add3A_839 = arith.addi %mul3A_837, %add3A_838 : i32
    %dma_wait3A_840 = arith.constant 0 : i32
    %dma_wait3A_841 = arith.constant 0 : i32
    %dma_wait3A_842 = tpu.memref_slice %arg9[%dma_wait3A_840, %dma_wait3A_841] : memref<128x128xf32, #tpu.memory_space<vmem>> -> memref<16x128xf32, #tpu.memory_space<vmem>>
    %dma_wait3A_843 = arith.constant 0 : i32
    %dma_wait3A_844 = tpu.memref_slice %arg6[%add3A_839, %dma_wait3A_843] : memref<10240x128xf32, #tpu.memory_space<vmem_shared>> -> memref<16x128xf32, #tpu.memory_space<vmem_shared>>
    %dma_wait3A_845 = arith.constant 0 : i32
    %dma_wait3A_846 = tpu.memref_slice %arg6[%add3A_839, %dma_wait3A_845] : memref<10240x128xf32, #tpu.memory_space<vmem_shared>> -> memref<16x128xf32, #tpu.memory_space<vmem_shared>>
    %dma_wait3A_847 = arith.constant 0 : i32
    %dma_wait3A_848 = arith.constant 0 : i32
    %dma_wait3A_849 = tpu.memref_slice %arg9[%dma_wait3A_847, %dma_wait3A_848] : memref<128x128xf32, #tpu.memory_space<vmem>> -> memref<16x128xf32, #tpu.memory_space<vmem>>
    tpu.wait_dma2 semaphore(%arg15 : memref<!tpu.dma_semaphore, #tpu.memory_space<semaphore_mem>>) src(%dma_wait3A_849 : memref<16x128xf32, #tpu.memory_space<vmem>>) dst(%dma_wait3A_846 : memref<16x128xf32, #tpu.memory_space<vmem_shared>>)
    %mul3A_850 = arith.constant 640 : i32
    %mul3A_851 = arith.muli %arg1, %mul3A_850 : i32
    %add3A_852 = arith.constant 320 : i32
    %add3A_853 = arith.addi %mul3A_851, %add3A_852 : i32
    %dma_wait3A_854 = arith.constant 0 : i32
    %dma_wait3A_855 = arith.constant 0 : i32
    %dma_wait3A_856 = tpu.memref_slice %arg9[%dma_wait3A_854, %dma_wait3A_855] : memref<128x128xf32, #tpu.memory_space<vmem>> -> memref<16x128xf32, #tpu.memory_space<vmem>>
    %dma_wait3A_857 = arith.constant 0 : i32
    %dma_wait3A_858 = tpu.memref_slice %arg6[%add3A_853, %dma_wait3A_857] : memref<10240x128xf32, #tpu.memory_space<vmem_shared>> -> memref<16x128xf32, #tpu.memory_space<vmem_shared>>
    %dma_wait3A_859 = arith.constant 0 : i32
    %dma_wait3A_860 = tpu.memref_slice %arg6[%add3A_853, %dma_wait3A_859] : memref<10240x128xf32, #tpu.memory_space<vmem_shared>> -> memref<16x128xf32, #tpu.memory_space<vmem_shared>>
    %dma_wait3A_861 = arith.constant 0 : i32
    %dma_wait3A_862 = arith.constant 0 : i32
    %dma_wait3A_863 = tpu.memref_slice %arg9[%dma_wait3A_861, %dma_wait3A_862] : memref<128x128xf32, #tpu.memory_space<vmem>> -> memref<16x128xf32, #tpu.memory_space<vmem>>
    tpu.wait_dma2 semaphore(%arg15 : memref<!tpu.dma_semaphore, #tpu.memory_space<semaphore_mem>>) src(%dma_wait3A_863 : memref<16x128xf32, #tpu.memory_space<vmem>>) dst(%dma_wait3A_860 : memref<16x128xf32, #tpu.memory_space<vmem_shared>>)
    %mul3A_864 = arith.constant 640 : i32
    %mul3A_865 = arith.muli %arg1, %mul3A_864 : i32
    %add3A_866 = arith.constant 336 : i32
    %add3A_867 = arith.addi %mul3A_865, %add3A_866 : i32
    %dma_wait3A_868 = arith.constant 0 : i32
    %dma_wait3A_869 = arith.constant 0 : i32
    %dma_wait3A_870 = tpu.memref_slice %arg9[%dma_wait3A_868, %dma_wait3A_869] : memref<128x128xf32, #tpu.memory_space<vmem>> -> memref<16x128xf32, #tpu.memory_space<vmem>>
    %dma_wait3A_871 = arith.constant 0 : i32
    %dma_wait3A_872 = tpu.memref_slice %arg6[%add3A_867, %dma_wait3A_871] : memref<10240x128xf32, #tpu.memory_space<vmem_shared>> -> memref<16x128xf32, #tpu.memory_space<vmem_shared>>
    %dma_wait3A_873 = arith.constant 0 : i32
    %dma_wait3A_874 = tpu.memref_slice %arg6[%add3A_867, %dma_wait3A_873] : memref<10240x128xf32, #tpu.memory_space<vmem_shared>> -> memref<16x128xf32, #tpu.memory_space<vmem_shared>>
    %dma_wait3A_875 = arith.constant 0 : i32
    %dma_wait3A_876 = arith.constant 0 : i32
    %dma_wait3A_877 = tpu.memref_slice %arg9[%dma_wait3A_875, %dma_wait3A_876] : memref<128x128xf32, #tpu.memory_space<vmem>> -> memref<16x128xf32, #tpu.memory_space<vmem>>
    tpu.wait_dma2 semaphore(%arg15 : memref<!tpu.dma_semaphore, #tpu.memory_space<semaphore_mem>>) src(%dma_wait3A_877 : memref<16x128xf32, #tpu.memory_space<vmem>>) dst(%dma_wait3A_874 : memref<16x128xf32, #tpu.memory_space<vmem_shared>>)
    %mul3A_878 = arith.constant 640 : i32
    %mul3A_879 = arith.muli %arg1, %mul3A_878 : i32
    %add3A_880 = arith.constant 352 : i32
    %add3A_881 = arith.addi %mul3A_879, %add3A_880 : i32
    %dma_wait3A_882 = arith.constant 0 : i32
    %dma_wait3A_883 = arith.constant 0 : i32
    %dma_wait3A_884 = tpu.memref_slice %arg9[%dma_wait3A_882, %dma_wait3A_883] : memref<128x128xf32, #tpu.memory_space<vmem>> -> memref<16x128xf32, #tpu.memory_space<vmem>>
    %dma_wait3A_885 = arith.constant 0 : i32
    %dma_wait3A_886 = tpu.memref_slice %arg6[%add3A_881, %dma_wait3A_885] : memref<10240x128xf32, #tpu.memory_space<vmem_shared>> -> memref<16x128xf32, #tpu.memory_space<vmem_shared>>
    %dma_wait3A_887 = arith.constant 0 : i32
    %dma_wait3A_888 = tpu.memref_slice %arg6[%add3A_881, %dma_wait3A_887] : memref<10240x128xf32, #tpu.memory_space<vmem_shared>> -> memref<16x128xf32, #tpu.memory_space<vmem_shared>>
    %dma_wait3A_889 = arith.constant 0 : i32
    %dma_wait3A_890 = arith.constant 0 : i32
    %dma_wait3A_891 = tpu.memref_slice %arg9[%dma_wait3A_889, %dma_wait3A_890] : memref<128x128xf32, #tpu.memory_space<vmem>> -> memref<16x128xf32, #tpu.memory_space<vmem>>
    tpu.wait_dma2 semaphore(%arg15 : memref<!tpu.dma_semaphore, #tpu.memory_space<semaphore_mem>>) src(%dma_wait3A_891 : memref<16x128xf32, #tpu.memory_space<vmem>>) dst(%dma_wait3A_888 : memref<16x128xf32, #tpu.memory_space<vmem_shared>>)
    %mul3A_892 = arith.constant 640 : i32
    %mul3A_893 = arith.muli %arg1, %mul3A_892 : i32
    %add3A_894 = arith.constant 368 : i32
    %add3A_895 = arith.addi %mul3A_893, %add3A_894 : i32
    %dma_wait3A_896 = arith.constant 0 : i32
    %dma_wait3A_897 = arith.constant 0 : i32
    %dma_wait3A_898 = tpu.memref_slice %arg9[%dma_wait3A_896, %dma_wait3A_897] : memref<128x128xf32, #tpu.memory_space<vmem>> -> memref<16x128xf32, #tpu.memory_space<vmem>>
    %dma_wait3A_899 = arith.constant 0 : i32
    %dma_wait3A_900 = tpu.memref_slice %arg6[%add3A_895, %dma_wait3A_899] : memref<10240x128xf32, #tpu.memory_space<vmem_shared>> -> memref<16x128xf32, #tpu.memory_space<vmem_shared>>
    %dma_wait3A_901 = arith.constant 0 : i32
    %dma_wait3A_902 = tpu.memref_slice %arg6[%add3A_895, %dma_wait3A_901] : memref<10240x128xf32, #tpu.memory_space<vmem_shared>> -> memref<16x128xf32, #tpu.memory_space<vmem_shared>>
    %dma_wait3A_903 = arith.constant 0 : i32
    %dma_wait3A_904 = arith.constant 0 : i32
    %dma_wait3A_905 = tpu.memref_slice %arg9[%dma_wait3A_903, %dma_wait3A_904] : memref<128x128xf32, #tpu.memory_space<vmem>> -> memref<16x128xf32, #tpu.memory_space<vmem>>
    tpu.wait_dma2 semaphore(%arg15 : memref<!tpu.dma_semaphore, #tpu.memory_space<semaphore_mem>>) src(%dma_wait3A_905 : memref<16x128xf32, #tpu.memory_space<vmem>>) dst(%dma_wait3A_902 : memref<16x128xf32, #tpu.memory_space<vmem_shared>>)
    %mul3A_906 = arith.constant 640 : i32
    %mul3A_907 = arith.muli %arg1, %mul3A_906 : i32
    %add3A_908 = arith.constant 384 : i32
    %add3A_909 = arith.addi %mul3A_907, %add3A_908 : i32
    %dma_wait3A_910 = arith.constant 0 : i32
    %dma_wait3A_911 = arith.constant 0 : i32
    %dma_wait3A_912 = tpu.memref_slice %arg9[%dma_wait3A_910, %dma_wait3A_911] : memref<128x128xf32, #tpu.memory_space<vmem>> -> memref<16x128xf32, #tpu.memory_space<vmem>>
    %dma_wait3A_913 = arith.constant 0 : i32
    %dma_wait3A_914 = tpu.memref_slice %arg6[%add3A_909, %dma_wait3A_913] : memref<10240x128xf32, #tpu.memory_space<vmem_shared>> -> memref<16x128xf32, #tpu.memory_space<vmem_shared>>
    %dma_wait3A_915 = arith.constant 0 : i32
    %dma_wait3A_916 = tpu.memref_slice %arg6[%add3A_909, %dma_wait3A_915] : memref<10240x128xf32, #tpu.memory_space<vmem_shared>> -> memref<16x128xf32, #tpu.memory_space<vmem_shared>>
    %dma_wait3A_917 = arith.constant 0 : i32
    %dma_wait3A_918 = arith.constant 0 : i32
    %dma_wait3A_919 = tpu.memref_slice %arg9[%dma_wait3A_917, %dma_wait3A_918] : memref<128x128xf32, #tpu.memory_space<vmem>> -> memref<16x128xf32, #tpu.memory_space<vmem>>
    tpu.wait_dma2 semaphore(%arg15 : memref<!tpu.dma_semaphore, #tpu.memory_space<semaphore_mem>>) src(%dma_wait3A_919 : memref<16x128xf32, #tpu.memory_space<vmem>>) dst(%dma_wait3A_916 : memref<16x128xf32, #tpu.memory_space<vmem_shared>>)
    %mul3A_920 = arith.constant 640 : i32
    %mul3A_921 = arith.muli %arg1, %mul3A_920 : i32
    %add3A_922 = arith.constant 400 : i32
    %add3A_923 = arith.addi %mul3A_921, %add3A_922 : i32
    %dma_wait3A_924 = arith.constant 0 : i32
    %dma_wait3A_925 = arith.constant 0 : i32
    %dma_wait3A_926 = tpu.memref_slice %arg9[%dma_wait3A_924, %dma_wait3A_925] : memref<128x128xf32, #tpu.memory_space<vmem>> -> memref<16x128xf32, #tpu.memory_space<vmem>>
    %dma_wait3A_927 = arith.constant 0 : i32
    %dma_wait3A_928 = tpu.memref_slice %arg6[%add3A_923, %dma_wait3A_927] : memref<10240x128xf32, #tpu.memory_space<vmem_shared>> -> memref<16x128xf32, #tpu.memory_space<vmem_shared>>
    %dma_wait3A_929 = arith.constant 0 : i32
    %dma_wait3A_930 = tpu.memref_slice %arg6[%add3A_923, %dma_wait3A_929] : memref<10240x128xf32, #tpu.memory_space<vmem_shared>> -> memref<16x128xf32, #tpu.memory_space<vmem_shared>>
    %dma_wait3A_931 = arith.constant 0 : i32
    %dma_wait3A_932 = arith.constant 0 : i32
    %dma_wait3A_933 = tpu.memref_slice %arg9[%dma_wait3A_931, %dma_wait3A_932] : memref<128x128xf32, #tpu.memory_space<vmem>> -> memref<16x128xf32, #tpu.memory_space<vmem>>
    tpu.wait_dma2 semaphore(%arg15 : memref<!tpu.dma_semaphore, #tpu.memory_space<semaphore_mem>>) src(%dma_wait3A_933 : memref<16x128xf32, #tpu.memory_space<vmem>>) dst(%dma_wait3A_930 : memref<16x128xf32, #tpu.memory_space<vmem_shared>>)
    %mul3A_934 = arith.constant 640 : i32
    %mul3A_935 = arith.muli %arg1, %mul3A_934 : i32
    %add3A_936 = arith.constant 416 : i32
    %add3A_937 = arith.addi %mul3A_935, %add3A_936 : i32
    %dma_wait3A_938 = arith.constant 0 : i32
    %dma_wait3A_939 = arith.constant 0 : i32
    %dma_wait3A_940 = tpu.memref_slice %arg9[%dma_wait3A_938, %dma_wait3A_939] : memref<128x128xf32, #tpu.memory_space<vmem>> -> memref<16x128xf32, #tpu.memory_space<vmem>>
    %dma_wait3A_941 = arith.constant 0 : i32
    %dma_wait3A_942 = tpu.memref_slice %arg6[%add3A_937, %dma_wait3A_941] : memref<10240x128xf32, #tpu.memory_space<vmem_shared>> -> memref<16x128xf32, #tpu.memory_space<vmem_shared>>
    %dma_wait3A_943 = arith.constant 0 : i32
    %dma_wait3A_944 = tpu.memref_slice %arg6[%add3A_937, %dma_wait3A_943] : memref<10240x128xf32, #tpu.memory_space<vmem_shared>> -> memref<16x128xf32, #tpu.memory_space<vmem_shared>>
    %dma_wait3A_945 = arith.constant 0 : i32
    %dma_wait3A_946 = arith.constant 0 : i32
    %dma_wait3A_947 = tpu.memref_slice %arg9[%dma_wait3A_945, %dma_wait3A_946] : memref<128x128xf32, #tpu.memory_space<vmem>> -> memref<16x128xf32, #tpu.memory_space<vmem>>
    tpu.wait_dma2 semaphore(%arg15 : memref<!tpu.dma_semaphore, #tpu.memory_space<semaphore_mem>>) src(%dma_wait3A_947 : memref<16x128xf32, #tpu.memory_space<vmem>>) dst(%dma_wait3A_944 : memref<16x128xf32, #tpu.memory_space<vmem_shared>>)
    %mul3A_948 = arith.constant 640 : i32
    %mul3A_949 = arith.muli %arg1, %mul3A_948 : i32
    %add3A_950 = arith.constant 432 : i32
    %add3A_951 = arith.addi %mul3A_949, %add3A_950 : i32
    %dma_wait3A_952 = arith.constant 0 : i32
    %dma_wait3A_953 = arith.constant 0 : i32
    %dma_wait3A_954 = tpu.memref_slice %arg9[%dma_wait3A_952, %dma_wait3A_953] : memref<128x128xf32, #tpu.memory_space<vmem>> -> memref<16x128xf32, #tpu.memory_space<vmem>>
    %dma_wait3A_955 = arith.constant 0 : i32
    %dma_wait3A_956 = tpu.memref_slice %arg6[%add3A_951, %dma_wait3A_955] : memref<10240x128xf32, #tpu.memory_space<vmem_shared>> -> memref<16x128xf32, #tpu.memory_space<vmem_shared>>
    %dma_wait3A_957 = arith.constant 0 : i32
    %dma_wait3A_958 = tpu.memref_slice %arg6[%add3A_951, %dma_wait3A_957] : memref<10240x128xf32, #tpu.memory_space<vmem_shared>> -> memref<16x128xf32, #tpu.memory_space<vmem_shared>>
    %dma_wait3A_959 = arith.constant 0 : i32
    %dma_wait3A_960 = arith.constant 0 : i32
    %dma_wait3A_961 = tpu.memref_slice %arg9[%dma_wait3A_959, %dma_wait3A_960] : memref<128x128xf32, #tpu.memory_space<vmem>> -> memref<16x128xf32, #tpu.memory_space<vmem>>
    tpu.wait_dma2 semaphore(%arg15 : memref<!tpu.dma_semaphore, #tpu.memory_space<semaphore_mem>>) src(%dma_wait3A_961 : memref<16x128xf32, #tpu.memory_space<vmem>>) dst(%dma_wait3A_958 : memref<16x128xf32, #tpu.memory_space<vmem_shared>>)
    %mul3A_962 = arith.constant 640 : i32
    %mul3A_963 = arith.muli %arg1, %mul3A_962 : i32
    %add3A_964 = arith.constant 448 : i32
    %add3A_965 = arith.addi %mul3A_963, %add3A_964 : i32
    %dma_wait3A_966 = arith.constant 0 : i32
    %dma_wait3A_967 = arith.constant 0 : i32
    %dma_wait3A_968 = tpu.memref_slice %arg9[%dma_wait3A_966, %dma_wait3A_967] : memref<128x128xf32, #tpu.memory_space<vmem>> -> memref<16x128xf32, #tpu.memory_space<vmem>>
    %dma_wait3A_969 = arith.constant 0 : i32
    %dma_wait3A_970 = tpu.memref_slice %arg6[%add3A_965, %dma_wait3A_969] : memref<10240x128xf32, #tpu.memory_space<vmem_shared>> -> memref<16x128xf32, #tpu.memory_space<vmem_shared>>
    %dma_wait3A_971 = arith.constant 0 : i32
    %dma_wait3A_972 = tpu.memref_slice %arg6[%add3A_965, %dma_wait3A_971] : memref<10240x128xf32, #tpu.memory_space<vmem_shared>> -> memref<16x128xf32, #tpu.memory_space<vmem_shared>>
    %dma_wait3A_973 = arith.constant 0 : i32
    %dma_wait3A_974 = arith.constant 0 : i32
    %dma_wait3A_975 = tpu.memref_slice %arg9[%dma_wait3A_973, %dma_wait3A_974] : memref<128x128xf32, #tpu.memory_space<vmem>> -> memref<16x128xf32, #tpu.memory_space<vmem>>
    tpu.wait_dma2 semaphore(%arg15 : memref<!tpu.dma_semaphore, #tpu.memory_space<semaphore_mem>>) src(%dma_wait3A_975 : memref<16x128xf32, #tpu.memory_space<vmem>>) dst(%dma_wait3A_972 : memref<16x128xf32, #tpu.memory_space<vmem_shared>>)
    %mul3A_976 = arith.constant 640 : i32
    %mul3A_977 = arith.muli %arg1, %mul3A_976 : i32
    %add3A_978 = arith.constant 464 : i32
    %add3A_979 = arith.addi %mul3A_977, %add3A_978 : i32
    %dma_wait3A_980 = arith.constant 0 : i32
    %dma_wait3A_981 = arith.constant 0 : i32
    %dma_wait3A_982 = tpu.memref_slice %arg9[%dma_wait3A_980, %dma_wait3A_981] : memref<128x128xf32, #tpu.memory_space<vmem>> -> memref<16x128xf32, #tpu.memory_space<vmem>>
    %dma_wait3A_983 = arith.constant 0 : i32
    %dma_wait3A_984 = tpu.memref_slice %arg6[%add3A_979, %dma_wait3A_983] : memref<10240x128xf32, #tpu.memory_space<vmem_shared>> -> memref<16x128xf32, #tpu.memory_space<vmem_shared>>
    %dma_wait3A_985 = arith.constant 0 : i32
    %dma_wait3A_986 = tpu.memref_slice %arg6[%add3A_979, %dma_wait3A_985] : memref<10240x128xf32, #tpu.memory_space<vmem_shared>> -> memref<16x128xf32, #tpu.memory_space<vmem_shared>>
    %dma_wait3A_987 = arith.constant 0 : i32
    %dma_wait3A_988 = arith.constant 0 : i32
    %dma_wait3A_989 = tpu.memref_slice %arg9[%dma_wait3A_987, %dma_wait3A_988] : memref<128x128xf32, #tpu.memory_space<vmem>> -> memref<16x128xf32, #tpu.memory_space<vmem>>
    tpu.wait_dma2 semaphore(%arg15 : memref<!tpu.dma_semaphore, #tpu.memory_space<semaphore_mem>>) src(%dma_wait3A_989 : memref<16x128xf32, #tpu.memory_space<vmem>>) dst(%dma_wait3A_986 : memref<16x128xf32, #tpu.memory_space<vmem_shared>>)
    %mul3A_990 = arith.constant 640 : i32
    %mul3A_991 = arith.muli %arg1, %mul3A_990 : i32
    %add3A_992 = arith.constant 480 : i32
    %add3A_993 = arith.addi %mul3A_991, %add3A_992 : i32
    %dma_wait3A_994 = arith.constant 0 : i32
    %dma_wait3A_995 = arith.constant 0 : i32
    %dma_wait3A_996 = tpu.memref_slice %arg9[%dma_wait3A_994, %dma_wait3A_995] : memref<128x128xf32, #tpu.memory_space<vmem>> -> memref<16x128xf32, #tpu.memory_space<vmem>>
    %dma_wait3A_997 = arith.constant 0 : i32
    %dma_wait3A_998 = tpu.memref_slice %arg6[%add3A_993, %dma_wait3A_997] : memref<10240x128xf32, #tpu.memory_space<vmem_shared>> -> memref<16x128xf32, #tpu.memory_space<vmem_shared>>
    %dma_wait3A_999 = arith.constant 0 : i32
    %dma_wait3A_1000 = tpu.memref_slice %arg6[%add3A_993, %dma_wait3A_999] : memref<10240x128xf32, #tpu.memory_space<vmem_shared>> -> memref<16x128xf32, #tpu.memory_space<vmem_shared>>
    %dma_wait3A_1001 = arith.constant 0 : i32
    %dma_wait3A_1002 = arith.constant 0 : i32
    %dma_wait3A_1003 = tpu.memref_slice %arg9[%dma_wait3A_1001, %dma_wait3A_1002] : memref<128x128xf32, #tpu.memory_space<vmem>> -> memref<16x128xf32, #tpu.memory_space<vmem>>
    tpu.wait_dma2 semaphore(%arg15 : memref<!tpu.dma_semaphore, #tpu.memory_space<semaphore_mem>>) src(%dma_wait3A_1003 : memref<16x128xf32, #tpu.memory_space<vmem>>) dst(%dma_wait3A_1000 : memref<16x128xf32, #tpu.memory_space<vmem_shared>>)
    %mul3A_1004 = arith.constant 640 : i32
    %mul3A_1005 = arith.muli %arg1, %mul3A_1004 : i32
    %add3A_1006 = arith.constant 496 : i32
    %add3A_1007 = arith.addi %mul3A_1005, %add3A_1006 : i32
    %dma_wait3A_1008 = arith.constant 0 : i32
    %dma_wait3A_1009 = arith.constant 0 : i32
    %dma_wait3A_1010 = tpu.memref_slice %arg9[%dma_wait3A_1008, %dma_wait3A_1009] : memref<128x128xf32, #tpu.memory_space<vmem>> -> memref<16x128xf32, #tpu.memory_space<vmem>>
    %dma_wait3A_1011 = arith.constant 0 : i32
    %dma_wait3A_1012 = tpu.memref_slice %arg6[%add3A_1007, %dma_wait3A_1011] : memref<10240x128xf32, #tpu.memory_space<vmem_shared>> -> memref<16x128xf32, #tpu.memory_space<vmem_shared>>
    %dma_wait3A_1013 = arith.constant 0 : i32
    %dma_wait3A_1014 = tpu.memref_slice %arg6[%add3A_1007, %dma_wait3A_1013] : memref<10240x128xf32, #tpu.memory_space<vmem_shared>> -> memref<16x128xf32, #tpu.memory_space<vmem_shared>>
    %dma_wait3A_1015 = arith.constant 0 : i32
    %dma_wait3A_1016 = arith.constant 0 : i32
    %dma_wait3A_1017 = tpu.memref_slice %arg9[%dma_wait3A_1015, %dma_wait3A_1016] : memref<128x128xf32, #tpu.memory_space<vmem>> -> memref<16x128xf32, #tpu.memory_space<vmem>>
    tpu.wait_dma2 semaphore(%arg15 : memref<!tpu.dma_semaphore, #tpu.memory_space<semaphore_mem>>) src(%dma_wait3A_1017 : memref<16x128xf32, #tpu.memory_space<vmem>>) dst(%dma_wait3A_1014 : memref<16x128xf32, #tpu.memory_space<vmem_shared>>)
    %mul3A_1018 = arith.constant 640 : i32
    %mul3A_1019 = arith.muli %arg1, %mul3A_1018 : i32
    %add3A_1020 = arith.constant 512 : i32
    %add3A_1021 = arith.addi %mul3A_1019, %add3A_1020 : i32
    %dma_wait3A_1022 = arith.constant 0 : i32
    %dma_wait3A_1023 = arith.constant 0 : i32
    %dma_wait3A_1024 = tpu.memref_slice %arg9[%dma_wait3A_1022, %dma_wait3A_1023] : memref<128x128xf32, #tpu.memory_space<vmem>> -> memref<16x128xf32, #tpu.memory_space<vmem>>
    %dma_wait3A_1025 = arith.constant 0 : i32
    %dma_wait3A_1026 = tpu.memref_slice %arg6[%add3A_1021, %dma_wait3A_1025] : memref<10240x128xf32, #tpu.memory_space<vmem_shared>> -> memref<16x128xf32, #tpu.memory_space<vmem_shared>>
    %dma_wait3A_1027 = arith.constant 0 : i32
    %dma_wait3A_1028 = tpu.memref_slice %arg6[%add3A_1021, %dma_wait3A_1027] : memref<10240x128xf32, #tpu.memory_space<vmem_shared>> -> memref<16x128xf32, #tpu.memory_space<vmem_shared>>
    %dma_wait3A_1029 = arith.constant 0 : i32
    %dma_wait3A_1030 = arith.constant 0 : i32
    %dma_wait3A_1031 = tpu.memref_slice %arg9[%dma_wait3A_1029, %dma_wait3A_1030] : memref<128x128xf32, #tpu.memory_space<vmem>> -> memref<16x128xf32, #tpu.memory_space<vmem>>
    tpu.wait_dma2 semaphore(%arg15 : memref<!tpu.dma_semaphore, #tpu.memory_space<semaphore_mem>>) src(%dma_wait3A_1031 : memref<16x128xf32, #tpu.memory_space<vmem>>) dst(%dma_wait3A_1028 : memref<16x128xf32, #tpu.memory_space<vmem_shared>>)
    %mul3A_1032 = arith.constant 640 : i32
    %mul3A_1033 = arith.muli %arg1, %mul3A_1032 : i32
    %add3A_1034 = arith.constant 528 : i32
    %add3A_1035 = arith.addi %mul3A_1033, %add3A_1034 : i32
    %dma_wait3A_1036 = arith.constant 0 : i32
    %dma_wait3A_1037 = arith.constant 0 : i32
    %dma_wait3A_1038 = tpu.memref_slice %arg9[%dma_wait3A_1036, %dma_wait3A_1037] : memref<128x128xf32, #tpu.memory_space<vmem>> -> memref<16x128xf32, #tpu.memory_space<vmem>>
    %dma_wait3A_1039 = arith.constant 0 : i32
    %dma_wait3A_1040 = tpu.memref_slice %arg6[%add3A_1035, %dma_wait3A_1039] : memref<10240x128xf32, #tpu.memory_space<vmem_shared>> -> memref<16x128xf32, #tpu.memory_space<vmem_shared>>
    %dma_wait3A_1041 = arith.constant 0 : i32
    %dma_wait3A_1042 = tpu.memref_slice %arg6[%add3A_1035, %dma_wait3A_1041] : memref<10240x128xf32, #tpu.memory_space<vmem_shared>> -> memref<16x128xf32, #tpu.memory_space<vmem_shared>>
    %dma_wait3A_1043 = arith.constant 0 : i32
    %dma_wait3A_1044 = arith.constant 0 : i32
    %dma_wait3A_1045 = tpu.memref_slice %arg9[%dma_wait3A_1043, %dma_wait3A_1044] : memref<128x128xf32, #tpu.memory_space<vmem>> -> memref<16x128xf32, #tpu.memory_space<vmem>>
    tpu.wait_dma2 semaphore(%arg15 : memref<!tpu.dma_semaphore, #tpu.memory_space<semaphore_mem>>) src(%dma_wait3A_1045 : memref<16x128xf32, #tpu.memory_space<vmem>>) dst(%dma_wait3A_1042 : memref<16x128xf32, #tpu.memory_space<vmem_shared>>)
    %mul3A_1046 = arith.constant 640 : i32
    %mul3A_1047 = arith.muli %arg1, %mul3A_1046 : i32
    %add3A_1048 = arith.constant 544 : i32
    %add3A_1049 = arith.addi %mul3A_1047, %add3A_1048 : i32
    %dma_wait3A_1050 = arith.constant 0 : i32
    %dma_wait3A_1051 = arith.constant 0 : i32
    %dma_wait3A_1052 = tpu.memref_slice %arg9[%dma_wait3A_1050, %dma_wait3A_1051] : memref<128x128xf32, #tpu.memory_space<vmem>> -> memref<16x128xf32, #tpu.memory_space<vmem>>
    %dma_wait3A_1053 = arith.constant 0 : i32
    %dma_wait3A_1054 = tpu.memref_slice %arg6[%add3A_1049, %dma_wait3A_1053] : memref<10240x128xf32, #tpu.memory_space<vmem_shared>> -> memref<16x128xf32, #tpu.memory_space<vmem_shared>>
    %dma_wait3A_1055 = arith.constant 0 : i32
    %dma_wait3A_1056 = tpu.memref_slice %arg6[%add3A_1049, %dma_wait3A_1055] : memref<10240x128xf32, #tpu.memory_space<vmem_shared>> -> memref<16x128xf32, #tpu.memory_space<vmem_shared>>
    %dma_wait3A_1057 = arith.constant 0 : i32
    %dma_wait3A_1058 = arith.constant 0 : i32
    %dma_wait3A_1059 = tpu.memref_slice %arg9[%dma_wait3A_1057, %dma_wait3A_1058] : memref<128x128xf32, #tpu.memory_space<vmem>> -> memref<16x128xf32, #tpu.memory_space<vmem>>
    tpu.wait_dma2 semaphore(%arg15 : memref<!tpu.dma_semaphore, #tpu.memory_space<semaphore_mem>>) src(%dma_wait3A_1059 : memref<16x128xf32, #tpu.memory_space<vmem>>) dst(%dma_wait3A_1056 : memref<16x128xf32, #tpu.memory_space<vmem_shared>>)
    %mul3A_1060 = arith.constant 640 : i32
    %mul3A_1061 = arith.muli %arg1, %mul3A_1060 : i32
    %add3A_1062 = arith.constant 560 : i32
    %add3A_1063 = arith.addi %mul3A_1061, %add3A_1062 : i32
    %dma_wait3A_1064 = arith.constant 0 : i32
    %dma_wait3A_1065 = arith.constant 0 : i32
    %dma_wait3A_1066 = tpu.memref_slice %arg9[%dma_wait3A_1064, %dma_wait3A_1065] : memref<128x128xf32, #tpu.memory_space<vmem>> -> memref<16x128xf32, #tpu.memory_space<vmem>>
    %dma_wait3A_1067 = arith.constant 0 : i32
    %dma_wait3A_1068 = tpu.memref_slice %arg6[%add3A_1063, %dma_wait3A_1067] : memref<10240x128xf32, #tpu.memory_space<vmem_shared>> -> memref<16x128xf32, #tpu.memory_space<vmem_shared>>
    %dma_wait3A_1069 = arith.constant 0 : i32
    %dma_wait3A_1070 = tpu.memref_slice %arg6[%add3A_1063, %dma_wait3A_1069] : memref<10240x128xf32, #tpu.memory_space<vmem_shared>> -> memref<16x128xf32, #tpu.memory_space<vmem_shared>>
    %dma_wait3A_1071 = arith.constant 0 : i32
    %dma_wait3A_1072 = arith.constant 0 : i32
    %dma_wait3A_1073 = tpu.memref_slice %arg9[%dma_wait3A_1071, %dma_wait3A_1072] : memref<128x128xf32, #tpu.memory_space<vmem>> -> memref<16x128xf32, #tpu.memory_space<vmem>>
    tpu.wait_dma2 semaphore(%arg15 : memref<!tpu.dma_semaphore, #tpu.memory_space<semaphore_mem>>) src(%dma_wait3A_1073 : memref<16x128xf32, #tpu.memory_space<vmem>>) dst(%dma_wait3A_1070 : memref<16x128xf32, #tpu.memory_space<vmem_shared>>)
    %mul3A_1074 = arith.constant 640 : i32
    %mul3A_1075 = arith.muli %arg1, %mul3A_1074 : i32
    %add3A_1076 = arith.constant 576 : i32
    %add3A_1077 = arith.addi %mul3A_1075, %add3A_1076 : i32
    %dma_wait3A_1078 = arith.constant 0 : i32
    %dma_wait3A_1079 = arith.constant 0 : i32
    %dma_wait3A_1080 = tpu.memref_slice %arg9[%dma_wait3A_1078, %dma_wait3A_1079] : memref<128x128xf32, #tpu.memory_space<vmem>> -> memref<16x128xf32, #tpu.memory_space<vmem>>
    %dma_wait3A_1081 = arith.constant 0 : i32
    %dma_wait3A_1082 = tpu.memref_slice %arg6[%add3A_1077, %dma_wait3A_1081] : memref<10240x128xf32, #tpu.memory_space<vmem_shared>> -> memref<16x128xf32, #tpu.memory_space<vmem_shared>>
    %dma_wait3A_1083 = arith.constant 0 : i32
    %dma_wait3A_1084 = tpu.memref_slice %arg6[%add3A_1077, %dma_wait3A_1083] : memref<10240x128xf32, #tpu.memory_space<vmem_shared>> -> memref<16x128xf32, #tpu.memory_space<vmem_shared>>
    %dma_wait3A_1085 = arith.constant 0 : i32
    %dma_wait3A_1086 = arith.constant 0 : i32
    %dma_wait3A_1087 = tpu.memref_slice %arg9[%dma_wait3A_1085, %dma_wait3A_1086] : memref<128x128xf32, #tpu.memory_space<vmem>> -> memref<16x128xf32, #tpu.memory_space<vmem>>
    tpu.wait_dma2 semaphore(%arg15 : memref<!tpu.dma_semaphore, #tpu.memory_space<semaphore_mem>>) src(%dma_wait3A_1087 : memref<16x128xf32, #tpu.memory_space<vmem>>) dst(%dma_wait3A_1084 : memref<16x128xf32, #tpu.memory_space<vmem_shared>>)
    %mul3A_1088 = arith.constant 640 : i32
    %mul3A_1089 = arith.muli %arg1, %mul3A_1088 : i32
    %add3A_1090 = arith.constant 592 : i32
    %add3A_1091 = arith.addi %mul3A_1089, %add3A_1090 : i32
    %dma_wait3A_1092 = arith.constant 0 : i32
    %dma_wait3A_1093 = arith.constant 0 : i32
    %dma_wait3A_1094 = tpu.memref_slice %arg9[%dma_wait3A_1092, %dma_wait3A_1093] : memref<128x128xf32, #tpu.memory_space<vmem>> -> memref<16x128xf32, #tpu.memory_space<vmem>>
    %dma_wait3A_1095 = arith.constant 0 : i32
    %dma_wait3A_1096 = tpu.memref_slice %arg6[%add3A_1091, %dma_wait3A_1095] : memref<10240x128xf32, #tpu.memory_space<vmem_shared>> -> memref<16x128xf32, #tpu.memory_space<vmem_shared>>
    %dma_wait3A_1097 = arith.constant 0 : i32
    %dma_wait3A_1098 = tpu.memref_slice %arg6[%add3A_1091, %dma_wait3A_1097] : memref<10240x128xf32, #tpu.memory_space<vmem_shared>> -> memref<16x128xf32, #tpu.memory_space<vmem_shared>>
    %dma_wait3A_1099 = arith.constant 0 : i32
    %dma_wait3A_1100 = arith.constant 0 : i32
    %dma_wait3A_1101 = tpu.memref_slice %arg9[%dma_wait3A_1099, %dma_wait3A_1100] : memref<128x128xf32, #tpu.memory_space<vmem>> -> memref<16x128xf32, #tpu.memory_space<vmem>>
    tpu.wait_dma2 semaphore(%arg15 : memref<!tpu.dma_semaphore, #tpu.memory_space<semaphore_mem>>) src(%dma_wait3A_1101 : memref<16x128xf32, #tpu.memory_space<vmem>>) dst(%dma_wait3A_1098 : memref<16x128xf32, #tpu.memory_space<vmem_shared>>)
    %mul3A_1102 = arith.constant 640 : i32
    %mul3A_1103 = arith.muli %arg1, %mul3A_1102 : i32
    %add3A_1104 = arith.constant 608 : i32
    %add3A_1105 = arith.addi %mul3A_1103, %add3A_1104 : i32
    %dma_wait3A_1106 = arith.constant 0 : i32
    %dma_wait3A_1107 = arith.constant 0 : i32
    %dma_wait3A_1108 = tpu.memref_slice %arg9[%dma_wait3A_1106, %dma_wait3A_1107] : memref<128x128xf32, #tpu.memory_space<vmem>> -> memref<16x128xf32, #tpu.memory_space<vmem>>
    %dma_wait3A_1109 = arith.constant 0 : i32
    %dma_wait3A_1110 = tpu.memref_slice %arg6[%add3A_1105, %dma_wait3A_1109] : memref<10240x128xf32, #tpu.memory_space<vmem_shared>> -> memref<16x128xf32, #tpu.memory_space<vmem_shared>>
    %dma_wait3A_1111 = arith.constant 0 : i32
    %dma_wait3A_1112 = tpu.memref_slice %arg6[%add3A_1105, %dma_wait3A_1111] : memref<10240x128xf32, #tpu.memory_space<vmem_shared>> -> memref<16x128xf32, #tpu.memory_space<vmem_shared>>
    %dma_wait3A_1113 = arith.constant 0 : i32
    %dma_wait3A_1114 = arith.constant 0 : i32
    %dma_wait3A_1115 = tpu.memref_slice %arg9[%dma_wait3A_1113, %dma_wait3A_1114] : memref<128x128xf32, #tpu.memory_space<vmem>> -> memref<16x128xf32, #tpu.memory_space<vmem>>
    tpu.wait_dma2 semaphore(%arg15 : memref<!tpu.dma_semaphore, #tpu.memory_space<semaphore_mem>>) src(%dma_wait3A_1115 : memref<16x128xf32, #tpu.memory_space<vmem>>) dst(%dma_wait3A_1112 : memref<16x128xf32, #tpu.memory_space<vmem_shared>>)
    %mul3A_1116 = arith.constant 640 : i32
    %mul3A_1117 = arith.muli %arg1, %mul3A_1116 : i32
    %add3A_1118 = arith.constant 624 : i32
    %add3A_1119 = arith.addi %mul3A_1117, %add3A_1118 : i32
    %dma_wait3A_1120 = arith.constant 0 : i32
    %dma_wait3A_1121 = arith.constant 0 : i32
    %dma_wait3A_1122 = tpu.memref_slice %arg9[%dma_wait3A_1120, %dma_wait3A_1121] : memref<128x128xf32, #tpu.memory_space<vmem>> -> memref<16x128xf32, #tpu.memory_space<vmem>>
    %dma_wait3A_1123 = arith.constant 0 : i32
    %dma_wait3A_1124 = tpu.memref_slice %arg6[%add3A_1119, %dma_wait3A_1123] : memref<10240x128xf32, #tpu.memory_space<vmem_shared>> -> memref<16x128xf32, #tpu.memory_space<vmem_shared>>
    %dma_wait3A_1125 = arith.constant 0 : i32
    %dma_wait3A_1126 = tpu.memref_slice %arg6[%add3A_1119, %dma_wait3A_1125] : memref<10240x128xf32, #tpu.memory_space<vmem_shared>> -> memref<16x128xf32, #tpu.memory_space<vmem_shared>>
    %dma_wait3A_1127 = arith.constant 0 : i32
    %dma_wait3A_1128 = arith.constant 0 : i32
    %dma_wait3A_1129 = tpu.memref_slice %arg9[%dma_wait3A_1127, %dma_wait3A_1128] : memref<128x128xf32, #tpu.memory_space<vmem>> -> memref<16x128xf32, #tpu.memory_space<vmem>>
    tpu.wait_dma2 semaphore(%arg15 : memref<!tpu.dma_semaphore, #tpu.memory_space<semaphore_mem>>) src(%dma_wait3A_1129 : memref<16x128xf32, #tpu.memory_space<vmem>>) dst(%dma_wait3A_1126 : memref<16x128xf32, #tpu.memory_space<vmem_shared>>)
    "tpu.region"() ({
      %run_scoped3A = tpu.sem_alloc : memref<!tpu.dma_semaphore, #tpu.memory_space<semaphore_mem>>
      %dma_start3A_1148 = arith.constant 0 : i32
      %dma_start3A_1149 = arith.constant 0 : i32
      %dma_start3A_1150 = tpu.memref_slice %arg4[%add3A, %dma_start3A_1148, %dma_start3A_1149] : memref<32x80x128xi32, #tpu.memory_space<hbm>> -> memref<1x40x128xi32, #tpu.memory_space<hbm>>
      %dma_start3A_1151 = tpu.memref_squeeze %dma_start3A_1150 : memref<1x40x128xi32, #tpu.memory_space<hbm>> -> memref<40x128xi32, #tpu.memory_space<hbm>>
      %dma_start3A_1152 = arith.constant 0 : i32
      %dma_start3A_1153 = arith.constant 0 : i32
      %dma_start3A_1154 = tpu.memref_slice %arg4[%add3A, %dma_start3A_1152, %dma_start3A_1153] : memref<32x80x128xi32, #tpu.memory_space<hbm>> -> memref<1x40x128xi32, #tpu.memory_space<hbm>>
      %dma_start3A_1155 = tpu.memref_squeeze %dma_start3A_1154 : memref<1x40x128xi32, #tpu.memory_space<hbm>> -> memref<40x128xi32, #tpu.memory_space<hbm>>
      tpu.enqueue_dma source(%dma_start3A_1155 : memref<40x128xi32, #tpu.memory_space<hbm>>) target(%arg8 : memref<40x128xi32, #tpu.memory_space<vmem>>) target_semaphore(%run_scoped3A : memref<!tpu.dma_semaphore, #tpu.memory_space<semaphore_mem>>)
      %dma_wait3A_1156 = arith.constant 0 : i32
      %dma_wait3A_1157 = arith.constant 0 : i32
      %dma_wait3A_1158 = tpu.memref_slice %arg4[%add3A, %dma_wait3A_1156, %dma_wait3A_1157] : memref<32x80x128xi32, #tpu.memory_space<hbm>> -> memref<1x40x128xi32, #tpu.memory_space<hbm>>
      %dma_wait3A_1159 = tpu.memref_squeeze %dma_wait3A_1158 : memref<1x40x128xi32, #tpu.memory_space<hbm>> -> memref<40x128xi32, #tpu.memory_space<hbm>>
      %dma_wait3A_1160 = arith.constant 0 : i32
      %dma_wait3A_1161 = arith.constant 0 : i32
      %dma_wait3A_1162 = tpu.memref_slice %arg4[%add3A, %dma_wait3A_1160, %dma_wait3A_1161] : memref<32x80x128xi32, #tpu.memory_space<hbm>> -> memref<1x40x128xi32, #tpu.memory_space<hbm>>
      %dma_wait3A_1163 = tpu.memref_squeeze %dma_wait3A_1162 : memref<1x40x128xi32, #tpu.memory_space<hbm>> -> memref<40x128xi32, #tpu.memory_space<hbm>>
      tpu.wait_dma2 semaphore(%run_scoped3A : memref<!tpu.dma_semaphore, #tpu.memory_space<semaphore_mem>>) src(%dma_wait3A_1163 : memref<40x128xi32, #tpu.memory_space<hbm>>) dst(%arg8 : memref<40x128xi32, #tpu.memory_space<vmem>>)
      tpu.yield
    }) : () -> ()
    %barrier3A = arith.constant 0 : index
    tpu.barrier barrier_id(%barrier3A)
    %scan3A_1130 = arith.constant 0 : i32
    %scan3A_1131 = arith.constant 0 : i32
    %scan3A_1132 = arith.constant 40 : i32
    %scan3A_1133 = arith.addi %scan3A_1131, %scan3A_1132 : i32
    %scan3A_1134 = arith.constant 1 : i32
    scf.for %scan3A_1148 = %scan3A_1131 to %scan3A_1133 step %scan3A_1134  : i32 {
      %mul3A_1149 = arith.constant 2 : i32
      %mul3A_1150 = arith.muli %mul3A_1149, %scan3A_1148 : i32
      %add3A_1151 = arith.constant 1 : i32
      %add3A_1152 = arith.addi %mul3A_1150, %add3A_1151 : i32
      %gt3A = arith.constant 0 : i32
      %gt3A_1153 = arith.cmpi sgt, %scan3A_1148, %gt3A : i32
      %convert_element_type3A = arith.extui %gt3A_1153 : i1 to i32
      %cond3A = arith.constant 0 : i32
      %cond3A_1154 = arith.cmpi ne, %convert_element_type3A, %cond3A : i32
      scf.if %cond3A_1154 {
        %sub3A = arith.constant 2 : i32
        %sub3A_1242 = arith.subi %add3A_1152, %sub3A : i32
        %jit3A_1243 = arith.constant 40 : i32
        %eq3A_1244 = arith.constant 0 : i32
        %eq3A_1245 = arith.cmpi eq, %jit3A_1243, %eq3A_1244 : i32
        %jit3A_1246 = arith.constant 1 : i32
        %select_n3A_1247 = arith.select %eq3A_1245, %jit3A_1246, %jit3A_1243 : i32
        %rem3A_1248 = arith.remsi %sub3A_1242, %select_n3A_1247 : i32
        %ne3A_1249 = arith.constant 0 : i32
        %ne3A_1250 = arith.cmpi ne, %rem3A_1248, %ne3A_1249 : i32
        %lt3A_1251 = arith.constant 0 : i32
        %lt3A_1252 = arith.cmpi slt, %rem3A_1248, %lt3A_1251 : i32
        %lt3A_1253 = arith.constant 0 : i32
        %lt3A_1254 = arith.cmpi slt, %select_n3A_1247, %lt3A_1253 : i32
        %ne3A_1255 = arith.xori %lt3A_1252, %lt3A_1254 : i1
        %and3A_1256 = arith.andi %ne3A_1255, %ne3A_1250 : i1
        %add3A_1257 = arith.addi %rem3A_1248, %select_n3A_1247 : i32
        %select_n3A_1258 = arith.select %and3A_1256, %add3A_1257, %rem3A_1248 : i32
        %dma_wait3A_1259 = arith.constant 0 : i32
        %dma_wait3A_1260 = tpu.memref_slice %arg8[%select_n3A_1258, %dma_wait3A_1259] : memref<40x128xi32, #tpu.memory_space<vmem>> -> memref<1x128xi32, #tpu.memory_space<vmem>>
        %dma_wait3A_1261 = tpu.memref_squeeze %dma_wait3A_1260 : memref<1x128xi32, #tpu.memory_space<vmem>> -> memref<128xi32, #tpu.memory_space<vmem>>
        %dma_wait3A_1262 = arith.constant 0 : i32
        %dma_wait3A_1263 = arith.constant 0 : i32
        %dma_wait3A_1264 = tpu.memref_slice %arg6[%dma_wait3A_1262, %dma_wait3A_1263] : memref<10240x128xf32, #tpu.memory_space<vmem_shared>> -> memref<10240x128xf32, #tpu.memory_space<vmem_shared>>
        tpu.wait_indirect_dma semaphore(%arg13 : memref<!tpu.dma_semaphore, #tpu.memory_space<semaphore_mem>>) src(%arg9 : memref<128x128xf32, #tpu.memory_space<vmem>>) dst(%dma_wait3A_1264 : memref<10240x128xf32, #tpu.memory_space<vmem_shared>>)
      } else {
      }
      %eq3A = arith.constant 20 : i32
      %eq3A_1155 = arith.cmpi eq, %scan3A_1148, %eq3A : i32
      %convert_element_type3A_1156 = arith.extui %eq3A_1155 : i1 to i32
      %cond3A_1157 = arith.constant 0 : i32
      %cond3A_1158 = arith.cmpi ne, %convert_element_type3A_1156, %cond3A_1157 : i32
      scf.if %cond3A_1158 {
        "tpu.region"() ({
          %run_scoped3A = tpu.sem_alloc : memref<!tpu.dma_semaphore, #tpu.memory_space<semaphore_mem>>
          %dma_start3A_1242 = arith.constant 40 : i32
          %dma_start3A_1243 = arith.constant 0 : i32
          %dma_start3A_1244 = tpu.memref_slice %arg4[%add3A, %dma_start3A_1242, %dma_start3A_1243] : memref<32x80x128xi32, #tpu.memory_space<hbm>> -> memref<1x40x128xi32, #tpu.memory_space<hbm>>
          %dma_start3A_1245 = tpu.memref_squeeze %dma_start3A_1244 : memref<1x40x128xi32, #tpu.memory_space<hbm>> -> memref<40x128xi32, #tpu.memory_space<hbm>>
          %dma_start3A_1246 = arith.constant 40 : i32
          %dma_start3A_1247 = arith.constant 0 : i32
          %dma_start3A_1248 = tpu.memref_slice %arg4[%add3A, %dma_start3A_1246, %dma_start3A_1247] : memref<32x80x128xi32, #tpu.memory_space<hbm>> -> memref<1x40x128xi32, #tpu.memory_space<hbm>>
          %dma_start3A_1249 = tpu.memref_squeeze %dma_start3A_1248 : memref<1x40x128xi32, #tpu.memory_space<hbm>> -> memref<40x128xi32, #tpu.memory_space<hbm>>
          tpu.enqueue_dma source(%dma_start3A_1249 : memref<40x128xi32, #tpu.memory_space<hbm>>) target(%arg8 : memref<40x128xi32, #tpu.memory_space<vmem>>) target_semaphore(%run_scoped3A : memref<!tpu.dma_semaphore, #tpu.memory_space<semaphore_mem>>)
          %dma_wait3A_1250 = arith.constant 40 : i32
          %dma_wait3A_1251 = arith.constant 0 : i32
          %dma_wait3A_1252 = tpu.memref_slice %arg4[%add3A, %dma_wait3A_1250, %dma_wait3A_1251] : memref<32x80x128xi32, #tpu.memory_space<hbm>> -> memref<1x40x128xi32, #tpu.memory_space<hbm>>
          %dma_wait3A_1253 = tpu.memref_squeeze %dma_wait3A_1252 : memref<1x40x128xi32, #tpu.memory_space<hbm>> -> memref<40x128xi32, #tpu.memory_space<hbm>>
          %dma_wait3A_1254 = arith.constant 40 : i32
          %dma_wait3A_1255 = arith.constant 0 : i32
          %dma_wait3A_1256 = tpu.memref_slice %arg4[%add3A, %dma_wait3A_1254, %dma_wait3A_1255] : memref<32x80x128xi32, #tpu.memory_space<hbm>> -> memref<1x40x128xi32, #tpu.memory_space<hbm>>
          %dma_wait3A_1257 = tpu.memref_squeeze %dma_wait3A_1256 : memref<1x40x128xi32, #tpu.memory_space<hbm>> -> memref<40x128xi32, #tpu.memory_space<hbm>>
          tpu.wait_dma2 semaphore(%run_scoped3A : memref<!tpu.dma_semaphore, #tpu.memory_space<semaphore_mem>>) src(%dma_wait3A_1257 : memref<40x128xi32, #tpu.memory_space<hbm>>) dst(%arg8 : memref<40x128xi32, #tpu.memory_space<vmem>>)
          tpu.yield
        }) : () -> ()
      } else {
      }
      %mul3A_1159 = arith.constant 128 : i32
      %mul3A_1160 = arith.muli %add3A_1152, %mul3A_1159 : i32
      %dma_start3A_1161 = tpu.memref_slice %arg7[%mul3A_1160] : memref<10240xi32, #tpu.memory_space<vmem>> -> memref<128xi32, #tpu.memory_space<vmem>>
      %dma_start3A_1162 = arith.constant 0 : i32
      %dma_start3A_1163 = arith.constant 0 : i32
      %dma_start3A_1164 = tpu.memref_slice %arg2[%dma_start3A_1162, %dma_start3A_1163] : memref<10000x128xf32, #tpu.memory_space<hbm>> -> memref<10000x128xf32, #tpu.memory_space<hbm>>
      tpu.enqueue_indirect_dma source(%dma_start3A_1164 : memref<10000x128xf32, #tpu.memory_space<hbm>>) target(%arg9 : memref<128x128xf32, #tpu.memory_space<vmem>>) offsets(%dma_start3A_1161 : memref<128xi32, #tpu.memory_space<vmem>>) semaphore(%arg11 : memref<!tpu.dma_semaphore, #tpu.memory_space<semaphore_mem>>)
      %mul3A_1165 = arith.constant 128 : i32
      %mul3A_1166 = arith.muli %mul3A_1150, %mul3A_1165 : i32
      %dma_wait3A_1167 = tpu.memref_slice %arg7[%mul3A_1166] : memref<10240xi32, #tpu.memory_space<vmem>> -> memref<128xi32, #tpu.memory_space<vmem>>
      %dma_wait3A_1168 = arith.constant 0 : i32
      %dma_wait3A_1169 = arith.constant 0 : i32
      %dma_wait3A_1170 = tpu.memref_slice %arg2[%dma_wait3A_1168, %dma_wait3A_1169] : memref<10000x128xf32, #tpu.memory_space<hbm>> -> memref<10000x128xf32, #tpu.memory_space<hbm>>
      tpu.wait_indirect_dma semaphore(%arg12 : memref<!tpu.dma_semaphore, #tpu.memory_space<semaphore_mem>>) src(%dma_wait3A_1170 : memref<10000x128xf32, #tpu.memory_space<hbm>>) dst(%arg10 : memref<128x128xf32, #tpu.memory_space<vmem>>)
      %jit3A = arith.constant 40 : i32
      %eq3A_1171 = arith.constant 0 : i32
      %eq3A_1172 = arith.cmpi eq, %jit3A, %eq3A_1171 : i32
      %jit3A_1173 = arith.constant 1 : i32
      %select_n3A = arith.select %eq3A_1172, %jit3A_1173, %jit3A : i32
      %rem3A = arith.remsi %mul3A_1150, %select_n3A : i32
      %ne3A = arith.constant 0 : i32
      %ne3A_1174 = arith.cmpi ne, %rem3A, %ne3A : i32
      %lt3A = arith.constant 0 : i32
      %lt3A_1175 = arith.cmpi slt, %rem3A, %lt3A : i32
      %lt3A_1176 = arith.constant 0 : i32
      %lt3A_1177 = arith.cmpi slt, %select_n3A, %lt3A_1176 : i32
      %ne3A_1178 = arith.xori %lt3A_1175, %lt3A_1177 : i1
      %and3A = arith.andi %ne3A_1178, %ne3A_1174 : i1
      %add3A_1179 = arith.addi %rem3A, %select_n3A : i32
      %select_n3A_1180 = arith.select %and3A, %add3A_1179, %rem3A : i32
      %dma_start3A_1181 = arith.constant 0 : i32
      %dma_start3A_1182 = tpu.memref_slice %arg8[%select_n3A_1180, %dma_start3A_1181] : memref<40x128xi32, #tpu.memory_space<vmem>> -> memref<1x128xi32, #tpu.memory_space<vmem>>
      %dma_start3A_1183 = tpu.memref_squeeze %dma_start3A_1182 : memref<1x128xi32, #tpu.memory_space<vmem>> -> memref<128xi32, #tpu.memory_space<vmem>>
      %dma_start3A_1184 = arith.constant 0 : i32
      %dma_start3A_1185 = arith.constant 0 : i32
      %dma_start3A_1186 = tpu.memref_slice %arg6[%dma_start3A_1184, %dma_start3A_1185] : memref<10240x128xf32, #tpu.memory_space<vmem_shared>> -> memref<10240x128xf32, #tpu.memory_space<vmem_shared>>
      tpu.enqueue_indirect_dma source(%arg10 : memref<128x128xf32, #tpu.memory_space<vmem>>) target(%dma_start3A_1186 : memref<10240x128xf32, #tpu.memory_space<vmem_shared>>) offsets(%dma_start3A_1183 : memref<128xi32, #tpu.memory_space<vmem>>) semaphore(%arg14 : memref<!tpu.dma_semaphore, #tpu.memory_space<semaphore_mem>>) {add = true}
      %mul3A_1187 = arith.constant 128 : i32
      %mul3A_1188 = arith.muli %add3A_1152, %mul3A_1187 : i32
      %dma_wait3A_1189 = tpu.memref_slice %arg7[%mul3A_1188] : memref<10240xi32, #tpu.memory_space<vmem>> -> memref<128xi32, #tpu.memory_space<vmem>>
      %dma_wait3A_1190 = arith.constant 0 : i32
      %dma_wait3A_1191 = arith.constant 0 : i32
      %dma_wait3A_1192 = tpu.memref_slice %arg2[%dma_wait3A_1190, %dma_wait3A_1191] : memref<10000x128xf32, #tpu.memory_space<hbm>> -> memref<10000x128xf32, #tpu.memory_space<hbm>>
      tpu.wait_indirect_dma semaphore(%arg11 : memref<!tpu.dma_semaphore, #tpu.memory_space<semaphore_mem>>) src(%dma_wait3A_1192 : memref<10000x128xf32, #tpu.memory_space<hbm>>) dst(%arg9 : memref<128x128xf32, #tpu.memory_space<vmem>>)
      %jit3A_1193 = arith.constant 40 : i32
      %eq3A_1194 = arith.constant 0 : i32
      %eq3A_1195 = arith.cmpi eq, %jit3A_1193, %eq3A_1194 : i32
      %jit3A_1196 = arith.constant 1 : i32
      %select_n3A_1197 = arith.select %eq3A_1195, %jit3A_1196, %jit3A_1193 : i32
      %rem3A_1198 = arith.remsi %mul3A_1150, %select_n3A_1197 : i32
      %ne3A_1199 = arith.constant 0 : i32
      %ne3A_1200 = arith.cmpi ne, %rem3A_1198, %ne3A_1199 : i32
      %lt3A_1201 = arith.constant 0 : i32
      %lt3A_1202 = arith.cmpi slt, %rem3A_1198, %lt3A_1201 : i32
      %lt3A_1203 = arith.constant 0 : i32
      %lt3A_1204 = arith.cmpi slt, %select_n3A_1197, %lt3A_1203 : i32
      %ne3A_1205 = arith.xori %lt3A_1202, %lt3A_1204 : i1
      %and3A_1206 = arith.andi %ne3A_1205, %ne3A_1200 : i1
      %add3A_1207 = arith.addi %rem3A_1198, %select_n3A_1197 : i32
      %select_n3A_1208 = arith.select %and3A_1206, %add3A_1207, %rem3A_1198 : i32
      %dma_wait3A_1209 = arith.constant 0 : i32
      %dma_wait3A_1210 = tpu.memref_slice %arg8[%select_n3A_1208, %dma_wait3A_1209] : memref<40x128xi32, #tpu.memory_space<vmem>> -> memref<1x128xi32, #tpu.memory_space<vmem>>
      %dma_wait3A_1211 = tpu.memref_squeeze %dma_wait3A_1210 : memref<1x128xi32, #tpu.memory_space<vmem>> -> memref<128xi32, #tpu.memory_space<vmem>>
      %dma_wait3A_1212 = arith.constant 0 : i32
      %dma_wait3A_1213 = arith.constant 0 : i32
      %dma_wait3A_1214 = tpu.memref_slice %arg6[%dma_wait3A_1212, %dma_wait3A_1213] : memref<10240x128xf32, #tpu.memory_space<vmem_shared>> -> memref<10240x128xf32, #tpu.memory_space<vmem_shared>>
      tpu.wait_indirect_dma semaphore(%arg14 : memref<!tpu.dma_semaphore, #tpu.memory_space<semaphore_mem>>) src(%arg10 : memref<128x128xf32, #tpu.memory_space<vmem>>) dst(%dma_wait3A_1214 : memref<10240x128xf32, #tpu.memory_space<vmem_shared>>)
      %jit3A_1215 = arith.constant 40 : i32
      %eq3A_1216 = arith.constant 0 : i32
      %eq3A_1217 = arith.cmpi eq, %jit3A_1215, %eq3A_1216 : i32
      %jit3A_1218 = arith.constant 1 : i32
      %select_n3A_1219 = arith.select %eq3A_1217, %jit3A_1218, %jit3A_1215 : i32
      %rem3A_1220 = arith.remsi %add3A_1152, %select_n3A_1219 : i32
      %ne3A_1221 = arith.constant 0 : i32
      %ne3A_1222 = arith.cmpi ne, %rem3A_1220, %ne3A_1221 : i32
      %lt3A_1223 = arith.constant 0 : i32
      %lt3A_1224 = arith.cmpi slt, %rem3A_1220, %lt3A_1223 : i32
      %lt3A_1225 = arith.constant 0 : i32
      %lt3A_1226 = arith.cmpi slt, %select_n3A_1219, %lt3A_1225 : i32
      %ne3A_1227 = arith.xori %lt3A_1224, %lt3A_1226 : i1
      %and3A_1228 = arith.andi %ne3A_1227, %ne3A_1222 : i1
      %add3A_1229 = arith.addi %rem3A_1220, %select_n3A_1219 : i32
      %select_n3A_1230 = arith.select %and3A_1228, %add3A_1229, %rem3A_1220 : i32
      %dma_start3A_1231 = arith.constant 0 : i32
      %dma_start3A_1232 = tpu.memref_slice %arg8[%select_n3A_1230, %dma_start3A_1231] : memref<40x128xi32, #tpu.memory_space<vmem>> -> memref<1x128xi32, #tpu.memory_space<vmem>>
      %dma_start3A_1233 = tpu.memref_squeeze %dma_start3A_1232 : memref<1x128xi32, #tpu.memory_space<vmem>> -> memref<128xi32, #tpu.memory_space<vmem>>
      %dma_start3A_1234 = arith.constant 0 : i32
      %dma_start3A_1235 = arith.constant 0 : i32
      %dma_start3A_1236 = tpu.memref_slice %arg6[%dma_start3A_1234, %dma_start3A_1235] : memref<10240x128xf32, #tpu.memory_space<vmem_shared>> -> memref<10240x128xf32, #tpu.memory_space<vmem_shared>>
      tpu.enqueue_indirect_dma source(%arg9 : memref<128x128xf32, #tpu.memory_space<vmem>>) target(%dma_start3A_1236 : memref<10240x128xf32, #tpu.memory_space<vmem_shared>>) offsets(%dma_start3A_1233 : memref<128xi32, #tpu.memory_space<vmem>>) semaphore(%arg13 : memref<!tpu.dma_semaphore, #tpu.memory_space<semaphore_mem>>) {add = true}
      %lt3A_1237 = arith.constant 39 : i32
      %lt3A_1238 = arith.cmpi slt, %scan3A_1148, %lt3A_1237 : i32
      %convert_element_type3A_1239 = arith.extui %lt3A_1238 : i1 to i32
      %cond3A_1240 = arith.constant 0 : i32
      %cond3A_1241 = arith.cmpi ne, %convert_element_type3A_1239, %cond3A_1240 : i32
      scf.if %cond3A_1241 {
        %add3A_1242 = arith.constant 2 : i32
        %add3A_1243 = arith.addi %mul3A_1150, %add3A_1242 : i32
        %mul3A_1244 = arith.constant 128 : i32
        %mul3A_1245 = arith.muli %add3A_1243, %mul3A_1244 : i32
        %dma_start3A_1246 = tpu.memref_slice %arg7[%mul3A_1245] : memref<10240xi32, #tpu.memory_space<vmem>> -> memref<128xi32, #tpu.memory_space<vmem>>
        %dma_start3A_1247 = arith.constant 0 : i32
        %dma_start3A_1248 = arith.constant 0 : i32
        %dma_start3A_1249 = tpu.memref_slice %arg2[%dma_start3A_1247, %dma_start3A_1248] : memref<10000x128xf32, #tpu.memory_space<hbm>> -> memref<10000x128xf32, #tpu.memory_space<hbm>>
        tpu.enqueue_indirect_dma source(%dma_start3A_1249 : memref<10000x128xf32, #tpu.memory_space<hbm>>) target(%arg10 : memref<128x128xf32, #tpu.memory_space<vmem>>) offsets(%dma_start3A_1246 : memref<128xi32, #tpu.memory_space<vmem>>) semaphore(%arg12 : memref<!tpu.dma_semaphore, #tpu.memory_space<semaphore_mem>>)
      } else {
      }
    }
    %scan3A_1135 = arith.constant 40 : i32
    %dma_wait3A_1136 = arith.constant 39 : i32
    %dma_wait3A_1137 = arith.constant 0 : i32
    %dma_wait3A_1138 = tpu.memref_slice %arg8[%dma_wait3A_1136, %dma_wait3A_1137] : memref<40x128xi32, #tpu.memory_space<vmem>> -> memref<1x128xi32, #tpu.memory_space<vmem>>
    %dma_wait3A_1139 = tpu.memref_squeeze %dma_wait3A_1138 : memref<1x128xi32, #tpu.memory_space<vmem>> -> memref<128xi32, #tpu.memory_space<vmem>>
    %dma_wait3A_1140 = arith.constant 0 : i32
    %dma_wait3A_1141 = arith.constant 0 : i32
    %dma_wait3A_1142 = tpu.memref_slice %arg6[%dma_wait3A_1140, %dma_wait3A_1141] : memref<10240x128xf32, #tpu.memory_space<vmem_shared>> -> memref<10240x128xf32, #tpu.memory_space<vmem_shared>>
    tpu.wait_indirect_dma semaphore(%arg13 : memref<!tpu.dma_semaphore, #tpu.memory_space<semaphore_mem>>) src(%arg9 : memref<128x128xf32, #tpu.memory_space<vmem>>) dst(%dma_wait3A_1142 : memref<10240x128xf32, #tpu.memory_space<vmem_shared>>)
    %barrier3A_1143 = arith.constant 0 : index
    tpu.barrier barrier_id(%barrier3A_1143)
    %mul3A_1144 = arith.constant 640 : i32
    %mul3A_1145 = arith.muli %arg1, %mul3A_1144 : i32
    %mul3A_1146 = arith.constant 640 : i32
    %mul3A_1147 = arith.muli %arg1, %mul3A_1146 : i32
    "tpu.region"() ({
      %run_scoped3A = tpu.sem_alloc : memref<!tpu.dma_semaphore, #tpu.memory_space<semaphore_mem>>
      %dma_start3A_1148 = arith.constant 0 : i32
      %dma_start3A_1149 = tpu.memref_slice %arg5[%arg0, %mul3A_1147, %dma_start3A_1148] : memref<2x10240x128xf32, #tpu.memory_space<hbm>> -> memref<1x640x128xf32, #tpu.memory_space<hbm>>
      %dma_start3A_1150 = tpu.memref_squeeze %dma_start3A_1149 : memref<1x640x128xf32, #tpu.memory_space<hbm>> -> memref<640x128xf32, #tpu.memory_space<hbm>>
      %dma_start3A_1151 = arith.constant 0 : i32
      %dma_start3A_1152 = tpu.memref_slice %arg6[%mul3A_1145, %dma_start3A_1151] : memref<10240x128xf32, #tpu.memory_space<vmem_shared>> -> memref<640x128xf32, #tpu.memory_space<vmem_shared>>
      tpu.enqueue_dma source(%dma_start3A_1152 : memref<640x128xf32, #tpu.memory_space<vmem_shared>>) target(%dma_start3A_1150 : memref<640x128xf32, #tpu.memory_space<hbm>>) target_semaphore(%run_scoped3A : memref<!tpu.dma_semaphore, #tpu.memory_space<semaphore_mem>>)
      %dma_wait3A_1153 = arith.constant 0 : i32
      %dma_wait3A_1154 = tpu.memref_slice %arg5[%arg0, %mul3A_1147, %dma_wait3A_1153] : memref<2x10240x128xf32, #tpu.memory_space<hbm>> -> memref<1x640x128xf32, #tpu.memory_space<hbm>>
      %dma_wait3A_1155 = tpu.memref_squeeze %dma_wait3A_1154 : memref<1x640x128xf32, #tpu.memory_space<hbm>> -> memref<640x128xf32, #tpu.memory_space<hbm>>
      %dma_wait3A_1156 = arith.constant 0 : i32
      %dma_wait3A_1157 = tpu.memref_slice %arg6[%mul3A_1145, %dma_wait3A_1156] : memref<10240x128xf32, #tpu.memory_space<vmem_shared>> -> memref<640x128xf32, #tpu.memory_space<vmem_shared>>
      tpu.wait_dma2 semaphore(%run_scoped3A : memref<!tpu.dma_semaphore, #tpu.memory_space<semaphore_mem>>) src(%dma_wait3A_1157 : memref<640x128xf32, #tpu.memory_space<vmem_shared>>) dst(%dma_wait3A_1155 : memref<640x128xf32, #tpu.memory_space<hbm>>)
      tpu.yield
    }) : () -> ()
    return
  }
}

module attributes {stable_mosaic.version = 14 : i64} {
  func.func @_pre_body(%arg0: memref<10000x128xf32, #tpu.memory_space<vmem>>, %arg1: memref<128x128xf32, #tpu.memory_space<vmem>>, %arg2: memref<20480x1xf32, #tpu.memory_space<vmem>>, %arg3: memref<10000x128xf32, #tpu.memory_space<vmem>>, %arg4: memref<10000x1xf32, #tpu.memory_space<vmem>>) attributes {dimension_semantics = [], scalar_prefetch = 0 : i64, scratch_operands = 0 : i64, tpu.core_type = #tpu.core_type<tc>} {
    %get3A = arith.constant 0 : index
    %get3A_0 = arith.constant 0 : index
    %get3A_1 = vector.load %arg2[%get3A, %get3A_0] : memref<20480x1xf32, #tpu.memory_space<vmem>>, vector<10000x1xf32>
    %get3A_2 = arith.constant 10240 : index
    %get3A_3 = arith.constant 0 : index
    %get3A_4 = vector.load %arg2[%get3A_2, %get3A_3] : memref<20480x1xf32, #tpu.memory_space<vmem>>, vector<10000x1xf32>
    %add3A = arith.addf %get3A_1, %get3A_4 : vector<10000x1xf32>
    %add3A_5 = arith.constant 1.000000e+00 : f32
    %add3A_6 = vector.broadcast %add3A_5 : f32 to vector<10000x1xf32>
    %add3A_7 = arith.addf %add3A, %add3A_6 : vector<10000x1xf32>
    %rsqrt3A = math.rsqrt %add3A_7 : vector<10000x1xf32>
    %get3A_8 = arith.constant 0 : index
    %get3A_9 = arith.constant 0 : index
    %get3A_10 = vector.load %arg0[%get3A_8, %get3A_9] : memref<10000x128xf32, #tpu.memory_space<vmem>>, vector<10000x128xf32>
    %get3A_11 = arith.constant 0 : index
    %get3A_12 = arith.constant 0 : index
    %get3A_13 = vector.load %arg1[%get3A_11, %get3A_12] : memref<128x128xf32, #tpu.memory_space<vmem>>, vector<128x128xf32>
    %dot_general3A = arith.constant dense<0.000000e+00> : vector<10000x128xf32>
    %dot_general3A_14 = tpu.matmul %get3A_10, %get3A_13, %dot_general3A {dimension_numbers = #tpu.dot_dimension_numbers<[1], [0], [0], [1], [0, 0, 1, 1], [], []>, transpose_lhs_hint = false} : vector<10000x128xf32>, vector<128x128xf32>, vector<10000x128xf32> -> vector<10000x128xf32>
    %mul3A = vector.broadcast %rsqrt3A : vector<10000x1xf32> to vector<10000x128xf32>
    %mul3A_15 = arith.mulf %dot_general3A_14, %mul3A : vector<10000x128xf32>
    %swap3A = arith.constant 0 : index
    %swap3A_16 = arith.constant 0 : index
    %swap3A_17 = vector.load %arg3[%swap3A, %swap3A_16] : memref<10000x128xf32, #tpu.memory_space<vmem>>, vector<10000x128xf32>
    tpu.vector_store %arg3[%swap3A, %swap3A_16], %mul3A_15 {strides = array<i32>} : memref<10000x128xf32, #tpu.memory_space<vmem>>, vector<10000x128xf32>,
    %swap3A_18 = arith.constant 0 : index
    %swap3A_19 = arith.constant 0 : index
    %swap3A_20 = vector.load %arg4[%swap3A_18, %swap3A_19] : memref<10000x1xf32, #tpu.memory_space<vmem>>, vector<10000x1xf32>
    tpu.vector_store %arg4[%swap3A_18, %swap3A_19], %rsqrt3A {strides = array<i32>} : memref<10000x1xf32, #tpu.memory_space<vmem>>, vector<10000x1xf32>,
    return
  }
}

module attributes {stable_mosaic.version = 14 : i64} {
  func.func @_head_body(%arg0: memref<20480x128xf32, #tpu.memory_space<vmem>>, %arg1: memref<10000x128xf32, #tpu.memory_space<vmem>>, %arg2: memref<10000x1xf32, #tpu.memory_space<vmem>>, %arg3: memref<10000x128xf32, #tpu.memory_space<vmem>>, %arg4: memref<1x128xf32, #tpu.memory_space<vmem>>, %arg5: memref<128x64xf32, #tpu.memory_space<vmem>>, %arg6: memref<1x64xf32, #tpu.memory_space<vmem>>, %arg7: memref<64x64xf32, #tpu.memory_space<vmem>>, %arg8: memref<1x64xf32, #tpu.memory_space<vmem>>, %arg9: memref<64x1xf32, #tpu.memory_space<vmem>>, %arg10: memref<1x1xf32, #tpu.memory_space<vmem>>, %arg11: memref<625x1xf32, #tpu.memory_space<vmem>>) attributes {dimension_semantics = [], scalar_prefetch = 0 : i64, scratch_operands = 0 : i64, tpu.core_type = #tpu.core_type<tc>} {
    %get3A = arith.constant 0 : index
    %get3A_0 = arith.constant 0 : index
    %get3A_1 = vector.load %arg0[%get3A, %get3A_0] : memref<20480x128xf32, #tpu.memory_space<vmem>>, vector<10000x128xf32>
    %get3A_2 = arith.constant 10240 : index
    %get3A_3 = arith.constant 0 : index
    %get3A_4 = vector.load %arg0[%get3A_2, %get3A_3] : memref<20480x128xf32, #tpu.memory_space<vmem>>, vector<10000x128xf32>
    %add3A = arith.addf %get3A_1, %get3A_4 : vector<10000x128xf32>
    %get3A_5 = arith.constant 0 : index
    %get3A_6 = arith.constant 0 : index
    %get3A_7 = vector.load %arg1[%get3A_5, %get3A_6] : memref<10000x128xf32, #tpu.memory_space<vmem>>, vector<10000x128xf32>
    %add3A_8 = arith.addf %add3A, %get3A_7 : vector<10000x128xf32>
    %get3A_9 = arith.constant 0 : index
    %get3A_10 = arith.constant 0 : index
    %get3A_11 = vector.load %arg2[%get3A_9, %get3A_10] : memref<10000x1xf32, #tpu.memory_space<vmem>>, vector<10000x1xf32>
    %mul3A = vector.broadcast %get3A_11 : vector<10000x1xf32> to vector<10000x128xf32>
    %mul3A_12 = arith.mulf %mul3A, %add3A_8 : vector<10000x128xf32>
    %get3A_13 = arith.constant 0 : index
    %get3A_14 = arith.constant 0 : index
    %get3A_15 = vector.load %arg4[%get3A_13, %get3A_14] : memref<1x128xf32, #tpu.memory_space<vmem>>, vector<1x128xf32>
    %add3A_16 = vector.broadcast %get3A_15 : vector<1x128xf32> to vector<10000x128xf32>
    %add3A_17 = arith.addf %mul3A_12, %add3A_16 : vector<10000x128xf32>
    %max3A = arith.constant 0.000000e+00 : f32
    %max3A_18 = vector.broadcast %max3A : f32 to vector<10000x128xf32>
    %max3A_19 = arith.maximumf %add3A_17, %max3A_18 : vector<10000x128xf32>
    %get3A_20 = arith.constant 0 : index
    %get3A_21 = arith.constant 0 : index
    %get3A_22 = vector.load %arg3[%get3A_20, %get3A_21] : memref<10000x128xf32, #tpu.memory_space<vmem>>, vector<10000x128xf32>
    %add3A_23 = arith.addf %max3A_19, %get3A_22 : vector<10000x128xf32>
    %reshape3A = vector.shape_cast %add3A_23 : vector<10000x128xf32> to vector<625x16x128xf32>
    %reduce_sum3A = arith.constant dense<0.000000e+00> : vector<625x128xf32>
    %reduce_sum3A_24 = vector.multi_reduction <add>, %reshape3A, %reduce_sum3A [1] : vector<625x16x128xf32> to vector<625x128xf32>
    %get3A_25 = arith.constant 0 : index
    %get3A_26 = arith.constant 0 : index
    %get3A_27 = vector.load %arg5[%get3A_25, %get3A_26] : memref<128x64xf32, #tpu.memory_space<vmem>>, vector<128x64xf32>
    %dot_general3A = arith.constant dense<0.000000e+00> : vector<625x64xf32>
    %dot_general3A_28 = tpu.matmul %reduce_sum3A_24, %get3A_27, %dot_general3A {dimension_numbers = #tpu.dot_dimension_numbers<[1], [0], [0], [1], [0, 0, 1, 1], [], []>, transpose_lhs_hint = false} : vector<625x128xf32>, vector<128x64xf32>, vector<625x64xf32> -> vector<625x64xf32>
    %get3A_29 = arith.constant 0 : index
    %get3A_30 = arith.constant 0 : index
    %get3A_31 = vector.load %arg6[%get3A_29, %get3A_30] : memref<1x64xf32, #tpu.memory_space<vmem>>, vector<1x64xf32>
    %add3A_32 = vector.broadcast %get3A_31 : vector<1x64xf32> to vector<625x64xf32>
    %add3A_33 = arith.addf %dot_general3A_28, %add3A_32 : vector<625x64xf32>
    %max3A_34 = arith.constant 0.000000e+00 : f32
    %max3A_35 = vector.broadcast %max3A_34 : f32 to vector<625x64xf32>
    %max3A_36 = arith.maximumf %add3A_33, %max3A_35 : vector<625x64xf32>
    %get3A_37 = arith.constant 0 : index
    %get3A_38 = arith.constant 0 : index
    %get3A_39 = vector.load %arg7[%get3A_37, %get3A_38] : memref<64x64xf32, #tpu.memory_space<vmem>>, vector<64x64xf32>
    %dot_general3A_40 = arith.constant dense<0.000000e+00> : vector<625x64xf32>
    %dot_general3A_41 = tpu.matmul %max3A_36, %get3A_39, %dot_general3A_40 {dimension_numbers = #tpu.dot_dimension_numbers<[1], [0], [0], [1], [0, 0, 1, 1], [], []>, transpose_lhs_hint = false} : vector<625x64xf32>, vector<64x64xf32>, vector<625x64xf32> -> vector<625x64xf32>
    %get3A_42 = arith.constant 0 : index
    %get3A_43 = arith.constant 0 : index
    %get3A_44 = vector.load %arg8[%get3A_42, %get3A_43] : memref<1x64xf32, #tpu.memory_space<vmem>>, vector<1x64xf32>
    %add3A_45 = vector.broadcast %get3A_44 : vector<1x64xf32> to vector<625x64xf32>
    %add3A_46 = arith.addf %dot_general3A_41, %add3A_45 : vector<625x64xf32>
    %max3A_47 = arith.constant 0.000000e+00 : f32
    %max3A_48 = vector.broadcast %max3A_47 : f32 to vector<625x64xf32>
    %max3A_49 = arith.maximumf %add3A_46, %max3A_48 : vector<625x64xf32>
    %get3A_50 = arith.constant 0 : index
    %get3A_51 = arith.constant 0 : index
    %get3A_52 = vector.load %arg9[%get3A_50, %get3A_51] : memref<64x1xf32, #tpu.memory_space<vmem>>, vector<64x1xf32>
    %dot_general3A_53 = arith.constant dense<0.000000e+00> : vector<625x1xf32>
    %dot_general3A_54 = tpu.matmul %max3A_49, %get3A_52, %dot_general3A_53 {dimension_numbers = #tpu.dot_dimension_numbers<[1], [0], [0], [1], [0, 0, 1, 1], [], []>, transpose_lhs_hint = false} : vector<625x64xf32>, vector<64x1xf32>, vector<625x1xf32> -> vector<625x1xf32>
    %get3A_55 = arith.constant 0 : index
    %get3A_56 = arith.constant 0 : index
    %get3A_57 = vector.load %arg10[%get3A_55, %get3A_56] : memref<1x1xf32, #tpu.memory_space<vmem>>, vector<1x1xf32>
    %add3A_58 = vector.broadcast %get3A_57 : vector<1x1xf32> to vector<625x1xf32>
    %add3A_59 = arith.addf %dot_general3A_54, %add3A_58 : vector<625x1xf32>
    %swap3A = arith.constant 0 : index
    %swap3A_60 = arith.constant 0 : index
    %swap3A_61 = vector.load %arg11[%swap3A, %swap3A_60] : memref<625x1xf32, #tpu.memory_space<vmem>>, vector<625x1xf32>
    tpu.vector_store %arg11[%swap3A, %swap3A_60], %add3A_59 {strides = array<i32>} : memref<625x1xf32, #tpu.memory_space<vmem>>, vector<625x1xf32>,
    return
  }
}

</mosaic_0001>

<sc_bundles>
// kernel: kernel.6.cloned.1.call-start
scs
__scs_entry_jumppad:
0x0: {  	(pc) =	sbr.rel $0x88, $3  }
0x1: {  	(tag) =	ssettag $0x0;
	lr =	simm.s32 $0x1  }
0x2: {  	[smem:$0x3F97] =	sst lr;
	_ =	strace $0xD0000000  }
0x3: {  	_ = 	snop  }
0x4: {  	_ = 	snop  }
0x5: {  	_ = 	snop  }
0x6: {  	_ = 	snop  }
0x7: {  	_ = 	snop  }
__scs_overlays_trampoline_lowered:
0x8: {  	[smem:$0x3FA6] =	sst s0  }
0x9: {  	[smem:$0x3FA7] =	sst s1  }
0xa: {  	[smem:$0x3FA8] =	sst s2  }
0xb: {  	[smem:$0x3FA9] =	sst s3  }
0xc: {  	[smem:$0x3FAA] =	sst s4  }
0xd: {  	[smem:$0x3FAB] =	sst s5  }
0xe: {  	[smem:$0x3FAC] =	sst s6  }
0xf: {  	[smem:$0x3FAD] =	sst s7  }
0x10: {  	[smem:$0x3FAE] =	sst s8  }
0x11: {  	[smem:$0x3FAF] =	sst s9;
	s0 =	simm.s32 @!p0 $0x0  }
0x12: {  	s1 =	sld [smem:$0x3F95];
	s0 =	simm.s32 @p0 $0x1  }
0x13: {  	[smem:$0x3FB0] =	sst s0;
	s0 =	simm.s32 @!p1 $0x0  }
0x14: {  	s2 =	sld [smem:$0x3F94];
	s0 =	simm.s32 @p1 $0x1  }
0x15: {  	[smem:$0x3FB1] =	sst s0;
	s0 =	simm.s32 @!p2 $0x0  }
0x16: {  	s3 =	sld [smem:$0x3FDB];
	s0 =	simm.s32 @p2 $0x1  }
0x17: {  	s4 =	simm.s32 $0x1BF5;
	[smem:$0x3FB3] =	sst s0  }
0x18: {  	s0 =	sld [smem:$0x3F96];
	_ =	swait.ge [sflag:s4], $0x0  }
0x19: {  	s7 =	sld [smem:$0x3F97]  }
0x1a: {  	s8 =	sadd.s32 $0xFFFFE003, lr  }
0x1b: {  	s9 =	sadd.s32 $0xFFFFFEF7, lr;
	s5 =	simm.s32 $0xFFFFFFFF;
	p2 =	slt.u32 s8, $0xFFFFF086  }
0x1c: {  	p1 =	slt.u32 s9, $0xF7A;
	s5 =	simm.s32 @!p2 $0x0  }
0x1d: {  	s5 =	simm.s32 @p1 $0x1;
	p0 =	seq.s32 s7, s2  }
0x1e: {  	s7 =	smul.u32 @!p0 $0xF7A, s2;
	p2 =	seq.s32 @!p0 s5, $0x0  }
0x1f: {  	s9 =	smul.u32 $0xF7A, s1;
	s8 =	simm.s32 @!p0 $0x1BF5;
	p2 =	por !p2, p0  }
0x20: {  	[sflag:s8] =	ssyncset.s32 @!p0 $0xFFFFF086;
	s6 =	sadd.s32 @!p0 s3, s7;
	s7 =	simm.s32 @!p0 $0x108  }
0x21: {  	s3 =	sadd.s32 s3, s9;
	s6 =	sadd.s32 @!p0 $0x88, s6;
	s7 =	simm.s32 @p2 $0x1082  }
0x22: {  	[simem:s7], [sflag:s8] =	dma.local @!p0 [hbm:s6], $0xF7A  }
0x23: {  	s9 =	sor.u32 $0xD0000000, s2;
	s6 =	simm.s32 $0x108;
	_ =	swait.ge @!p0 [sflag:s8], $0x0  }
0x24: {  	s3 =	sadd.s32 $0x88, s3;
	s6 =	simm.s32 @!p1 $0x1082;
	[sflag:s4] =	ssyncset.s32 $0xFFFFF086  }
0x25: {  	[simem:s6], [sflag:s4] =	dma.local [hbm:s3], $0xF7A  }
0x26: {  	[smem:$0x3F97] =	sst s1;
	(tag) =	ssettag s2;
	_ =	strace s9  }
0x27: {  	s1 =	sld [smem:$0x3FA7]  }
0x28: {  	s2 =	sld [smem:$0x3FA8]  }
0x29: {  	s4 =	sld [smem:$0x3FAA]  }
0x2a: {  	p0 =	seq.s32 s5, $0x0;
	s5 =	sld [smem:$0x3FAB]  }
0x2b: {  	s6 =	sld [smem:$0x3FAC]  }
0x2c: {  	s7 =	sld [smem:$0x3FAD]  }
0x2d: {  	s3 =	simm.s32 $0x108;
	s8 =	sld [smem:$0x3FAE]  }
0x2e: {  	s3 =	simm.s32 @!p0 $0x1082;
	s9 =	sld [smem:$0x3FAF]  }
0x2f: {  	lr =	sadd.s32 s0, s3;
	s0 =	sld [smem:$0x3FA6]  }
0x30: {  	s3 =	sld [smem:$0x3FA9]  }
0x31: {  	[smem:$0x3FB2] =	sst s10  }
0x32: {  	s10 =	sld [smem:$0x3FB0];
	_ =	sdelay $0x3  }
0x33: {  	p0 =	seq.s32 s10, $0x1;
	s10 =	sld [smem:$0x3FB2];
	_ =	sdelay $0x3  }
0x34: {  	[smem:$0x3FB2] =	sst s10  }
0x35: {  	s10 =	sld [smem:$0x3FB1];
	_ =	sdelay $0x3  }
0x36: {  	p1 =	seq.s32 s10, $0x1;
	s10 =	sld [smem:$0x3FB2];
	_ =	sdelay $0x3  }
0x37: {  	[smem:$0x3FB2] =	sst s10  }
0x38: {  	s10 =	sld [smem:$0x3FB3]  }
0x39: {  	_ = 	snop;
	(pc) =	sbr.ind lr, $3  }
0x3a: {  	_ = 	snop  }
0x3b: {  	_ = 	snop  }
0x3c: {  	p2 =	seq.s32 s10, $0x1;
	s10 =	sld [smem:$0x3FB2]  }
0x3d: {  	_ =	shalt  }
0x3e: {  	_ =	shalt  }
0x3f: {  	_ =	shalt  }
0x40: {  	_ =	shalt  }
0x41: {  	_ =	shalt  }
0x42: {  	_ =	shalt  }
0x43: {  	_ =	shalt  }
0x44: {  	_ =	shalt  }
0x45: {  	_ =	shalt  }
0x46: {  	_ =	shalt  }
0x47: {  	_ =	shalt  }
0x48: {  	_ =	shalt  }
0x49: {  	_ =	shalt  }
0x4a: {  	_ =	shalt  }
0x4b: {  	_ =	shalt  }
0x4c: {  	_ =	shalt  }
0x4d: {  	_ =	shalt  }
0x4e: {  	_ =	shalt  }
0x4f: {  	_ =	shalt  }
0x50: {  	_ =	shalt  }
0x51: {  	_ =	shalt  }
0x52: {  	_ =	shalt  }
0x53: {  	_ =	shalt  }
0x54: {  	_ =	shalt  }
0x55: {  	_ =	shalt  }
0x56: {  	_ =	shalt  }
0x57: {  	_ =	shalt  }
0x58: {  	_ =	shalt  }
0x59: {  	_ =	shalt  }
0x5a: {  	_ =	shalt  }
0x5b: {  	_ =	shalt  }
0x5c: {  	_ =	shalt  }
0x5d: {  	_ =	shalt  }
0x5e: {  	_ =	shalt  }
0x5f: {  	_ =	shalt  }
0x60: {  	_ =	shalt  }
0x61: {  	_ =	shalt  }
0x62: {  	_ =	shalt  }
0x63: {  	_ =	shalt  }
0x64: {  	_ =	shalt  }
0x65: {  	_ =	shalt  }
0x66: {  	_ =	shalt  }
0x67: {  	_ =	shalt  }
0x68: {  	_ =	shalt  }
0x69: {  	_ =	shalt  }
0x6a: {  	_ =	shalt  }
0x6b: {  	_ =	shalt  }
0x6c: {  	_ =	shalt  }
0x6d: {  	_ =	shalt  }
0x6e: {  	_ =	shalt  }
0x6f: {  	_ =	shalt  }
0x70: {  	_ =	shalt  }
0x71: {  	_ =	shalt  }
0x72: {  	_ =	shalt  }
0x73: {  	_ =	shalt  }
0x74: {  	_ =	shalt  }
0x75: {  	_ =	shalt  }
0x76: {  	_ =	shalt  }
0x77: {  	_ =	shalt  }
0x78: {  	_ =	shalt  }
0x79: {  	_ =	shalt  }
0x7a: {  	_ =	shalt  }
0x7b: {  	_ =	shalt  }
0x7c: {  	_ =	shalt  }
0x7d: {  	_ =	shalt  }
0x7e: {  	_ =	shalt  }
0x7f: {  	_ =	shalt  }
0x80: {  	_ =	shalt  }
0x81: {  	_ =	shalt  }
0x82: {  	_ =	shalt  }
0x83: {  	_ =	shalt  }
0x84: {  	_ =	shalt  }
0x85: {  	_ =	shalt  }
0x86: {  	_ =	shalt  }
0x87: {  	_ =	shalt  }
.Lfunc_end0:
.L_simem_size_0:
called_computation_lowered:
.L_overlay_start_0:
0x88: {  	s2 =	sld [smem:$0x3FD9]  }
0x89: {  	s3 =	sld [smem:$0x3FFE];
	_ =	sdelay $0x1  }
0x8a: {  	s1 =	srdreg.scid  }
0x8b: {  	s0 =	sand.u32 $0x1, s1  }
0x8c: {  	s16 =	sshll.u32 s0, $0xA;
	s2 =	sadd.s32 s3, s2  }
0x8d: {  	s2 =	sadd.s32 s2, s16  }
0x8e: {  	[smem:$0x3FBE] =	sst s2  }
0x8f: {  	_ = 	snop  }
0x90: {  	(tm) =	ssettm $0x1  }
0x91: {  	s17 =	sld [smem:$0x3FFB];
	_ =	sdelay $0x3  }
0x92: {  	_ =	strace s17  }
0x93: {  	s2 =	sld [smem:$0x3FFC];
	_ =	sdelay $0x3  }
0x94: {  	_ =	strace s2  }
0x95: {  	s2 =	sld [smem:$0x3FFD];
	_ =	sdelay $0x3  }
0x96: {  	_ =	strace s2  }
0x97: {  	_ =	strace $0x8FFFFFFF  }
0x98: {  	s18 =	sld [smem:$0x3FDB];
	_ =	sdelay $0x1  }
0x99: {  	s19 =	simm.s32 $_scs_section_size  }
0x9a: {  	s4 =	simm.s32 $_size__tile_overlayer_lowered;
	s5 =	simm.s32 $_tile_overlayer_lowered  }
0x9b: {  	s22 =	simm.s32 $0x1BFF;
	s21 =	sshll.u32 s5, $0x1;
	s2 =	sadd.s32 s19, s18  }
0x9c: {  	s6 =	simm.s32 $0x0;
	s20 =	sshll.u32 s4, $0x1;
	s4 =	sadd.s32 s21, s2  }
0x9d: {  	[timem:s6], [sflag:s22] =	dma.local [hbm:s4], s20  }
0x9e: {  	_ =	swait.ge [sflag:s22], s20  }
0x9f: {  	s3 =	ssub.s32 $0x0, s20;
	[sflag:s22] =	ssyncset.done $0x0  }
0xa0: {  	[sflag:s22] =	ssyncadd.s32 s3;
	_ =	sdelay $0x1  }
0xa1: {  	s23 =	simm.s32 $0x1B8B  }
0xa2: {  	_ =	swait.ge [sflag:s23], $0x1  }
0xa3: {  	[sflag:s23] =	ssyncset.done $0x0  }
0xa4: {  	s25 =	simm.s32 $0x1B8E;
	s24 =	sld [smem:$0x3FFE];
	[sflag:s23] =	ssyncadd.s32 $0xFFFFFFFF  }
0xa5: {  	s26 =	simm.s32 $execute0_lowered;
	[smem:$0x3FD2] =	sst s25  }
0xa6: {  	s4 =	sshll.u32 s26, $0x1;
	_ =	strace $0x80000046;
	[dreg:$0x1] =	wrdreg $0xFFFFFFFF  }
0xa7: {  	s28 =	simm.s32 $_size_execute0_lowered;
	s2 =	sadd.s32 s2, s4;
	[dreg:$0x0] =	wrdreg $0x0  }
0xa8: {  	s4 =	sshll.u32 s28, $0x1;
	[dreg:$0x2] =	wrdreg s2  }
0xa9: {  	[dreg:$0x3] =	wrdreg s4  }
0xaa: {  	[dreg:$0x4] =	wrdreg $0xC0  }
0xab: {  	_ =	task [dreg:s6], $0x5FFFF  }
0xac: {  	[dreg:$0x1] =	wrdreg $0xFFFFFFFF  }
0xad: {  	[dreg:$0x0] =	wrdreg $0x60  }
0xae: {  	[dreg:$0x2] =	wrdreg s24  }
0xaf: {  	[dreg:$0x3] =	wrdreg $0x0  }
0xb0: {  	[dreg:$0x4] =	wrdreg $0x9  }
0xb1: {  	_ =	task.clear_ibuf [dreg:s6], $0x5FFFF;
	_ =	strace $0x90000046  }
0xb2: {  	s29 =	simm.s32 $0x9;
	_ =	strace $0x80000048  }
0xb3: {  	_ =	swait.ge [sflag:s29], $0x1  }
0xb4: {  	[sflag:s29] =	ssyncadd.s32 $0xFFFFFFFF  }
0xb5: {  	_ =	strace $0x90000048  }
0xb6: {  	_ =	sfence  }
0xb7: {  	s30 =	sld [smem:$0x0];
	_ =	sdelay $0x2  }
0xb8: {  	s31 =	sshll.u32 s1, $0xD;
	s1 =	sshrl.u32 s1, $0x2  }
0xb9: {  	s3 =	sand.u32 $0x4000, s31;
	s1 =	sadd.s32 s1, s30  }
0xba: {  	s0 =	sor.u32 s3, s0;
	s1 =	sshll.u32 s1, $0x11  }
0xbb: {  	s0 =	sor.u32 s1, s0  }
0xbc: {  	s0 =	sadd.s32 $0x8F2B, s0  }
0xbd: {  	[sflag:s0] =	ssyncadd.remote.s32 $0x1  }
0xbe: {  	_ =	sfence.sel $0xFFFF  }
0xbf: {  	[dreg:$0x0] =	wrdreg $0xFFFFFFFF;
	(pc) =	sbr.abs _section_cstart, $3  }
0xc0: {  	[dreg:$0x1] =	wrdreg $0xFFFFFFFF  }
0xc1: {  	_ =	task.clear_ibuf [dreg:s6], $0x2FFFF;
	_ =	strace $0x9FFFFFFF  }
0xc2: {  	(tm) =	ssettm $0x7FFFFFFF  }
0xc3: {  	_ =	shalt  }
tec
execute0_lowered:
.L_overlay_start_1:
0x0: {  	(tag) =	ssettag $0x1  }
0x1: {  	s1 =	srdreg.scid  }
0x2: {  	s0 =	stileid.u32;
	s4 =	rddreg [dreg:$0x0]  }
0x3: {  	s2 =	rddreg [dreg:$0x1];
	s3 =	simm.s32 $0x0;
	s10 =	simm.s32 $0x280  }
0x4: {  	s11 =	simm.s32 $0x80;
	s12 =	simm.s32 $0x2A80;
	s13 =	simm.s32 $0x1  }
0x5: {  	s16 =	simm.s32 $0x20;
	s17 =	simm.s32 $0x10;
	s18 =	simm.s32 $0x0  }
0x6: {  	s5 =	sand.u32 $0x1, s1;
	s1 =	rddreg [dreg:$0x2];
	s7 =	smul.u32 $0x500, s0  }
0x7: {  	s30 =	sshll.u32 s0, $0x1;
	[smem:$0x7FF] =	sst s3;
	s9 =	smul.u32 $0xA00, s0  }
0x8: {  	s14 =	sshll.u32 s0, $0x6;
	s6 =	sor.u32 s5, s30;
	_ =	strace $0x80000047  }
0x9: {  	s8 =	sshll.u32 s5, $0x7;
	s5 =	ssub.s32 $0x2, s5;
	s14 =	sor.u32 $0x1C02, s14  }
0xa: {  	s6 =	smul.u32 $0x500, s6;
	s7 =	sor.u32 s8, s7;
	s31 =	sshrl.u32 s5, $0x1  }
0xb: {  	s9 =	sshrl.u32 s9, $0x2;
	s7 =	sshrl.u32 s7, $0x3;
	s8 =	ssub.s32 s5, s31  }
0xc: {  	s6 =	sadd.s32 s6, s4;
	s7 =	sadd.s32 s7, s4;
	s4 =	sadd.s32 s9, s2  }
0xd: {  	s9 =	simm.s32 $0x2;
	s5 =	sadd.s32 $0x200, s6;
	s6 =	sadd.s32 $0xA200, s7  }
0xe: {  	v0 =	vimm.f32 $1.000000000e+00;
	v1 =	vimm.f32 $0.0e+00;
	s7 =	smax.u32 s8, $0x1;
	s8 =	simm.s32 $0x2B00;
	s15 =	sshrl.u32 s4, $0x3  }
.LBB2_1:
0xf: {  	[tilespmem:$0x2A80] =	vst v0  }
0x10: {  	[tilespmem:$0x2A90] =	vst v0  }
0x11: {  	[tilespmem:$0x2AA0] =	vst v0  }
0x12: {  	[tilespmem:$0x2AB0] =	vst v0  }
0x13: {  	[tilespmem:$0x2AC0] =	vst v0  }
0x14: {  	[tilespmem:$0x2AD0] =	vst v0  }
0x15: {  	[tilespmem:$0x2AE0] =	vst v0  }
0x16: {  	[tilespmem:$0x2AF0] =	vst v0  }
0x17: {  	[tilespmem:$0x2B00] =	vst v1  }
0x18: {  	[tilespmem:$0x2B10] =	vst v1  }
0x19: {  	[tilespmem:$0x2B20] =	vst v1  }
0x1a: {  	[tilespmem:$0x2B30] =	vst v1  }
0x1b: {  	[tilespmem:$0x2B40] =	vst v1  }
0x1c: {  	[tilespmem:$0x2B50] =	vst v1  }
0x1d: {  	[tilespmem:$0x2B60] =	vst v1  }
0x1e: {  	[tilespmem:$0x2B70] =	vst v1  }
0x1f: {  	[tilespmem:$0x2B80] =	vst v1  }
0x20: {  	[tilespmem:$0x2B90] =	vst v1  }
0x21: {  	[tilespmem:$0x2BA0] =	vst v1  }
0x22: {  	[tilespmem:$0x2BB0] =	vst v1  }
0x23: {  	[tilespmem:$0x2BC0] =	vst v1  }
0x24: {  	[tilespmem:$0x2BD0] =	vst v1  }
0x25: {  	[tilespmem:$0x2BE0] =	vst v1  }
0x26: {  	[tilespmem:$0x2BF0] =	vst v1  }
0x27: {  	[tilespmem:$0x2C00] =	vst v1  }
0x28: {  	[tilespmem:$0x2C10] =	vst v1  }
0x29: {  	[tilespmem:$0x2C20] =	vst v1  }
0x2a: {  	[tilespmem:$0x2C30] =	vst v1  }
0x2b: {  	[tilespmem:$0x2C40] =	vst v1  }
0x2c: {  	[tilespmem:$0x2C50] =	vst v1  }
0x2d: {  	[tilespmem:$0x2C60] =	vst v1  }
0x2e: {  	[tilespmem:$0x2C70] =	vst v1  }
0x2f: {  	[tilespmem:$0x2C80] =	vst v1  }
0x30: {  	[tilespmem:$0x2C90] =	vst v1  }
0x31: {  	[tilespmem:$0x2CA0] =	vst v1  }
0x32: {  	[tilespmem:$0x2CB0] =	vst v1  }
0x33: {  	[tilespmem:$0x2CC0] =	vst v1  }
0x34: {  	[tilespmem:$0x2CD0] =	vst v1  }
0x35: {  	[tilespmem:$0x2CE0] =	vst v1  }
0x36: {  	[tilespmem:$0x2CF0] =	vst v1  }
0x37: {  	[tilespmem:$0x2D00] =	vst v1  }
0x38: {  	[tilespmem:$0x2D10] =	vst v1  }
0x39: {  	[tilespmem:$0x2D20] =	vst v1  }
0x3a: {  	[tilespmem:$0x2D30] =	vst v1  }
0x3b: {  	[tilespmem:$0x2D40] =	vst v1  }
0x3c: {  	[tilespmem:$0x2D50] =	vst v1  }
0x3d: {  	[tilespmem:$0x2D60] =	vst v1  }
0x3e: {  	[tilespmem:$0x2D70] =	vst v1  }
0x3f: {  	[spmem:s4] =	stream.linear.scatter [tilespmem:s8], [sflag:$0x2], $0x280, $0x38;
	[tilespmem:$0x2D80] =	vst v63  }
0x40: {  	_ =	swait.ge [sflag:s9], $0x280  }
0x41: {  	[sflag:s9] =	ssyncset.done $0x0  }
0x42: {  	[sflag:s9] =	ssyncadd.s32 $0xFFFFFD80  }
0x43: {  	[bflag:$0x0] =	sbarrier.arrive $0xFFFF  }
0x44: {  	[tilespmem:s10], [sflag:$0x2] =	stream.linear.gather [hbm4b:s5+s3], $0x2800, $0x38;
	[tilespmem:$0x2D80] =	vst v63  }
0x45: {  	_ =	swait.ge [sflag:s9], $0x2800  }
0x46: {  	[sflag:s9] =	ssyncset.done $0x0  }
0x47: {  	s19 =	simm.s32 $0x280;
	[sflag:s9] =	ssyncadd.s32 $0xFFFFD800  }
0x48: {  	[spmem:s2] =	stream.indirect.scatter.add.f32 [tilespmem:s12], [sflag:$0x1], $0x1, s19, s11, $0xb8;
	[tilespmem:$0x2D80] =	vst v63  }
0x49: {  	s24 =	simm.s32 $0x300  }
0x4a: {  	[spmem:s2] =	stream.indirect.scatter.add.f32 [tilespmem:s12], [sflag:$0x1], $0x1, s24, s11, $0xb8;
	[tilespmem:$0x2D80] =	vst v63  }
0x4b: {  	s25 =	simm.s32 $0x380  }
0x4c: {  	[spmem:s2] =	stream.indirect.scatter.add.f32 [tilespmem:s12], [sflag:$0x1], $0x1, s25, s11, $0xb8;
	[tilespmem:$0x2D80] =	vst v63  }
0x4d: {  	s26 =	simm.s32 $0x400  }
0x4e: {  	[spmem:s2] =	stream.indirect.scatter.add.f32 [tilespmem:s12], [sflag:$0x1], $0x1, s26, s11, $0xb8;
	[tilespmem:$0x2D80] =	vst v63  }
0x4f: {  	s28 =	simm.s32 $0x480  }
0x50: {  	[spmem:s2] =	stream.indirect.scatter.add.f32 [tilespmem:s12], [sflag:$0x1], $0x1, s28, s11, $0xb8;
	[tilespmem:$0x2D80] =	vst v63  }
0x51: {  	s29 =	simm.s32 $0x500  }
0x52: {  	[spmem:s2] =	stream.indirect.scatter.add.f32 [tilespmem:s12], [sflag:$0x1], $0x1, s29, s11, $0xb8;
	[tilespmem:$0x2D80] =	vst v63  }
0x53: {  	s30 =	simm.s32 $0x580  }
0x54: {  	[spmem:s2] =	stream.indirect.scatter.add.f32 [tilespmem:s12], [sflag:$0x1], $0x1, s30, s11, $0xb8;
	[tilespmem:$0x2D80] =	vst v63  }
0x55: {  	s31 =	simm.s32 $0x600  }
0x56: {  	[spmem:s2] =	stream.indirect.scatter.add.f32 [tilespmem:s12], [sflag:$0x1], $0x1, s31, s11, $0xb8;
	[tilespmem:$0x2D80] =	vst v63  }
0x57: {  	_ =	swait.ge [sflag:s13], $0x80  }
0x58: {  	[sflag:s13] =	ssyncset.done $0x0  }
0x59: {  	[sflag:s13] =	ssyncadd.s32 $0xFFFFFF80  }
0x5a: {  	_ =	swait.ge [sflag:s13], $0x80  }
0x5b: {  	[sflag:s13] =	ssyncset.done $0x0  }
0x5c: {  	[sflag:s13] =	ssyncadd.s32 $0xFFFFFF80  }
0x5d: {  	_ =	swait.ge [sflag:s13], $0x80  }
0x5e: {  	[sflag:s13] =	ssyncset.done $0x0  }
0x5f: {  	[sflag:s13] =	ssyncadd.s32 $0xFFFFFF80  }
0x60: {  	_ =	swait.ge [sflag:s13], $0x80  }
0x61: {  	[sflag:s13] =	ssyncset.done $0x0  }
0x62: {  	[sflag:s13] =	ssyncadd.s32 $0xFFFFFF80  }
0x63: {  	_ =	swait.ge [sflag:s13], $0x80  }
0x64: {  	[sflag:s13] =	ssyncset.done $0x0  }
0x65: {  	[sflag:s13] =	ssyncadd.s32 $0xFFFFFF80  }
0x66: {  	_ =	swait.ge [sflag:s13], $0x80  }
0x67: {  	[sflag:s13] =	ssyncset.done $0x0  }
0x68: {  	[sflag:s13] =	ssyncadd.s32 $0xFFFFFF80  }
0x69: {  	_ =	swait.ge [sflag:s13], $0x80  }
0x6a: {  	[sflag:s13] =	ssyncset.done $0x0  }
0x6b: {  	[sflag:s13] =	ssyncadd.s32 $0xFFFFFF80  }
0x6c: {  	_ =	swait.ge [sflag:s13], $0x80  }
0x6d: {  	s22 =	simm.s32 $0x2000;
	s21 =	simm.s32 $0x400;
	[sflag:s13] =	ssyncset.done $0x0  }
.LBB2_2:
0x6e: {  	s23 =	sadd.s32 $0x280, s21  }
0x6f: {  	[sflag:s13] =	ssyncadd.s32 $0xFFFFFF80;
	s20 =	smov.u32 s22;
	s19 =	sadd.s32 $0x1000, s22  }
0x70: {  	[spmem:s2] =	stream.indirect.scatter.add.f32 [tilespmem:s12], [sflag:$0x1], $0x1, s23, s11, $0xb8;
	[tilespmem:$0x2D80] =	vst v63  }
0x71: {  	p0 =	sne.s32 s22, $0x9000;
	s22 =	sadd.s32 $0x300, s21  }
0x72: {  	[spmem:s2] =	stream.indirect.scatter.add.f32 [tilespmem:s12], [sflag:$0x1], $0x1, s22, s11, $0xb8;
	[tilespmem:$0x2D80] =	vst v63  }
0x73: {  	s22 =	sadd.s32 $0x380, s21  }
0x74: {  	[spmem:s2] =	stream.indirect.scatter.add.f32 [tilespmem:s12], [sflag:$0x1], $0x1, s22, s11, $0xb8;
	[tilespmem:$0x2D80] =	vst v63  }
0x75: {  	s22 =	sadd.s32 $0x400, s21  }
0x76: {  	[spmem:s2] =	stream.indirect.scatter.add.f32 [tilespmem:s12], [sflag:$0x1], $0x1, s22, s11, $0xb8;
	[tilespmem:$0x2D80] =	vst v63  }
0x77: {  	s22 =	sadd.s32 $0x480, s21  }
0x78: {  	[spmem:s2] =	stream.indirect.scatter.add.f32 [tilespmem:s12], [sflag:$0x1], $0x1, s22, s11, $0xb8;
	[tilespmem:$0x2D80] =	vst v63  }
0x79: {  	s22 =	sadd.s32 $0x500, s21  }
0x7a: {  	[spmem:s2] =	stream.indirect.scatter.add.f32 [tilespmem:s12], [sflag:$0x1], $0x1, s22, s11, $0xb8;
	[tilespmem:$0x2D80] =	vst v63  }
0x7b: {  	s22 =	sadd.s32 $0x580, s21  }
0x7c: {  	[spmem:s2] =	stream.indirect.scatter.add.f32 [tilespmem:s12], [sflag:$0x1], $0x1, s22, s11, $0xb8;
	[tilespmem:$0x2D80] =	vst v63  }
0x7d: {  	s21 =	sadd.s32 $0x600, s21  }
0x7e: {  	[spmem:s2] =	stream.indirect.scatter.add.f32 [tilespmem:s12], [sflag:$0x1], $0x1, s21, s11, $0xb8;
	[tilespmem:$0x2D80] =	vst v63  }
0x7f: {  	_ =	swait.ge [sflag:s13], $0x80  }
0x80: {  	[sflag:s13] =	ssyncset.done $0x0  }
0x81: {  	[sflag:s13] =	ssyncadd.s32 $0xFFFFFF80  }
0x82: {  	_ =	swait.ge [sflag:s13], $0x80  }
0x83: {  	[sflag:s13] =	ssyncset.done $0x0  }
0x84: {  	[sflag:s13] =	ssyncadd.s32 $0xFFFFFF80  }
0x85: {  	_ =	swait.ge [sflag:s13], $0x80  }
0x86: {  	[sflag:s13] =	ssyncset.done $0x0  }
0x87: {  	[sflag:s13] =	ssyncadd.s32 $0xFFFFFF80  }
0x88: {  	_ =	swait.ge [sflag:s13], $0x80  }
0x89: {  	[sflag:s13] =	ssyncset.done $0x0  }
0x8a: {  	[sflag:s13] =	ssyncadd.s32 $0xFFFFFF80  }
0x8b: {  	_ =	swait.ge [sflag:s13], $0x80  }
0x8c: {  	[sflag:s13] =	ssyncset.done $0x0  }
0x8d: {  	[sflag:s13] =	ssyncadd.s32 $0xFFFFFF80  }
0x8e: {  	_ =	swait.ge [sflag:s13], $0x80  }
0x8f: {  	[sflag:s13] =	ssyncset.done $0x0  }
0x90: {  	[sflag:s13] =	ssyncadd.s32 $0xFFFFFF80  }
.Ltmp0:
0x91: {  	_ =	swait.ge [sflag:s13], $0x80;
	(pc) =	sbr.rel @p0 .LBB2_2-.Ltmp0, $4  }
0x92: {  	[sflag:s13] =	ssyncset.done $0x0  }
0x93: {  	[sflag:s13] =	ssyncadd.s32 $0xFFFFFF80  }
0x94: {  	_ =	swait.ge [sflag:s13], $0x80  }
0x95: {  	s22 =	smov.u32 s19;
	s21 =	sshra.s32 s20, $0x2;
	[sflag:s13] =	ssyncset.done $0x0  }
0x96: {  	s19 =	sadd.s32 $0x280, s21;
	[sflag:s13] =	ssyncadd.s32 $0xFFFFFF80  }
0x97: {  	[spmem:s2] =	stream.indirect.scatter.add.f32 [tilespmem:s12], [sflag:$0x1], $0x1, s19, s11, $0xb8;
	[tilespmem:$0x2D80] =	vst v63  }
0x98: {  	s24 =	sadd.s32 $0x300, s21  }
0x99: {  	[spmem:s2] =	stream.indirect.scatter.add.f32 [tilespmem:s12], [sflag:$0x1], $0x1, s24, s11, $0xb8;
	[tilespmem:$0x2D80] =	vst v63  }
0x9a: {  	s25 =	sadd.s32 $0x380, s21  }
0x9b: {  	[spmem:s2] =	stream.indirect.scatter.add.f32 [tilespmem:s12], [sflag:$0x1], $0x1, s25, s11, $0xb8;
	[tilespmem:$0x2D80] =	vst v63  }
0x9c: {  	s26 =	sadd.s32 $0x400, s21  }
0x9d: {  	[spmem:s2] =	stream.indirect.scatter.add.f32 [tilespmem:s12], [sflag:$0x1], $0x1, s26, s11, $0xb8;
	[tilespmem:$0x2D80] =	vst v63  }
0x9e: {  	s28 =	sadd.s32 $0x480, s21  }
0x9f: {  	[spmem:s2] =	stream.indirect.scatter.add.f32 [tilespmem:s12], [sflag:$0x1], $0x1, s28, s11, $0xb8;
	[tilespmem:$0x2D80] =	vst v63  }
0xa0: {  	s29 =	sadd.s32 $0x500, s21  }
0xa1: {  	[spmem:s2] =	stream.indirect.scatter.add.f32 [tilespmem:s12], [sflag:$0x1], $0x1, s29, s11, $0xb8;
	[tilespmem:$0x2D80] =	vst v63  }
0xa2: {  	s30 =	sadd.s32 $0x580, s21  }
0xa3: {  	[spmem:s2] =	stream.indirect.scatter.add.f32 [tilespmem:s12], [sflag:$0x1], $0x1, s30, s11, $0xb8;
	[tilespmem:$0x2D80] =	vst v63  }
0xa4: {  	s31 =	sadd.s32 $0x600, s21  }
0xa5: {  	[spmem:s2] =	stream.indirect.scatter.add.f32 [tilespmem:s12], [sflag:$0x1], $0x1, s31, s11, $0xb8;
	[tilespmem:$0x2D80] =	vst v63  }
0xa6: {  	_ =	swait.ge [sflag:s13], $0x80  }
0xa7: {  	[sflag:s13] =	ssyncset.done $0x0  }
0xa8: {  	[sflag:s13] =	ssyncadd.s32 $0xFFFFFF80  }
0xa9: {  	_ =	swait.ge [sflag:s13], $0x80  }
0xaa: {  	[sflag:s13] =	ssyncset.done $0x0  }
0xab: {  	[sflag:s13] =	ssyncadd.s32 $0xFFFFFF80  }
0xac: {  	_ =	swait.ge [sflag:s13], $0x80  }
0xad: {  	[sflag:s13] =	ssyncset.done $0x0  }
0xae: {  	[sflag:s13] =	ssyncadd.s32 $0xFFFFFF80  }
0xaf: {  	_ =	swait.ge [sflag:s13], $0x80  }
0xb0: {  	[sflag:s13] =	ssyncset.done $0x0  }
0xb1: {  	[sflag:s13] =	ssyncadd.s32 $0xFFFFFF80  }
0xb2: {  	_ =	swait.ge [sflag:s13], $0x80  }
0xb3: {  	[sflag:s13] =	ssyncset.done $0x0  }
0xb4: {  	[sflag:s13] =	ssyncadd.s32 $0xFFFFFF80  }
0xb5: {  	_ =	swait.ge [sflag:s13], $0x80  }
0xb6: {  	[sflag:s13] =	ssyncset.done $0x0  }
0xb7: {  	[sflag:s13] =	ssyncadd.s32 $0xFFFFFF80  }
0xb8: {  	_ =	swait.ge [sflag:s13], $0x80  }
0xb9: {  	[sflag:s13] =	ssyncset.done $0x0  }
0xba: {  	[sflag:s13] =	ssyncadd.s32 $0xFFFFFF80  }
0xbb: {  	_ =	swait.ge [sflag:s13], $0x80  }
0xbc: {  	s18 =	sadd.s32 $0x1, s18;
	[sflag:s13] =	ssyncset.done $0x0  }
0xbd: {  	p0 =	sne.s32 s18, s7;
	[sflag:s13] =	ssyncadd.s32 $0xFFFFFF80  }
.Ltmp1:
0xbe: {  	[bflag:$0x0] =	sbarrier.arrive $0xFFFF;
	(pc) =	sbr.rel @p0 .LBB2_1-.Ltmp1, $4  }
0xbf: {  	[hbm:s6@s16], [sflag:s14] =	dma.strided [spmem:s15@s17], $0x50, s13, $0x10   }
0xc0: {  	_ =	swait.ge [sflag:s9], $0x50  }
0xc1: {  	[sflag:s9] =	ssyncset.done $0x0  }
0xc2: {  	[sflag:s9] =	ssyncadd.s32 $0xFFFFFFB0  }
0xc3: {  	_ =	sfence.sel $0x180000  }
0xc4: {  	[bflag:$0x0] =	sbarrier.arrive $0xFFFF  }
0xc5: {  	p0 =	sne.s32 s0, $0x0;
	_ =	strace $0x90000047  }
0xc6: {  	s0 =	sadd.s32 @!p0 $0x100000, s1;
	[bflag:$0x2] =	sbarrier.arrive $0xFFFF  }
0xc7: {  	[sflag:s0] =	ssyncadd.tile.s32 @!p0 $0x1;
	_ =	shalt  }
.Lfunc_end2:
_tile_overlayer_lowered:
.L_overlay_start_2:
0xc8: {  	(tag) =	ssettag $0x2  }
0xc9: {  	s0 =	rddreg [dreg:$0x0];
	s2 =	stileid.u32  }
0xca: {  	s1 =	rddreg [dreg:$0x1];
	p0 =	sne.s32 s2, $0x0  }
0xcb: {  	s3 =	rddreg [dreg:$0x2];
	[bflag:$0x3] =	sbarrier.arrive $0xFFFF;
	s2 =	simm.s32 @!p0 $0x1C02  }
0xcc: {  	[timem:s3], [sflag:s2] =	dma.local @!p0 [hbm:s0], s1  }
0xcd: {  	s0 =	simm.s32 @!p0 $0x2  }
0xce: {  	_ =	swait.ge @!p0 [sflag:s0], s1  }
0xcf: {  	s1 =	ssub.s32 @!p0 $0x0, s1;
	[sflag:s0] =	ssyncset.done @!p0 $0x0  }
0xd0: {  	[sflag:s0] =	ssyncadd.s32 @!p0 s1  }
0xd1: {  	[bflag:$0x3] =	sbarrier.arrive $0xFFFF  }
0xd2: {  	_ =	shalt  }

// kernel: kernel.9.cloned.1.call-start
scs
__scs_entry_jumppad:
0x0: {  	(pc) =	sbr.rel $0x88, $3  }
0x1: {  	(tag) =	ssettag $0x0;
	lr =	simm.s32 $0x1  }
0x2: {  	[smem:$0x3F97] =	sst lr;
	_ =	strace $0xD0000000  }
0x3: {  	_ = 	snop  }
0x4: {  	_ = 	snop  }
0x5: {  	_ = 	snop  }
0x6: {  	_ = 	snop  }
0x7: {  	_ = 	snop  }
__scs_overlays_trampoline_lowered:
0x8: {  	[smem:$0x3FA6] =	sst s0  }
0x9: {  	[smem:$0x3FA7] =	sst s1  }
0xa: {  	[smem:$0x3FA8] =	sst s2  }
0xb: {  	[smem:$0x3FA9] =	sst s3  }
0xc: {  	[smem:$0x3FAA] =	sst s4  }
0xd: {  	[smem:$0x3FAB] =	sst s5  }
0xe: {  	[smem:$0x3FAC] =	sst s6  }
0xf: {  	[smem:$0x3FAD] =	sst s7  }
0x10: {  	[smem:$0x3FAE] =	sst s8  }
0x11: {  	[smem:$0x3FAF] =	sst s9;
	s0 =	simm.s32 @!p0 $0x0  }
0x12: {  	s1 =	sld [smem:$0x3F95];
	s0 =	simm.s32 @p0 $0x1  }
0x13: {  	[smem:$0x3FB0] =	sst s0;
	s0 =	simm.s32 @!p1 $0x0  }
0x14: {  	s2 =	sld [smem:$0x3F94];
	s0 =	simm.s32 @p1 $0x1  }
0x15: {  	[smem:$0x3FB1] =	sst s0;
	s0 =	simm.s32 @!p2 $0x0  }
0x16: {  	s3 =	sld [smem:$0x3FDB];
	s0 =	simm.s32 @p2 $0x1  }
0x17: {  	s4 =	simm.s32 $0x1BF5;
	[smem:$0x3FB3] =	sst s0  }
0x18: {  	s0 =	sld [smem:$0x3F96];
	_ =	swait.ge [sflag:s4], $0x0  }
0x19: {  	s7 =	sld [smem:$0x3F97]  }
0x1a: {  	s8 =	sadd.s32 $0xFFFFE003, lr  }
0x1b: {  	s9 =	sadd.s32 $0xFFFFFEF7, lr;
	s5 =	simm.s32 $0xFFFFFFFF;
	p2 =	slt.u32 s8, $0xFFFFF086  }
0x1c: {  	p1 =	slt.u32 s9, $0xF7A;
	s5 =	simm.s32 @!p2 $0x0  }
0x1d: {  	s5 =	simm.s32 @p1 $0x1;
	p0 =	seq.s32 s7, s2  }
0x1e: {  	s7 =	smul.u32 @!p0 $0xF7A, s2;
	p2 =	seq.s32 @!p0 s5, $0x0  }
0x1f: {  	s9 =	smul.u32 $0xF7A, s1;
	s8 =	simm.s32 @!p0 $0x1BF5;
	p2 =	por !p2, p0  }
0x20: {  	[sflag:s8] =	ssyncset.s32 @!p0 $0xFFFFF086;
	s6 =	sadd.s32 @!p0 s3, s7;
	s7 =	simm.s32 @!p0 $0x108  }
0x21: {  	s3 =	sadd.s32 s3, s9;
	s6 =	sadd.s32 @!p0 $0x88, s6;
	s7 =	simm.s32 @p2 $0x1082  }
0x22: {  	[simem:s7], [sflag:s8] =	dma.local @!p0 [hbm:s6], $0xF7A  }
0x23: {  	s9 =	sor.u32 $0xD0000000, s2;
	s6 =	simm.s32 $0x108;
	_ =	swait.ge @!p0 [sflag:s8], $0x0  }
0x24: {  	s3 =	sadd.s32 $0x88, s3;
	s6 =	simm.s32 @!p1 $0x1082;
	[sflag:s4] =	ssyncset.s32 $0xFFFFF086  }
0x25: {  	[simem:s6], [sflag:s4] =	dma.local [hbm:s3], $0xF7A  }
0x26: {  	[smem:$0x3F97] =	sst s1;
	(tag) =	ssettag s2;
	_ =	strace s9  }
0x27: {  	s1 =	sld [smem:$0x3FA7]  }
0x28: {  	s2 =	sld [smem:$0x3FA8]  }
0x29: {  	s4 =	sld [smem:$0x3FAA]  }
0x2a: {  	p0 =	seq.s32 s5, $0x0;
	s5 =	sld [smem:$0x3FAB]  }
0x2b: {  	s6 =	sld [smem:$0x3FAC]  }
0x2c: {  	s7 =	sld [smem:$0x3FAD]  }
0x2d: {  	s3 =	simm.s32 $0x108;
	s8 =	sld [smem:$0x3FAE]  }
0x2e: {  	s3 =	simm.s32 @!p0 $0x1082;
	s9 =	sld [smem:$0x3FAF]  }
0x2f: {  	lr =	sadd.s32 s0, s3;
	s0 =	sld [smem:$0x3FA6]  }
0x30: {  	s3 =	sld [smem:$0x3FA9]  }
0x31: {  	[smem:$0x3FB2] =	sst s10  }
0x32: {  	s10 =	sld [smem:$0x3FB0];
	_ =	sdelay $0x3  }
0x33: {  	p0 =	seq.s32 s10, $0x1;
	s10 =	sld [smem:$0x3FB2];
	_ =	sdelay $0x3  }
0x34: {  	[smem:$0x3FB2] =	sst s10  }
0x35: {  	s10 =	sld [smem:$0x3FB1];
	_ =	sdelay $0x3  }
0x36: {  	p1 =	seq.s32 s10, $0x1;
	s10 =	sld [smem:$0x3FB2];
	_ =	sdelay $0x3  }
0x37: {  	[smem:$0x3FB2] =	sst s10  }
0x38: {  	s10 =	sld [smem:$0x3FB3]  }
0x39: {  	_ = 	snop;
	(pc) =	sbr.ind lr, $3  }
0x3a: {  	_ = 	snop  }
0x3b: {  	_ = 	snop  }
0x3c: {  	p2 =	seq.s32 s10, $0x1;
	s10 =	sld [smem:$0x3FB2]  }
0x3d: {  	_ =	shalt  }
0x3e: {  	_ =	shalt  }
0x3f: {  	_ =	shalt  }
0x40: {  	_ =	shalt  }
0x41: {  	_ =	shalt  }
0x42: {  	_ =	shalt  }
0x43: {  	_ =	shalt  }
0x44: {  	_ =	shalt  }
0x45: {  	_ =	shalt  }
0x46: {  	_ =	shalt  }
0x47: {  	_ =	shalt  }
0x48: {  	_ =	shalt  }
0x49: {  	_ =	shalt  }
0x4a: {  	_ =	shalt  }
0x4b: {  	_ =	shalt  }
0x4c: {  	_ =	shalt  }
0x4d: {  	_ =	shalt  }
0x4e: {  	_ =	shalt  }
0x4f: {  	_ =	shalt  }
0x50: {  	_ =	shalt  }
0x51: {  	_ =	shalt  }
0x52: {  	_ =	shalt  }
0x53: {  	_ =	shalt  }
0x54: {  	_ =	shalt  }
0x55: {  	_ =	shalt  }
0x56: {  	_ =	shalt  }
0x57: {  	_ =	shalt  }
0x58: {  	_ =	shalt  }
0x59: {  	_ =	shalt  }
0x5a: {  	_ =	shalt  }
0x5b: {  	_ =	shalt  }
0x5c: {  	_ =	shalt  }
0x5d: {  	_ =	shalt  }
0x5e: {  	_ =	shalt  }
0x5f: {  	_ =	shalt  }
0x60: {  	_ =	shalt  }
0x61: {  	_ =	shalt  }
0x62: {  	_ =	shalt  }
0x63: {  	_ =	shalt  }
0x64: {  	_ =	shalt  }
0x65: {  	_ =	shalt  }
0x66: {  	_ =	shalt  }
0x67: {  	_ =	shalt  }
0x68: {  	_ =	shalt  }
0x69: {  	_ =	shalt  }
0x6a: {  	_ =	shalt  }
0x6b: {  	_ =	shalt  }
0x6c: {  	_ =	shalt  }
0x6d: {  	_ =	shalt  }
0x6e: {  	_ =	shalt  }
0x6f: {  	_ =	shalt  }
0x70: {  	_ =	shalt  }
0x71: {  	_ =	shalt  }
0x72: {  	_ =	shalt  }
0x73: {  	_ =	shalt  }
0x74: {  	_ =	shalt  }
0x75: {  	_ =	shalt  }
0x76: {  	_ =	shalt  }
0x77: {  	_ =	shalt  }
0x78: {  	_ =	shalt  }
0x79: {  	_ =	shalt  }
0x7a: {  	_ =	shalt  }
0x7b: {  	_ =	shalt  }
0x7c: {  	_ =	shalt  }
0x7d: {  	_ =	shalt  }
0x7e: {  	_ =	shalt  }
0x7f: {  	_ =	shalt  }
0x80: {  	_ =	shalt  }
0x81: {  	_ =	shalt  }
0x82: {  	_ =	shalt  }
0x83: {  	_ =	shalt  }
0x84: {  	_ =	shalt  }
0x85: {  	_ =	shalt  }
0x86: {  	_ =	shalt  }
0x87: {  	_ =	shalt  }
.Lfunc_end0:
.L_simem_size_0:
called_computation.1_lowered:
.L_overlay_start_0:
0x88: {  	s2 =	sld [smem:$0x3FD9]  }
0x89: {  	s3 =	sld [smem:$0x3FFE];
	_ =	sdelay $0x1  }
0x8a: {  	s1 =	srdreg.scid  }
0x8b: {  	s0 =	sand.u32 $0x1, s1  }
0x8c: {  	s16 =	sshll.u32 s0, $0xA;
	s2 =	sadd.s32 s3, s2  }
0x8d: {  	s2 =	sadd.s32 s2, s16  }
0x8e: {  	[smem:$0x3FBE] =	sst s2  }
0x8f: {  	_ = 	snop  }
0x90: {  	(tm) =	ssettm $0x1  }
0x91: {  	s17 =	sld [smem:$0x3FFB];
	_ =	sdelay $0x3  }
0x92: {  	_ =	strace s17  }
0x93: {  	s2 =	sld [smem:$0x3FFC];
	_ =	sdelay $0x3  }
0x94: {  	_ =	strace s2  }
0x95: {  	s2 =	sld [smem:$0x3FFD];
	_ =	sdelay $0x3  }
0x96: {  	_ =	strace s2  }
0x97: {  	_ =	strace $0x8FFFFFFF  }
0x98: {  	s18 =	sld [smem:$0x3FDB];
	_ =	sdelay $0x1  }
0x99: {  	s19 =	simm.s32 $_scs_section_size  }
0x9a: {  	s4 =	simm.s32 $_size__tile_overlayer_lowered;
	s5 =	simm.s32 $_tile_overlayer_lowered  }
0x9b: {  	s22 =	simm.s32 $0x1BFF;
	s21 =	sshll.u32 s5, $0x1;
	s2 =	sadd.s32 s19, s18  }
0x9c: {  	s6 =	simm.s32 $0x0;
	s20 =	sshll.u32 s4, $0x1;
	s4 =	sadd.s32 s21, s2  }
0x9d: {  	[timem:s6], [sflag:s22] =	dma.local [hbm:s4], s20  }
0x9e: {  	_ =	swait.ge [sflag:s22], s20  }
0x9f: {  	s3 =	ssub.s32 $0x0, s20;
	[sflag:s22] =	ssyncset.done $0x0  }
0xa0: {  	[sflag:s22] =	ssyncadd.s32 s3;
	_ =	sdelay $0x1  }
0xa1: {  	s23 =	simm.s32 $0x1B8B  }
0xa2: {  	_ =	swait.ge [sflag:s23], $0x1  }
0xa3: {  	[sflag:s23] =	ssyncset.done $0x0  }
0xa4: {  	s25 =	simm.s32 $0x1B8E;
	s24 =	sld [smem:$0x3FFE];
	[sflag:s23] =	ssyncadd.s32 $0xFFFFFFFF  }
0xa5: {  	s26 =	simm.s32 $execute0_lowered;
	[smem:$0x3FD2] =	sst s25  }
0xa6: {  	s4 =	sshll.u32 s26, $0x1;
	_ =	strace $0x80000049;
	[dreg:$0x1] =	wrdreg $0xFFFFFFFF  }
0xa7: {  	s28 =	simm.s32 $_size_execute0_lowered;
	s2 =	sadd.s32 s2, s4;
	[dreg:$0x0] =	wrdreg $0x0  }
0xa8: {  	s4 =	sshll.u32 s28, $0x1;
	[dreg:$0x2] =	wrdreg s2  }
0xa9: {  	[dreg:$0x3] =	wrdreg s4  }
0xaa: {  	[dreg:$0x4] =	wrdreg $0xC0  }
0xab: {  	_ =	task [dreg:s6], $0x5FFFF  }
0xac: {  	[dreg:$0x1] =	wrdreg $0xFFFFFFFF  }
0xad: {  	[dreg:$0x0] =	wrdreg $0x60  }
0xae: {  	[dreg:$0x2] =	wrdreg s24  }
0xaf: {  	[dreg:$0x3] =	wrdreg $0x0  }
0xb0: {  	[dreg:$0x4] =	wrdreg $0x9  }
0xb1: {  	_ =	task.clear_ibuf [dreg:s6], $0x5FFFF;
	_ =	strace $0x90000049  }
0xb2: {  	s29 =	simm.s32 $0x9;
	_ =	strace $0x8000004B  }
0xb3: {  	_ =	swait.ge [sflag:s29], $0x1  }
0xb4: {  	[sflag:s29] =	ssyncadd.s32 $0xFFFFFFFF  }
0xb5: {  	_ =	strace $0x9000004B  }
0xb6: {  	_ =	sfence  }
0xb7: {  	s30 =	sld [smem:$0x0];
	_ =	sdelay $0x2  }
0xb8: {  	s31 =	sshll.u32 s1, $0xD;
	s1 =	sshrl.u32 s1, $0x2  }
0xb9: {  	s3 =	sand.u32 $0x4000, s31;
	s1 =	sadd.s32 s1, s30  }
0xba: {  	s0 =	sor.u32 s3, s0;
	s1 =	sshll.u32 s1, $0x11  }
0xbb: {  	s0 =	sor.u32 s1, s0  }
0xbc: {  	s0 =	sadd.s32 $0x8F2B, s0  }
0xbd: {  	[sflag:s0] =	ssyncadd.remote.s32 $0x1  }
0xbe: {  	_ =	sfence.sel $0xFFFF  }
0xbf: {  	[dreg:$0x0] =	wrdreg $0xFFFFFFFF;
	(pc) =	sbr.abs _section_cstart, $3  }
0xc0: {  	[dreg:$0x1] =	wrdreg $0xFFFFFFFF  }
0xc1: {  	_ =	task.clear_ibuf [dreg:s6], $0x2FFFF;
	_ =	strace $0x9FFFFFFF  }
0xc2: {  	(tm) =	ssettm $0x7FFFFFFF  }
0xc3: {  	_ =	shalt  }
tec
execute0_lowered:
.L_overlay_start_1:
0x0: {  	(tag) =	ssettag $0x1  }
0x1: {  	s0 =	rddreg [dreg:$0x0]  }
0x2: {  	s2 =	rddreg [dreg:$0x1]  }
0x3: {  	s1 =	srdreg.scid;
	s9 =	stileid.u32;
	s3 =	simm.s32 $0x0  }
0x4: {  	s1 =	sand.u32 $0x1, s1;
	s4 =	sshll.u32 s9, $0x1;
	s26 =	smul.u32 $0x14000, s9  }
0x5: {  	s5 =	sshrl.u32 s9, $0x2;
	[smem:$0x7FF] =	sst s3;
	s9 =	smul.u32 $0x50000, s9  }
0x6: {  	s4 =	sor.u32 s1, s4;
	s5 =	smul.u32 $0x14000, s5;
	_ =	strace $0x8000004A  }
0x7: {  	s8 =	smul.u32 $0x140000, s1;
	s1 =	ssub.s32 $0x2, s1;
	s6 =	sshll.u32 s4, $0x7  }
0x8: {  	s7 =	smul.u32 $0x2800, s4;
	s4 =	sadd.s32 $0x64C00, s0;
	s6 =	sand.u32 $0x380, s6  }
0x9: {  	s9 =	sshrl.u32 s9, $0x2;
	s11 =	sshrl.u32 s1, $0x1;
	s5 =	sor.u32 s5, s6  }
0xa: {  	s8 =	sadd.s32 s26, s8;
	s1 =	ssub.s32 s1, s11;
	s5 =	sshrl.u32 s5, $0x3  }
0xb: {  	s7 =	sshrl.u32 s7, $0x3;
	s10 =	sadd.s32 s5, s0;
	s5 =	sshrl.u32 s8, $0x3  }
0xc: {  	s7 =	sadd.s32 s7, s0;
	s0 =	sadd.s32 s5, s0;
	s12 =	sadd.s32 $0xAC00, s10  }
0xd: {  	s5 =	sadd.s32 s9, s2;
	s9 =	sadd.s32 $0x200, s7;
	[dreg:$0x3] =	wrdreg s12  }
0xe: {  	s10 =	smax.u32 s1, $0x1;
	[dreg:$0x13] =	wrdreg s9  }
0xf: {  	s13 =	sadd.s32 $0x800, s5;
	[dreg:$0x15] =	wrdreg s10  }
0x10: {  	s14 =	sadd.s32 $0x1000, s5;
	[dreg:$0x4] =	wrdreg s13  }
0x11: {  	s15 =	sadd.s32 $0x1800, s5;
	[dreg:$0x5] =	wrdreg s14  }
0x12: {  	s16 =	sadd.s32 $0x2000, s5;
	[dreg:$0x6] =	wrdreg s15  }
0x13: {  	s17 =	sadd.s32 $0x2800, s5;
	[dreg:$0x7] =	wrdreg s16  }
0x14: {  	s18 =	sadd.s32 $0x3000, s5;
	[dreg:$0x8] =	wrdreg s17  }
0x15: {  	s19 =	sadd.s32 $0x3800, s5;
	[dreg:$0x9] =	wrdreg s18  }
0x16: {  	s20 =	sadd.s32 $0x4000, s5;
	[dreg:$0xa] =	wrdreg s19  }
0x17: {  	s21 =	sadd.s32 $0x4800, s5;
	[dreg:$0xb] =	wrdreg s20  }
0x18: {  	s22 =	sadd.s32 $0x5000, s5;
	[dreg:$0xc] =	wrdreg s21  }
0x19: {  	s23 =	sadd.s32 $0x5800, s5;
	[dreg:$0xd] =	wrdreg s22  }
0x1a: {  	s24 =	sadd.s32 $0x6000, s5;
	[dreg:$0xe] =	wrdreg s23  }
0x1b: {  	s25 =	sadd.s32 $0x6800, s5;
	[dreg:$0xf] =	wrdreg s24  }
0x1c: {  	s26 =	sadd.s32 $0x7000, s5;
	[dreg:$0x10] =	wrdreg s25  }
0x1d: {  	s8 =	sadd.s32 $0x7800, s5;
	[dreg:$0x11] =	wrdreg s26  }
0x1e: {  	s0 =	sadd.s32 $0x14C00, s0;
	[dreg:$0x12] =	wrdreg s8  }
0x1f: {  	s11 =	sadd.s32 $0x8000, s5;
	[dreg:$0x14] =	wrdreg s0  }
0x20: {  	s12 =	sadd.s32 $0x8800, s5;
	[dreg:$0x16] =	wrdreg s11  }
0x21: {  	[dreg:$0x17] =	wrdreg s12;
	s13 =	sadd.s32 $0x9000, s5  }
0x22: {  	s14 =	sadd.s32 $0x9800, s5;
	[dreg:$0x18] =	wrdreg s13  }
0x23: {  	s15 =	sadd.s32 $0xA000, s5;
	[dreg:$0x19] =	wrdreg s14  }
0x24: {  	s16 =	sadd.s32 $0xA800, s5;
	[dreg:$0x1a] =	wrdreg s15  }
0x25: {  	s17 =	sadd.s32 $0xB000, s5;
	[dreg:$0x1b] =	wrdreg s16  }
0x26: {  	s28 =	simm.s32 $0x1BC00;
	s18 =	sadd.s32 $0xB800, s5;
	[dreg:$0x1c] =	wrdreg s17  }
0x27: {  	s29 =	simm.s32 $0x17C00;
	s19 =	sadd.s32 $0xC000, s5;
	[dreg:$0x1d] =	wrdreg s18  }
0x28: {  	s30 =	simm.s32 $0x5;
	s20 =	sadd.s32 $0xC800, s5;
	[dreg:$0x1e] =	wrdreg s19  }
0x29: {  	s31 =	simm.s32 $0x16800;
	s21 =	sadd.s32 $0xD000, s5;
	[dreg:$0x1f] =	wrdreg s20  }
0x2a: {  	s6 =	simm.s32 $0x3;
	s22 =	sadd.s32 $0xD800, s5;
	[smem:$0x7F9] =	sst s21  }
0x2b: {  	s1 =	simm.s32 $0x4;
	s24 =	sadd.s32 $0xE000, s5;
	[smem:$0x7FA] =	sst s22  }
0x2c: {  	s23 =	sadd.s32 $0x480, s7;
	s25 =	sadd.s32 $0xE800, s5;
	[smem:$0x7FB] =	sst s24  }
0x2d: {  	s26 =	sadd.s32 $0xF000, s5;
	s0 =	simm.s32 $0x2;
	[smem:$0x7FC] =	sst s25  }
.Ltmp0:
0x2e: {  	s7 =	simm.s32 $0x1;
	[smem:$0x7FD] =	sst s26;
	(pc) =	sbr.rel .LBB2_1-.Ltmp0, $4  }
0x2f: {  	s14 =	sadd.s32 $0xF800, s5;
	s15 =	sadd.s32 $0x10000, s5;
	s16 =	sadd.s32 $0x10800, s5  }
0x30: {  	s17 =	sadd.s32 $0x11000, s5;
	s18 =	sadd.s32 $0x11800, s5;
	s19 =	sadd.s32 $0x12000, s5  }
0x31: {  	s20 =	sadd.s32 $0x12800, s5;
	s21 =	sadd.s32 $0x13000, s5;
	s22 =	sadd.s32 $0x13800, s5  }
0x32: {  	v0 =	vimm.f32 $0.0e+00;
	s24 =	simm.s32 $0x80;
	s25 =	simm.s32 $0x14000;
	s26 =	simm.s32 $0x6  }
.LBB2_6:
0x33: {  	_ =	swait.ge [sflag:s6], $0x4000  }
0x34: {  	[sflag:s6] =	ssyncset.done $0x0  }
0x35: {  	s8 =	stileid.u32;
	[sflag:s6] =	ssyncadd.s32 $0xFFFFC000  }
0x36: {  	s8 =	sshll.u32 s8, $0x6;
	[bflag:$0x0] =	sbarrier.arrive $0xFFFF  }
0x37: {  	s9 =	sshrl.u32 s5, $0x3;
	s8 =	sor.u32 $0x1C06, s8;
	s10 =	rddreg [dreg:$0x14]  }
0x38: {  	[hbm:s10], [sflag:s8] =	dma.local [spmem:s9], $0x2800  }
0x39: {  	_ =	swait.ge [sflag:s26], $0x2800  }
0x3a: {  	s3 =	sadd.s32 $0x1, s3;
	s13 =	rddreg [dreg:$0x15]  }
0x3b: {  	p0 =	sne.s32 s3, s13  }
.Ltmp1:
0x3c: {  	_ = 	snop;
	(pc) =	sbr.rel @!p0 .LBB2_7-.Ltmp1, $3  }
0x3d: {  	_ =	sdelay $0x1  }
0x3e: {  	[sflag:s26] =	ssyncset.done $0x0  }
0x3f: {  	[sflag:s26] =	ssyncadd.s32 $0xFFFFD800  }
.LBB2_1:
0x40: {  	s8 =	rddreg [dreg:$0x3];
	s9 =	simm.s32 $0x400  }
0x41: {  	[tilespmem:s25], [sflag:$0x6] =	stream.strided.gather [hbm4b:s8+s24], $0x2800, s9, s24, $0x38;
	[tilespmem:$0x1FC00] =	vst v63  }
0x42: {  	_ =	swait.ge [sflag:s26], $0x2800  }
0x43: {  	[sflag:s26] =	ssyncset.done $0x0  }
0x44: {  	s8 =	simm.s32 $0x0;
	s9 =	simm.s32 $0x200;
	[sflag:s26] =	ssyncadd.s32 $0xFFFFD800  }
0x45: {  	[tilespmem:s28], [sflag:$0x2] =	stream.indirect.gather [hbm4b:s4+s24], $0x80, s25, s24, $0xb8;
	[tilespmem:$0x1FC00] =	vst v63  }
.LBB2_2:
0x46: {  	p0 =	sne.s32 s9, $0x1E00;
	[tilespmem:s8+$0x17C70] =	vst v0  }
0x47: {  	[tilespmem:s8+$0x17C00] =	vst v0  }
0x48: {  	[tilespmem:s8+$0x17C10] =	vst v0  }
.Ltmp2:
0x49: {  	[tilespmem:s8+$0x17C20] =	vst v0;
	(pc) =	sbr.rel @p0 .LBB2_2-.Ltmp2, $4  }
0x4a: {  	[tilespmem:s8+$0x17C30] =	vst v0  }
0x4b: {  	[tilespmem:s8+$0x17C40] =	vst v0  }
0x4c: {  	[tilespmem:s8+$0x17C50] =	vst v0  }
0x4d: {  	[tilespmem:s8+$0x17C60] =	vst v0;
	s8 =	sshra.s32 s9, $0x2;
	s9 =	sadd.s32 $0x200, s9  }
0x4e: {  	[tilespmem:s8+$0x17C70] =	vst v0  }
0x4f: {  	[tilespmem:s8+$0x17C00] =	vst v0  }
0x50: {  	[tilespmem:s8+$0x17C10] =	vst v0  }
0x51: {  	[tilespmem:s8+$0x17C20] =	vst v0  }
0x52: {  	[tilespmem:s8+$0x17C30] =	vst v0  }
0x53: {  	[tilespmem:s8+$0x17C40] =	vst v0  }
0x54: {  	[tilespmem:s8+$0x17C50] =	vst v0  }
0x55: {  	[tilespmem:s8+$0x17C60] =	vst v0;
	s10 =	rddreg [dreg:$0x4]  }
0x56: {  	[spmem:s5] =	stream.linear.scatter [tilespmem:s29], [sflag:$0x5], $0x800, $0x38;
	[tilespmem:$0x1FC00] =	vst v63  }
0x57: {  	s11 =	rddreg [dreg:$0x5]  }
0x58: {  	[spmem:s10] =	stream.linear.scatter [tilespmem:s29], [sflag:$0x5], $0x800, $0x38;
	[tilespmem:$0x1FC00] =	vst v63  }
0x59: {  	s12 =	rddreg [dreg:$0x6]  }
0x5a: {  	[spmem:s11] =	stream.linear.scatter [tilespmem:s29], [sflag:$0x5], $0x800, $0x38;
	[tilespmem:$0x1FC00] =	vst v63  }
0x5b: {  	s13 =	rddreg [dreg:$0x7]  }
0x5c: {  	[spmem:s12] =	stream.linear.scatter [tilespmem:s29], [sflag:$0x5], $0x800, $0x38;
	[tilespmem:$0x1FC00] =	vst v63  }
0x5d: {  	s9 =	rddreg [dreg:$0x8]  }
0x5e: {  	[spmem:s13] =	stream.linear.scatter [tilespmem:s29], [sflag:$0x5], $0x800, $0x38;
	[tilespmem:$0x1FC00] =	vst v63  }
0x5f: {  	s10 =	rddreg [dreg:$0x9]  }
0x60: {  	[spmem:s9] =	stream.linear.scatter [tilespmem:s29], [sflag:$0x5], $0x800, $0x38;
	[tilespmem:$0x1FC00] =	vst v63  }
0x61: {  	s11 =	rddreg [dreg:$0xa]  }
0x62: {  	[spmem:s10] =	stream.linear.scatter [tilespmem:s29], [sflag:$0x5], $0x800, $0x38;
	[tilespmem:$0x1FC00] =	vst v63  }
0x63: {  	s12 =	rddreg [dreg:$0xb]  }
0x64: {  	[spmem:s11] =	stream.linear.scatter [tilespmem:s29], [sflag:$0x5], $0x800, $0x38;
	[tilespmem:$0x1FC00] =	vst v63  }
0x65: {  	s13 =	rddreg [dreg:$0xc]  }
0x66: {  	[spmem:s12] =	stream.linear.scatter [tilespmem:s29], [sflag:$0x5], $0x800, $0x38;
	[tilespmem:$0x1FC00] =	vst v63  }
0x67: {  	s9 =	rddreg [dreg:$0xd]  }
0x68: {  	[spmem:s13] =	stream.linear.scatter [tilespmem:s29], [sflag:$0x5], $0x800, $0x38;
	[tilespmem:$0x1FC00] =	vst v63  }
0x69: {  	s10 =	rddreg [dreg:$0xe]  }
0x6a: {  	[spmem:s9] =	stream.linear.scatter [tilespmem:s29], [sflag:$0x5], $0x800, $0x38;
	[tilespmem:$0x1FC00] =	vst v63  }
0x6b: {  	s11 =	rddreg [dreg:$0xf]  }
0x6c: {  	[spmem:s10] =	stream.linear.scatter [tilespmem:s29], [sflag:$0x5], $0x800, $0x38;
	[tilespmem:$0x1FC00] =	vst v63  }
0x6d: {  	s12 =	rddreg [dreg:$0x10]  }
0x6e: {  	[spmem:s11] =	stream.linear.scatter [tilespmem:s29], [sflag:$0x5], $0x800, $0x38;
	[tilespmem:$0x1FC00] =	vst v63  }
0x6f: {  	s13 =	rddreg [dreg:$0x11]  }
0x70: {  	[spmem:s12] =	stream.linear.scatter [tilespmem:s29], [sflag:$0x5], $0x800, $0x38;
	[tilespmem:$0x1FC00] =	vst v63  }
0x71: {  	s9 =	rddreg [dreg:$0x12]  }
0x72: {  	[spmem:s13] =	stream.linear.scatter [tilespmem:s29], [sflag:$0x5], $0x800, $0x38;
	[tilespmem:$0x1FC00] =	vst v63  }
0x73: {  	s10 =	rddreg [dreg:$0x16]  }
0x74: {  	[spmem:s9] =	stream.linear.scatter [tilespmem:s29], [sflag:$0x5], $0x800, $0x38;
	[tilespmem:$0x1FC00] =	vst v63  }
0x75: {  	s11 =	rddreg [dreg:$0x17]  }
0x76: {  	[spmem:s10] =	stream.linear.scatter [tilespmem:s29], [sflag:$0x5], $0x800, $0x38;
	[tilespmem:$0x1FC00] =	vst v63  }
0x77: {  	s12 =	rddreg [dreg:$0x18]  }
0x78: {  	[spmem:s11] =	stream.linear.scatter [tilespmem:s29], [sflag:$0x5], $0x800, $0x38;
	[tilespmem:$0x1FC00] =	vst v63  }
0x79: {  	s13 =	rddreg [dreg:$0x19]  }
0x7a: {  	[spmem:s12] =	stream.linear.scatter [tilespmem:s29], [sflag:$0x5], $0x800, $0x38;
	[tilespmem:$0x1FC00] =	vst v63  }
0x7b: {  	s9 =	rddreg [dreg:$0x1a]  }
0x7c: {  	[spmem:s13] =	stream.linear.scatter [tilespmem:s29], [sflag:$0x5], $0x800, $0x38;
	[tilespmem:$0x1FC00] =	vst v63  }
0x7d: {  	s10 =	rddreg [dreg:$0x1b]  }
0x7e: {  	[spmem:s9] =	stream.linear.scatter [tilespmem:s29], [sflag:$0x5], $0x800, $0x38;
	[tilespmem:$0x1FC00] =	vst v63  }
0x7f: {  	s11 =	rddreg [dreg:$0x1c]  }
0x80: {  	[spmem:s10] =	stream.linear.scatter [tilespmem:s29], [sflag:$0x5], $0x800, $0x38;
	[tilespmem:$0x1FC00] =	vst v63  }
0x81: {  	s12 =	rddreg [dreg:$0x1d]  }
0x82: {  	[spmem:s11] =	stream.linear.scatter [tilespmem:s29], [sflag:$0x5], $0x800, $0x38;
	[tilespmem:$0x1FC00] =	vst v63  }
0x83: {  	s13 =	rddreg [dreg:$0x1e]  }
0x84: {  	[spmem:s12] =	stream.linear.scatter [tilespmem:s29], [sflag:$0x5], $0x800, $0x38;
	[tilespmem:$0x1FC00] =	vst v63  }
0x85: {  	s9 =	rddreg [dreg:$0x1f]  }
0x86: {  	[spmem:s13] =	stream.linear.scatter [tilespmem:s29], [sflag:$0x5], $0x800, $0x38;
	[tilespmem:$0x1FC00] =	vst v63  }
0x87: {  	s10 =	sld [smem:$0x7F9]  }
0x88: {  	[spmem:s9] =	stream.linear.scatter [tilespmem:s29], [sflag:$0x5], $0x800, $0x38;
	[tilespmem:$0x1FC00] =	vst v63  }
0x89: {  	s11 =	sld [smem:$0x7FA]  }
0x8a: {  	[spmem:s10] =	stream.linear.scatter [tilespmem:s29], [sflag:$0x5], $0x800, $0x38;
	[tilespmem:$0x1FC00] =	vst v63  }
0x8b: {  	s12 =	sld [smem:$0x7FB]  }
0x8c: {  	[spmem:s11] =	stream.linear.scatter [tilespmem:s29], [sflag:$0x5], $0x800, $0x38;
	[tilespmem:$0x1FC00] =	vst v63  }
0x8d: {  	s13 =	sld [smem:$0x7FC]  }
0x8e: {  	[spmem:s12] =	stream.linear.scatter [tilespmem:s29], [sflag:$0x5], $0x800, $0x38;
	[tilespmem:$0x1FC00] =	vst v63  }
0x8f: {  	s9 =	sld [smem:$0x7FD]  }
0x90: {  	[spmem:s13] =	stream.linear.scatter [tilespmem:s29], [sflag:$0x5], $0x800, $0x38;
	[tilespmem:$0x1FC00] =	vst v63  }
0x91: {  	_ = 	snop  }
0x92: {  	[spmem:s9] =	stream.linear.scatter [tilespmem:s29], [sflag:$0x5], $0x800, $0x38;
	[tilespmem:$0x1FC00] =	vst v63  }
0x93: {  	_ = 	snop  }
0x94: {  	[spmem:s14] =	stream.linear.scatter [tilespmem:s29], [sflag:$0x5], $0x800, $0x38;
	[tilespmem:$0x1FC00] =	vst v63  }
0x95: {  	_ = 	snop  }
0x96: {  	[spmem:s15] =	stream.linear.scatter [tilespmem:s29], [sflag:$0x5], $0x800, $0x38;
	[tilespmem:$0x1FC00] =	vst v63  }
0x97: {  	_ = 	snop  }
0x98: {  	[spmem:s16] =	stream.linear.scatter [tilespmem:s29], [sflag:$0x5], $0x800, $0x38;
	[tilespmem:$0x1FC00] =	vst v63  }
0x99: {  	_ = 	snop  }
0x9a: {  	[spmem:s17] =	stream.linear.scatter [tilespmem:s29], [sflag:$0x5], $0x800, $0x38;
	[tilespmem:$0x1FC00] =	vst v63  }
0x9b: {  	_ = 	snop  }
0x9c: {  	[spmem:s18] =	stream.linear.scatter [tilespmem:s29], [sflag:$0x5], $0x800, $0x38;
	[tilespmem:$0x1FC00] =	vst v63  }
0x9d: {  	_ = 	snop  }
0x9e: {  	[spmem:s19] =	stream.linear.scatter [tilespmem:s29], [sflag:$0x5], $0x800, $0x38;
	[tilespmem:$0x1FC00] =	vst v63  }
0x9f: {  	_ = 	snop  }
0xa0: {  	[spmem:s20] =	stream.linear.scatter [tilespmem:s29], [sflag:$0x5], $0x800, $0x38;
	[tilespmem:$0x1FC00] =	vst v63  }
0xa1: {  	_ = 	snop  }
0xa2: {  	[spmem:s21] =	stream.linear.scatter [tilespmem:s29], [sflag:$0x5], $0x800, $0x38;
	[tilespmem:$0x1FC00] =	vst v63  }
0xa3: {  	_ = 	snop  }
0xa4: {  	[spmem:s22] =	stream.linear.scatter [tilespmem:s29], [sflag:$0x5], $0x800, $0x38;
	[tilespmem:$0x1FC00] =	vst v63  }
0xa5: {  	_ =	swait.ge [sflag:s30], $0x800  }
0xa6: {  	[sflag:s30] =	ssyncset.done $0x0  }
0xa7: {  	[sflag:s30] =	ssyncadd.s32 $0xFFFFF800  }
0xa8: {  	_ =	swait.ge [sflag:s30], $0x800  }
0xa9: {  	[sflag:s30] =	ssyncset.done $0x0  }
0xaa: {  	[sflag:s30] =	ssyncadd.s32 $0xFFFFF800  }
0xab: {  	_ =	swait.ge [sflag:s30], $0x800  }
0xac: {  	[sflag:s30] =	ssyncset.done $0x0  }
0xad: {  	[sflag:s30] =	ssyncadd.s32 $0xFFFFF800  }
0xae: {  	_ =	swait.ge [sflag:s30], $0x800  }
0xaf: {  	[sflag:s30] =	ssyncset.done $0x0  }
0xb0: {  	[sflag:s30] =	ssyncadd.s32 $0xFFFFF800  }
0xb1: {  	_ =	swait.ge [sflag:s30], $0x800  }
0xb2: {  	[sflag:s30] =	ssyncset.done $0x0  }
0xb3: {  	[sflag:s30] =	ssyncadd.s32 $0xFFFFF800  }
0xb4: {  	_ =	swait.ge [sflag:s30], $0x800  }
0xb5: {  	[sflag:s30] =	ssyncset.done $0x0  }
0xb6: {  	[sflag:s30] =	ssyncadd.s32 $0xFFFFF800  }
0xb7: {  	_ =	swait.ge [sflag:s30], $0x800  }
0xb8: {  	[sflag:s30] =	ssyncset.done $0x0  }
0xb9: {  	[sflag:s30] =	ssyncadd.s32 $0xFFFFF800  }
0xba: {  	_ =	swait.ge [sflag:s30], $0x800  }
0xbb: {  	[sflag:s30] =	ssyncset.done $0x0  }
0xbc: {  	[sflag:s30] =	ssyncadd.s32 $0xFFFFF800  }
0xbd: {  	_ =	swait.ge [sflag:s30], $0x800  }
0xbe: {  	[sflag:s30] =	ssyncset.done $0x0  }
0xbf: {  	[sflag:s30] =	ssyncadd.s32 $0xFFFFF800  }
0xc0: {  	_ =	swait.ge [sflag:s30], $0x800  }
0xc1: {  	[sflag:s30] =	ssyncset.done $0x0  }
0xc2: {  	[sflag:s30] =	ssyncadd.s32 $0xFFFFF800  }
0xc3: {  	_ =	swait.ge [sflag:s30], $0x800  }
0xc4: {  	[sflag:s30] =	ssyncset.done $0x0  }
0xc5: {  	[sflag:s30] =	ssyncadd.s32 $0xFFFFF800  }
0xc6: {  	_ =	swait.ge [sflag:s30], $0x800  }
0xc7: {  	[sflag:s30] =	ssyncset.done $0x0  }
0xc8: {  	[sflag:s30] =	ssyncadd.s32 $0xFFFFF800  }
0xc9: {  	_ =	swait.ge [sflag:s30], $0x800  }
0xca: {  	[sflag:s30] =	ssyncset.done $0x0  }
0xcb: {  	[sflag:s30] =	ssyncadd.s32 $0xFFFFF800  }
0xcc: {  	_ =	swait.ge [sflag:s30], $0x800  }
0xcd: {  	[sflag:s30] =	ssyncset.done $0x0  }
0xce: {  	[sflag:s30] =	ssyncadd.s32 $0xFFFFF800  }
0xcf: {  	_ =	swait.ge [sflag:s30], $0x800  }
0xd0: {  	[sflag:s30] =	ssyncset.done $0x0  }
0xd1: {  	[sflag:s30] =	ssyncadd.s32 $0xFFFFF800  }
0xd2: {  	_ =	swait.ge [sflag:s30], $0x800  }
0xd3: {  	[sflag:s30] =	ssyncset.done $0x0  }
0xd4: {  	[sflag:s30] =	ssyncadd.s32 $0xFFFFF800  }
0xd5: {  	_ =	swait.ge [sflag:s30], $0x800  }
0xd6: {  	[sflag:s30] =	ssyncset.done $0x0  }
0xd7: {  	[sflag:s30] =	ssyncadd.s32 $0xFFFFF800  }
0xd8: {  	_ =	swait.ge [sflag:s30], $0x800  }
0xd9: {  	[sflag:s30] =	ssyncset.done $0x0  }
0xda: {  	[sflag:s30] =	ssyncadd.s32 $0xFFFFF800  }
0xdb: {  	_ =	swait.ge [sflag:s30], $0x800  }
0xdc: {  	[sflag:s30] =	ssyncset.done $0x0  }
0xdd: {  	[sflag:s30] =	ssyncadd.s32 $0xFFFFF800  }
0xde: {  	_ =	swait.ge [sflag:s30], $0x800  }
0xdf: {  	[sflag:s30] =	ssyncset.done $0x0  }
0xe0: {  	[sflag:s30] =	ssyncadd.s32 $0xFFFFF800  }
0xe1: {  	_ =	swait.ge [sflag:s30], $0x800  }
0xe2: {  	[sflag:s30] =	ssyncset.done $0x0  }
0xe3: {  	[sflag:s30] =	ssyncadd.s32 $0xFFFFF800  }
0xe4: {  	_ =	swait.ge [sflag:s30], $0x800  }
0xe5: {  	[sflag:s30] =	ssyncset.done $0x0  }
0xe6: {  	[sflag:s30] =	ssyncadd.s32 $0xFFFFF800  }
0xe7: {  	_ =	swait.ge [sflag:s30], $0x800  }
0xe8: {  	[sflag:s30] =	ssyncset.done $0x0  }
0xe9: {  	[sflag:s30] =	ssyncadd.s32 $0xFFFFF800  }
0xea: {  	_ =	swait.ge [sflag:s30], $0x800  }
0xeb: {  	[sflag:s30] =	ssyncset.done $0x0  }
0xec: {  	[sflag:s30] =	ssyncadd.s32 $0xFFFFF800  }
0xed: {  	_ =	swait.ge [sflag:s30], $0x800  }
0xee: {  	[sflag:s30] =	ssyncset.done $0x0  }
0xef: {  	[sflag:s30] =	ssyncadd.s32 $0xFFFFF800  }
0xf0: {  	_ =	swait.ge [sflag:s30], $0x800  }
0xf1: {  	[sflag:s30] =	ssyncset.done $0x0  }
0xf2: {  	[sflag:s30] =	ssyncadd.s32 $0xFFFFF800  }
0xf3: {  	_ =	swait.ge [sflag:s30], $0x800  }
0xf4: {  	[sflag:s30] =	ssyncset.done $0x0  }
0xf5: {  	[sflag:s30] =	ssyncadd.s32 $0xFFFFF800  }
0xf6: {  	_ =	swait.ge [sflag:s30], $0x800  }
0xf7: {  	[sflag:s30] =	ssyncset.done $0x0  }
0xf8: {  	[sflag:s30] =	ssyncadd.s32 $0xFFFFF800  }
0xf9: {  	_ =	swait.ge [sflag:s30], $0x800  }
0xfa: {  	[sflag:s30] =	ssyncset.done $0x0  }
0xfb: {  	[sflag:s30] =	ssyncadd.s32 $0xFFFFF800  }
0xfc: {  	_ =	swait.ge [sflag:s30], $0x800  }
0xfd: {  	[sflag:s30] =	ssyncset.done $0x0  }
0xfe: {  	[sflag:s30] =	ssyncadd.s32 $0xFFFFF800  }
0xff: {  	_ =	swait.ge [sflag:s30], $0x800  }
0x100: {  	[sflag:s30] =	ssyncset.done $0x0  }
0x101: {  	[sflag:s30] =	ssyncadd.s32 $0xFFFFF800  }
0x102: {  	_ =	swait.ge [sflag:s30], $0x800  }
0x103: {  	[sflag:s30] =	ssyncset.done $0x0  }
0x104: {  	[sflag:s30] =	ssyncadd.s32 $0xFFFFF800  }
0x105: {  	_ =	swait.ge [sflag:s30], $0x800  }
0x106: {  	[sflag:s30] =	ssyncset.done $0x0  }
0x107: {  	[sflag:s30] =	ssyncadd.s32 $0xFFFFF800  }
0x108: {  	_ =	swait.ge [sflag:s30], $0x800  }
0x109: {  	[sflag:s30] =	ssyncset.done $0x0  }
0x10a: {  	[sflag:s30] =	ssyncadd.s32 $0xFFFFF800  }
0x10b: {  	_ =	swait.ge [sflag:s30], $0x800  }
0x10c: {  	[sflag:s30] =	ssyncset.done $0x0  }
0x10d: {  	[sflag:s30] =	ssyncadd.s32 $0xFFFFF800  }
0x10e: {  	_ =	swait.ge [sflag:s30], $0x800  }
0x10f: {  	[sflag:s30] =	ssyncset.done $0x0  }
0x110: {  	[sflag:s30] =	ssyncadd.s32 $0xFFFFF800  }
0x111: {  	_ =	swait.ge [sflag:s30], $0x800  }
0x112: {  	[sflag:s30] =	ssyncset.done $0x0  }
0x113: {  	[sflag:s30] =	ssyncadd.s32 $0xFFFFF800  }
0x114: {  	_ =	swait.ge [sflag:s30], $0x800  }
0x115: {  	[sflag:s30] =	ssyncset.done $0x0  }
0x116: {  	[sflag:s30] =	ssyncadd.s32 $0xFFFFF800  }
0x117: {  	_ =	swait.ge [sflag:s30], $0x800  }
0x118: {  	[sflag:s30] =	ssyncset.done $0x0  }
0x119: {  	[sflag:s30] =	ssyncadd.s32 $0xFFFFF800  }
0x11a: {  	_ =	swait.ge [sflag:s30], $0x800  }
0x11b: {  	[sflag:s30] =	ssyncset.done $0x0  }
0x11c: {  	s12 =	simm.s32 $0x0;
	s10 =	rddreg [dreg:$0x13];
	[sflag:s30] =	ssyncadd.s32 $0xFFFFF800  }
0x11d: {  	[tilespmem:s31], [sflag:$0x6] =	stream.linear.gather [hbm4b:s10+s12], $0x1400, $0x38;
	[tilespmem:$0x1FC00] =	vst v63  }
0x11e: {  	_ =	swait.ge [sflag:s26], $0x1400  }
0x11f: {  	[sflag:s26] =	ssyncset.done $0x0  }
0x120: {  	[sflag:s26] =	ssyncadd.s32 $0xFFFFEC00  }
0x121: {  	s11 =	simm.s32 $0x14080;
	[bflag:$0x0] =	sbarrier.arrive $0xFFFF  }
0x122: {  	[tilespmem:s29], [sflag:$0x1] =	stream.indirect.gather [hbm4b:s4+s24], $0x80, s11, s24, $0xb8;
	[tilespmem:$0x1FC00] =	vst v63  }
0x123: {  	_ =	swait.ge [sflag:s0], $0x4000  }
0x124: {  	[sflag:s0] =	ssyncset.done $0x0  }
0x125: {  	s8 =	simm.s32 $0x1;
	[sflag:s0] =	ssyncadd.s32 $0xFFFFC000  }
0x126: {  	[spmem:s2] =	stream.indirect.scatter.add.f32 [tilespmem:s28], [sflag:$0x4], $0x80, s31, s24, $0xb8;
	[tilespmem:$0x1FC00] =	vst v63  }
0x127: {  	_ =	swait.ge [sflag:s8], $0x4000  }
0x128: {  	[sflag:s8] =	ssyncset.done $0x0  }
0x129: {  	[sflag:s8] =	ssyncadd.s32 $0xFFFFC000  }
0x12a: {  	_ =	swait.ge [sflag:s1], $0x4000  }
0x12b: {  	[sflag:s1] =	ssyncset.done $0x0  }
0x12c: {  	s9 =	simm.s32 $0x16880;
	[sflag:s1] =	ssyncadd.s32 $0xFFFFC000  }
0x12d: {  	[spmem:s2] =	stream.indirect.scatter.add.f32 [tilespmem:s29], [sflag:$0x3], $0x80, s9, s24, $0xb8;
	[tilespmem:$0x1FC00] =	vst v63  }
0x12e: {  	s13 =	simm.s32 $0x14100;
	s10 =	simm.s32 $0x3  }
0x12f: {  	[tilespmem:s28], [sflag:$0x2] =	stream.indirect.gather [hbm4b:s4+s24], $0x80, s13, s24, $0xb8;
	[tilespmem:$0x1FC00] =	vst v63  }
.LBB2_4:
0x130: {  	_ =	swait.ge [sflag:s6], $0x4000  }
0x131: {  	s9 =	smov.u32 s12;
	p0 =	sne.s32 s12, $0x4C00;
	[sflag:s6] =	ssyncset.done $0x0  }
0x132: {  	s11 =	simm.s32 @!p0 $0x0;
	s12 =	simm.s32 @!p0 $0x16800;
	[sflag:s6] =	ssyncadd.s32 $0xFFFFC000  }
0x133: {  	[tilespmem:s12], [sflag:$0x6] =	stream.linear.gather @!p0 [hbm4b:s23+s11], $0x1400, $0x38;
	[tilespmem:$0x1FC00] =	vst v63  }
0x134: {  	s12 =	simm.s32 @!p0 $0x6  }
0x135: {  	_ =	swait.ge @!p0 [sflag:s12], $0x1400  }
0x136: {  	s11 =	sshra.s32 s9, $0x2;
	[sflag:s12] =	ssyncset.done @!p0 $0x0  }
0x137: {  	s13 =	sadd.s32 $0x14180, s11;
	[sflag:s12] =	ssyncadd.s32 @!p0 $0xFFFFEC00  }
0x138: {  	[tilespmem:s29], [sflag:$0x1] =	stream.indirect.gather [hbm4b:s4+s24], $0x80, s13, s24, $0xb8;
	[tilespmem:$0x1FC00] =	vst v63  }
0x139: {  	p0 =	slt.u32 s8, $0x14;
	s12 =	sadd.s32 $0x400, s9;
	s13 =	sadd.s32 $0xFFFFB400, s9  }
0x13a: {  	_ =	swait.ge [sflag:s0], $0x4000;
	s13 =	smov.u32 @p0 s12  }
0x13b: {  	[sflag:s0] =	ssyncset.done $0x0;
	s13 =	sshra.s32 s13, $0x2  }
0x13c: {  	[sflag:s0] =	ssyncadd.s32 $0xFFFFC000;
	s13 =	sadd.s32 $0x16800, s13  }
0x13d: {  	[spmem:s2] =	stream.indirect.scatter.add.f32 [tilespmem:s28], [sflag:$0x4], $0x80, s13, s24, $0xb8;
	[tilespmem:$0x1FC00] =	vst v63  }
0x13e: {  	s13 =	sadd.s32 $0xFFFFFFD8, s10;
	_ =	swait.ge [sflag:s7], $0x4000  }
0x13f: {  	s13 =	smov.u32 @p0 s10;
	p0 =	seq.s32 s9, $0x9800;
	[sflag:s7] =	ssyncset.done $0x0  }
.Ltmp3:
0x140: {  	[sflag:s7] =	ssyncadd.s32 $0xFFFFC000;
	(pc) =	sbr.rel @p0 .LBB2_6-.Ltmp3, $4  }
0x141: {  	s13 =	sshll.u32 s13, $0x7;
	_ =	swait.ge [sflag:s1], $0x4000  }
0x142: {  	s13 =	sand.u32 $0x3FFFFF80, s13;
	[sflag:s1] =	ssyncset.done $0x0  }
0x143: {  	s13 =	sadd.s32 $0x16800, s13;
	[sflag:s1] =	ssyncadd.s32 $0xFFFFC000  }
0x144: {  	[spmem:s2] =	stream.indirect.scatter.add.f32 [tilespmem:s29], [sflag:$0x3], $0x80, s13, s24, $0xb8;
	[tilespmem:$0x1FC00] =	vst v63  }
.Ltmp4:
0x145: {  	(pc) =	sbr.rel .LBB2_4-.Ltmp4, $3  }
0x146: {  	_ =	sdelay $0x1  }
0x147: {  	s9 =	sadd.s32 $0x14200, s11;
	s8 =	sadd.s32 $0x1, s8;
	s10 =	sadd.s32 $0x2, s10  }
0x148: {  	[tilespmem:s28], [sflag:$0x2] =	stream.indirect.gather [hbm4b:s4+s24], $0x80, s9, s24, $0xb8;
	[tilespmem:$0x1FC00] =	vst v63  }
.LBB2_7:
0x149: {  	_ =	sfence.sel $0x180000  }
0x14a: {  	[bflag:$0x0] =	sbarrier.arrive $0xFFFF  }
0x14b: {  	_ =	strace $0x9000004A  }
0x14c: {  	s0 =	stileid.u32;
	[bflag:$0x2] =	sbarrier.arrive $0xFFFF  }
0x14d: {  	p0 =	sne.s32 s0, $0x0;
	s0 =	rddreg [dreg:$0x2]  }
0x14e: {  	s0 =	sadd.s32 @!p0 $0x100000, s0  }
0x14f: {  	[sflag:s0] =	ssyncadd.tile.s32 @!p0 $0x1;
	_ =	shalt  }
.Lfunc_end2:
_tile_overlayer_lowered:
.L_overlay_start_2:
0x150: {  	(tag) =	ssettag $0x2  }
0x151: {  	s0 =	rddreg [dreg:$0x0];
	s2 =	stileid.u32  }
0x152: {  	s1 =	rddreg [dreg:$0x1];
	p0 =	sne.s32 s2, $0x0  }
0x153: {  	s3 =	rddreg [dreg:$0x2];
	[bflag:$0x3] =	sbarrier.arrive $0xFFFF;
	s2 =	simm.s32 @!p0 $0x1C06  }
0x154: {  	[timem:s3], [sflag:s2] =	dma.local @!p0 [hbm:s0], s1  }
0x155: {  	s0 =	simm.s32 @!p0 $0x6  }
0x156: {  	_ =	swait.ge @!p0 [sflag:s0], s1  }
0x157: {  	s1 =	ssub.s32 @!p0 $0x0, s1;
	[sflag:s0] =	ssyncset.done @!p0 $0x0  }
0x158: {  	[sflag:s0] =	ssyncadd.s32 @!p0 s1  }
0x159: {  	[bflag:$0x3] =	sbarrier.arrive $0xFFFF  }
0x15a: {  	_ =	shalt  }

</sc_bundles>
